<compile_context>
chip_gen: v7x
topology: tpu7x:2x2x1
jax: 0.10.2.dev20260603
libtpu: 0.0.44.dev20260713+nightly
codegen_flags: <defaults>
</compile_context>

<pallas_src>
import functools

import jax
import jax.numpy as jnp
from jax import lax
from jax.experimental import pallas as pl
from jax.experimental.pallas import tpu as pltpu
from jax.experimental.pallas import tpu_sc as plsc

N = 10000
C = 128
KNN = 20
NP_ = 10240
RB = 128
NBLK = NP_ // RB
NEG = -3.0e38

NW = 32
PW = NP_ // NW
CHP = 32
NCHUNK = PW // CHP
IR = CHP * KNN // 128


def _k1_body(xb_ref, xp_ref, wdT_ref, w2T_ref,
             idx_ref, aT_ref, bT_ref, xx_ref):
    i = pl.program_id(0)
    xTb = jnp.transpose(xb_ref[...])
    aT_ref[...] = jnp.dot(xTb, wdT_ref[...], preferred_element_type=jnp.float32)
    bT_ref[...] = jnp.dot(xTb, w2T_ref[...], preferred_element_type=jnp.float32)

    @pl.when(i == 0)
    def _():
        xp = xp_ref[...]
        colpad = lax.broadcasted_iota(jnp.int32, (1, NP_), 1) >= N
        xx_ref[0:1, :] = (jnp.sum(xp * xp, axis=0, keepdims=True)
                          + jnp.where(colpad, 1e37, 0.0))

    xx = xx_ref[0:1, :]
    own = jnp.sum(xTb * xTb, axis=1, keepdims=True)
    colio = lax.broadcasted_iota(jnp.int32, (RB, NP_), 1)
    s = 2.0 * jnp.dot(xTb, xp_ref[...], preferred_element_type=jnp.float32)
    s = s - xx - own
    m = jnp.max(s, axis=1, keepdims=True)

    for t in range(KNN):
        eq = s == m
        am = jnp.min(jnp.where(eq, colio, NP_), axis=1, keepdims=True)
        idx_ref[:, pl.ds(t, 1)] = am
        s = jnp.where(eq, NEG, s)
        m = jnp.max(s, axis=1, keepdims=True)


def _k1(xp, wdT, w2T):
    return pl.pallas_call(
        _k1_body,
        grid=(NBLK,),
        in_specs=[
            pl.BlockSpec((C, RB), lambda i: (0, i)),
            pl.BlockSpec((C, NP_), lambda i: (0, 0)),
            pl.BlockSpec((C, C), lambda i: (0, 0)),
            pl.BlockSpec((C, C), lambda i: (0, 0)),
        ],
        out_specs=[
            pl.BlockSpec((RB, KNN), lambda i: (i, 0)),
            pl.BlockSpec((RB, C), lambda i: (i, 0)),
            pl.BlockSpec((RB, C), lambda i: (i, 0)),
        ],
        out_shape=[
            jax.ShapeDtypeStruct((NP_, KNN), jnp.int32),
            jax.ShapeDtypeStruct((NP_, C), jnp.float32),
            jax.ShapeDtypeStruct((NP_, C), jnp.float32),
        ],
        scratch_shapes=[
            pltpu.VMEM((8, NP_), jnp.float32),
        ],
    )(xp, xp, wdT, w2T)


def _k2_sc_body(idx_hbm, bT_hbm, m_hbm, s_hbm, s2_hbm,
                idx_v, rows_v, m_v, s_v, s2_v, sem):
    wid = lax.axis_index("s") * 2 + lax.axis_index("c")

    def chunk_body(ch, carry):
        pt0 = wid * PW + ch * CHP
        pltpu.sync_copy(idx_hbm.at[pl.ds(pt0 * KNN, CHP * KNN)], idx_v)
        copies = [
            pltpu.async_copy(bT_hbm.at[idx_v.at[pl.ds(r * 128, 128)]],
                             rows_v.at[pl.ds(r * 128, 128)], sem)
            for r in range(IR)
        ]
        for cp in copies:
            cp.wait()

        def p_body(p, carry2):
            r0 = p * KNN
            for g in range(8):
                sl = pl.ds(g * 16, 16)
                v = rows_v[r0, sl]
                mx = v
                sm = v
                sq = v * v
                for j in range(1, KNN):
                    v = rows_v[r0 + j, sl]
                    mx = jnp.maximum(mx, v)
                    sm = sm + v
                    sq = sq + v * v
                m_v[p, sl] = mx
                s_v[p, sl] = sm
                s2_v[p, sl] = sq
            return carry2

        lax.fori_loop(0, CHP, p_body, 0)
        pltpu.sync_copy(m_v, m_hbm.at[pl.ds(pt0, CHP)])
        pltpu.sync_copy(s_v, s_hbm.at[pl.ds(pt0, CHP)])
        pltpu.sync_copy(s2_v, s2_hbm.at[pl.ds(pt0, CHP)])
        return carry

    lax.fori_loop(0, NCHUNK, chunk_body, 0)


def _k2(idx1d, bT):
    mesh = plsc.VectorSubcoreMesh(core_axis_name="c", subcore_axis_name="s")
    f = functools.partial(
        pl.kernel,
        out_type=[
            jax.ShapeDtypeStruct((NP_, C), jnp.float32),
            jax.ShapeDtypeStruct((NP_, C), jnp.float32),
            jax.ShapeDtypeStruct((NP_, C), jnp.float32),
        ],
        mesh=mesh,
        scratch_types=[
            pltpu.VMEM((CHP * KNN,), jnp.int32),
            pltpu.VMEM((CHP * KNN, C), jnp.float32),
            pltpu.VMEM((CHP, C), jnp.float32),
            pltpu.VMEM((CHP, C), jnp.float32),
            pltpu.VMEM((CHP, C), jnp.float32),
            pltpu.SemaphoreType.DMA,
        ],
    )(_k2_sc_body)
    return f(idx1d, bT)


def _k34_body(aT_ref, s_ref, s2_ref, mg_ref, p_ref, out_ref, t_ref):
    ph = pl.program_id(0)
    i = pl.program_id(1)

    @pl.when((ph == 0) & (i == 0))
    def _():
        t_ref[...] = jnp.zeros_like(t_ref)

    @pl.when(ph == 0)
    def _():
        rowio = lax.broadcasted_iota(jnp.int32, (RB, 1), 0)
        mask = (i * RB + rowio) < N
        a = jnp.where(mask, aT_ref[...], 0.0)
        s = jnp.where(mask, s_ref[...], 0.0)
        s2 = jnp.where(mask, s2_ref[...], 0.0)
        t_ref[0:1, :] += jnp.sum(KNN * a + s, axis=0, keepdims=True)
        t_ref[1:2, :] += jnp.sum(KNN * a * a + 2.0 * a * s + s2,
                                 axis=0, keepdims=True)

    @pl.when(ph == 1)
    def _():
        cnt = float(N * KNN)
        mean = t_ref[0:1, :] / cnt
        var = t_ref[1:2, :] / cnt - mean * mean
        scale = p_ref[0:1, :] * lax.rsqrt(var + 1e-5)
        shift = p_ref[1:2, :] - mean * scale
        r = (aT_ref[...] + mg_ref[...]) * scale + shift
        out_ref[...] = jnp.transpose(jnp.where(r > 0, r, 0.2 * r))


def _k34(aT, S, S2, M, P):
    blk = pl.BlockSpec((RB, C), lambda p, i: (i, 0))
    return pl.pallas_call(
        _k34_body,
        grid=(2, NBLK),
        in_specs=[blk, blk, blk, blk,
                  pl.BlockSpec((8, C), lambda p, i: (0, 0))],
        out_specs=pl.BlockSpec((C, RB), lambda p, i: (0, i)),
        out_shape=jax.ShapeDtypeStruct((C, NP_), jnp.float32),
        scratch_shapes=[pltpu.VMEM((8, C), jnp.float32)],
    )(aT, S, S2, M, P)


def kernel(x, W, gamma, beta):
    x2 = x[0]
    xp = jnp.pad(x2, ((0, 0), (0, NP_ - N)))
    W1 = W[:, :C]
    W2 = W[:, C:]
    wdT = (W1 - W2).T
    w2T = W2.T

    idx, aT, bT = _k1(xp, wdT, w2T)
    M, S, S2 = _k2(idx.reshape(-1), bT)
    P = jnp.zeros((8, C), jnp.float32).at[0].set(gamma).at[1].set(beta)
    out = _k34(aT, S, S2, M, P)
    return out[:, :N][None]

# --- scband reference (transcript-rebuilt; emitter-appended) ---
"""Pipeline reference for scband-edge-conv-58394375356471 (READ-ONLY COPY).

The authoritative reference and input builder live on the scoring server;
editing this copy changes nothing except your own understanding.
"""

import jax, jax.numpy as jnp
import numpy as np

K = 20

def setup_inputs(seed: int = 0) -> dict:
    key = jax.random.key(seed)
    k1, k2 = jax.random.split(key, 2)
    x = jax.random.normal(k1, (1, 128, 10000), dtype=jnp.float32)
    # 1x1 Conv2d weight (out_channels, in_channels*2), no bias
    W = jax.random.normal(k2, (128, 256), dtype=jnp.float32) * 0.05
    gamma = jnp.ones((128,), dtype=jnp.float32)
    beta = jnp.zeros((128,), dtype=jnp.float32)
    return {"x": x, "W": W, "gamma": gamma, "beta": beta}

def _knn(x, k):
    inner = -2.0 * jnp.einsum('bcn,bcm->bnm', x, x)
    xx = jnp.sum(x ** 2, axis=1, keepdims=True)
    dist = -xx - inner - jnp.transpose(xx, (0, 2, 1))
    _, idx = jax.lax.top_k(dist, k)
    return idx

def _edge_features(x, idx):
    B, C, N = x.shape
    k = idx.shape[2]
    idx_flat = idx.reshape(B, 1, N * k)
    idx_b = jnp.broadcast_to(idx_flat, (B, C, N * k))
    neighbors = jnp.take_along_axis(x, idx_b, axis=2).reshape(B, C, N, k)
    center = jnp.broadcast_to(x[..., None], (B, C, N, k))
    return jnp.concatenate([center, neighbors - center], axis=1)

def reference(x, W, gamma, beta):
    idx = _knn(x, K)
    edge = _edge_features(x, idx)  # (B, 2C, N, k)
    out = jnp.einsum('oc,bcnk->bonk', W, edge)  # 1x1 conv, no bias
    # BatchNorm2d in training mode: batch statistics over (B, N, k)
    mean = jnp.mean(out, axis=(0, 2, 3), keepdims=True)
    var = jnp.var(out, axis=(0, 2, 3), keepdims=True)
    out = (out - mean) / jnp.sqrt(var + 1e-5)
    out = out * gamma[None, :, None, None] + beta[None, :, None, None]
    # LeakyReLU(0.2)
    out = jnp.where(out > 0, out, 0.2 * out)
    # max pool over neighbors
    return jnp.max(out, axis=-1)

if __name__ == "__main__":
    import jax
    _d = setup_inputs()
    print(jax.jit(kernel)(*tuple(_d.values())))

</pallas_src>

<mosaic_0001>
#map = affine_map<(d0, d1) -> (0)>
#map1 = affine_map<(d0, d1) -> (0, 0)>
module attributes {stable_mosaic.version = 14 : i64} {
  func.func @_k2_sc_body(%arg0: i32, %arg1: i32, %arg2: memref<204800xi32, #tpu.memory_space<hbm>>, %arg3: memref<10240x128xf32, #tpu.memory_space<hbm>>, %arg4: memref<10240x128xf32, #tpu.memory_space<hbm>>, %arg5: memref<10240x128xf32, #tpu.memory_space<hbm>>, %arg6: memref<10240x128xf32, #tpu.memory_space<hbm>>, %arg7: memref<640xi32, #tpu.memory_space<vmem>>, %arg8: memref<640x128xf32, #tpu.memory_space<vmem>>, %arg9: memref<32x128xf32, #tpu.memory_space<vmem>>, %arg10: memref<32x128xf32, #tpu.memory_space<vmem>>, %arg11: memref<32x128xf32, #tpu.memory_space<vmem>>, %arg12: memref<!tpu.dma_semaphore, #tpu.memory_space<semaphore_mem>>) attributes {dimension_semantics = [#tpu.dimension_semantics<core_parallel>, #tpu.dimension_semantics<subcore_parallel>], iteration_bounds = array<i64: 2, 16>, scalar_prefetch = 0 : i64, scratch_operands = 6 : i64, tpu.core_type = #tpu.core_type<sc_vector_subcore>, window_params = [{transform_indices = #map}, {transform_indices = #map1}, {transform_indices = #map1}, {transform_indices = #map1}, {transform_indices = #map1}]} {
    %mul3A = arith.constant 2 : i32
    %mul3A_0 = arith.muli %arg1, %mul3A : i32
    %add3A = arith.addi %mul3A_0, %arg0 : i32
    %scan3A = arith.constant 0 : i32
    %scan3A_1 = arith.constant 0 : i32
    %scan3A_2 = arith.constant 10 : i32
    %scan3A_3 = arith.addi %scan3A_1, %scan3A_2 : i32
    %scan3A_4 = arith.constant 1 : i32
    scf.for %scan3A_6 = %scan3A_1 to %scan3A_3 step %scan3A_4  : i32 {
      %mul3A_7 = arith.constant 320 : i32
      %mul3A_8 = arith.muli %add3A, %mul3A_7 : i32
      %mul3A_9 = arith.constant 32 : i32
      %mul3A_10 = arith.muli %scan3A_6, %mul3A_9 : i32
      %add3A_11 = arith.addi %mul3A_8, %mul3A_10 : i32
      %mul3A_12 = arith.constant 20 : i32
      %mul3A_13 = arith.muli %add3A_11, %mul3A_12 : i32
      "tpu.region"() ({
        %run_scoped3A = tpu.sem_alloc : memref<!tpu.dma_semaphore, #tpu.memory_space<semaphore_mem>>
        %dma_start3A_98 = tpu.memref_slice %arg2[%mul3A_13] : memref<204800xi32, #tpu.memory_space<hbm>> -> memref<640xi32, #tpu.memory_space<hbm>>
        %dma_start3A_99 = tpu.memref_slice %arg2[%mul3A_13] : memref<204800xi32, #tpu.memory_space<hbm>> -> memref<640xi32, #tpu.memory_space<hbm>>
        tpu.enqueue_dma source(%dma_start3A_99 : memref<640xi32, #tpu.memory_space<hbm>>) target(%arg7 : memref<640xi32, #tpu.memory_space<vmem>>) target_semaphore(%run_scoped3A : memref<!tpu.dma_semaphore, #tpu.memory_space<semaphore_mem>>)
        %dma_wait3A_100 = tpu.memref_slice %arg2[%mul3A_13] : memref<204800xi32, #tpu.memory_space<hbm>> -> memref<640xi32, #tpu.memory_space<hbm>>
        %dma_wait3A_101 = tpu.memref_slice %arg2[%mul3A_13] : memref<204800xi32, #tpu.memory_space<hbm>> -> memref<640xi32, #tpu.memory_space<hbm>>
        tpu.wait_dma2 semaphore(%run_scoped3A : memref<!tpu.dma_semaphore, #tpu.memory_space<semaphore_mem>>) src(%dma_wait3A_101 : memref<640xi32, #tpu.memory_space<hbm>>) dst(%arg7 : memref<640xi32, #tpu.memory_space<vmem>>)
        tpu.yield
      }) : () -> ()
      %dma_start3A = arith.constant 0 : i32
      %dma_start3A_14 = arith.constant 0 : i32
      %dma_start3A_15 = tpu.memref_slice %arg8[%dma_start3A, %dma_start3A_14] : memref<640x128xf32, #tpu.memory_space<vmem>> -> memref<128x128xf32, #tpu.memory_space<vmem>>
      %dma_start3A_16 = arith.constant 0 : i32
      %dma_start3A_17 = tpu.memref_slice %arg7[%dma_start3A_16] : memref<640xi32, #tpu.memory_space<vmem>> -> memref<128xi32, #tpu.memory_space<vmem>>
      %dma_start3A_18 = arith.constant 0 : i32
      %dma_start3A_19 = arith.constant 0 : i32
      %dma_start3A_20 = tpu.memref_slice %arg3[%dma_start3A_18, %dma_start3A_19] : memref<10240x128xf32, #tpu.memory_space<hbm>> -> memref<10240x128xf32, #tpu.memory_space<hbm>>
      tpu.enqueue_indirect_dma source(%dma_start3A_20 : memref<10240x128xf32, #tpu.memory_space<hbm>>) target(%dma_start3A_15 : memref<128x128xf32, #tpu.memory_space<vmem>>) offsets(%dma_start3A_17 : memref<128xi32, #tpu.memory_space<vmem>>) semaphore(%arg12 : memref<!tpu.dma_semaphore, #tpu.memory_space<semaphore_mem>>)
      %dma_start3A_21 = arith.constant 128 : i32
      %dma_start3A_22 = arith.constant 0 : i32
      %dma_start3A_23 = tpu.memref_slice %arg8[%dma_start3A_21, %dma_start3A_22] : memref<640x128xf32, #tpu.memory_space<vmem>> -> memref<128x128xf32, #tpu.memory_space<vmem>>
      %dma_start3A_24 = arith.constant 128 : i32
      %dma_start3A_25 = tpu.memref_slice %arg7[%dma_start3A_24] : memref<640xi32, #tpu.memory_space<vmem>> -> memref<128xi32, #tpu.memory_space<vmem>>
      %dma_start3A_26 = arith.constant 0 : i32
      %dma_start3A_27 = arith.constant 0 : i32
      %dma_start3A_28 = tpu.memref_slice %arg3[%dma_start3A_26, %dma_start3A_27] : memref<10240x128xf32, #tpu.memory_space<hbm>> -> memref<10240x128xf32, #tpu.memory_space<hbm>>
      tpu.enqueue_indirect_dma source(%dma_start3A_28 : memref<10240x128xf32, #tpu.memory_space<hbm>>) target(%dma_start3A_23 : memref<128x128xf32, #tpu.memory_space<vmem>>) offsets(%dma_start3A_25 : memref<128xi32, #tpu.memory_space<vmem>>) semaphore(%arg12 : memref<!tpu.dma_semaphore, #tpu.memory_space<semaphore_mem>>)
      %dma_start3A_29 = arith.constant 256 : i32
      %dma_start3A_30 = arith.constant 0 : i32
      %dma_start3A_31 = tpu.memref_slice %arg8[%dma_start3A_29, %dma_start3A_30] : memref<640x128xf32, #tpu.memory_space<vmem>> -> memref<128x128xf32, #tpu.memory_space<vmem>>
      %dma_start3A_32 = arith.constant 256 : i32
      %dma_start3A_33 = tpu.memref_slice %arg7[%dma_start3A_32] : memref<640xi32, #tpu.memory_space<vmem>> -> memref<128xi32, #tpu.memory_space<vmem>>
      %dma_start3A_34 = arith.constant 0 : i32
      %dma_start3A_35 = arith.constant 0 : i32
      %dma_start3A_36 = tpu.memref_slice %arg3[%dma_start3A_34, %dma_start3A_35] : memref<10240x128xf32, #tpu.memory_space<hbm>> -> memref<10240x128xf32, #tpu.memory_space<hbm>>
      tpu.enqueue_indirect_dma source(%dma_start3A_36 : memref<10240x128xf32, #tpu.memory_space<hbm>>) target(%dma_start3A_31 : memref<128x128xf32, #tpu.memory_space<vmem>>) offsets(%dma_start3A_33 : memref<128xi32, #tpu.memory_space<vmem>>) semaphore(%arg12 : memref<!tpu.dma_semaphore, #tpu.memory_space<semaphore_mem>>)
      %dma_start3A_37 = arith.constant 384 : i32
      %dma_start3A_38 = arith.constant 0 : i32
      %dma_start3A_39 = tpu.memref_slice %arg8[%dma_start3A_37, %dma_start3A_38] : memref<640x128xf32, #tpu.memory_space<vmem>> -> memref<128x128xf32, #tpu.memory_space<vmem>>
      %dma_start3A_40 = arith.constant 384 : i32
      %dma_start3A_41 = tpu.memref_slice %arg7[%dma_start3A_40] : memref<640xi32, #tpu.memory_space<vmem>> -> memref<128xi32, #tpu.memory_space<vmem>>
      %dma_start3A_42 = arith.constant 0 : i32
      %dma_start3A_43 = arith.constant 0 : i32
      %dma_start3A_44 = tpu.memref_slice %arg3[%dma_start3A_42, %dma_start3A_43] : memref<10240x128xf32, #tpu.memory_space<hbm>> -> memref<10240x128xf32, #tpu.memory_space<hbm>>
      tpu.enqueue_indirect_dma source(%dma_start3A_44 : memref<10240x128xf32, #tpu.memory_space<hbm>>) target(%dma_start3A_39 : memref<128x128xf32, #tpu.memory_space<vmem>>) offsets(%dma_start3A_41 : memref<128xi32, #tpu.memory_space<vmem>>) semaphore(%arg12 : memref<!tpu.dma_semaphore, #tpu.memory_space<semaphore_mem>>)
      %dma_start3A_45 = arith.constant 512 : i32
      %dma_start3A_46 = arith.constant 0 : i32
      %dma_start3A_47 = tpu.memref_slice %arg8[%dma_start3A_45, %dma_start3A_46] : memref<640x128xf32, #tpu.memory_space<vmem>> -> memref<128x128xf32, #tpu.memory_space<vmem>>
      %dma_start3A_48 = arith.constant 512 : i32
      %dma_start3A_49 = tpu.memref_slice %arg7[%dma_start3A_48] : memref<640xi32, #tpu.memory_space<vmem>> -> memref<128xi32, #tpu.memory_space<vmem>>
      %dma_start3A_50 = arith.constant 0 : i32
      %dma_start3A_51 = arith.constant 0 : i32
      %dma_start3A_52 = tpu.memref_slice %arg3[%dma_start3A_50, %dma_start3A_51] : memref<10240x128xf32, #tpu.memory_space<hbm>> -> memref<10240x128xf32, #tpu.memory_space<hbm>>
      tpu.enqueue_indirect_dma source(%dma_start3A_52 : memref<10240x128xf32, #tpu.memory_space<hbm>>) target(%dma_start3A_47 : memref<128x128xf32, #tpu.memory_space<vmem>>) offsets(%dma_start3A_49 : memref<128xi32, #tpu.memory_space<vmem>>) semaphore(%arg12 : memref<!tpu.dma_semaphore, #tpu.memory_space<semaphore_mem>>)
      %dma_wait3A = arith.constant 0 : i32
      %dma_wait3A_53 = arith.constant 0 : i32
      %dma_wait3A_54 = tpu.memref_slice %arg8[%dma_wait3A, %dma_wait3A_53] : memref<640x128xf32, #tpu.memory_space<vmem>> -> memref<128x128xf32, #tpu.memory_space<vmem>>
      %dma_wait3A_55 = arith.constant 0 : i32
      %dma_wait3A_56 = tpu.memref_slice %arg7[%dma_wait3A_55] : memref<640xi32, #tpu.memory_space<vmem>> -> memref<128xi32, #tpu.memory_space<vmem>>
      %dma_wait3A_57 = arith.constant 0 : i32
      %dma_wait3A_58 = arith.constant 0 : i32
      %dma_wait3A_59 = tpu.memref_slice %arg3[%dma_wait3A_57, %dma_wait3A_58] : memref<10240x128xf32, #tpu.memory_space<hbm>> -> memref<10240x128xf32, #tpu.memory_space<hbm>>
      tpu.wait_indirect_dma semaphore(%arg12 : memref<!tpu.dma_semaphore, #tpu.memory_space<semaphore_mem>>) src(%dma_wait3A_59 : memref<10240x128xf32, #tpu.memory_space<hbm>>) dst(%dma_wait3A_54 : memref<128x128xf32, #tpu.memory_space<vmem>>)
      %dma_wait3A_60 = arith.constant 128 : i32
      %dma_wait3A_61 = arith.constant 0 : i32
      %dma_wait3A_62 = tpu.memref_slice %arg8[%dma_wait3A_60, %dma_wait3A_61] : memref<640x128xf32, #tpu.memory_space<vmem>> -> memref<128x128xf32, #tpu.memory_space<vmem>>
      %dma_wait3A_63 = arith.constant 128 : i32
      %dma_wait3A_64 = tpu.memref_slice %arg7[%dma_wait3A_63] : memref<640xi32, #tpu.memory_space<vmem>> -> memref<128xi32, #tpu.memory_space<vmem>>
      %dma_wait3A_65 = arith.constant 0 : i32
      %dma_wait3A_66 = arith.constant 0 : i32
      %dma_wait3A_67 = tpu.memref_slice %arg3[%dma_wait3A_65, %dma_wait3A_66] : memref<10240x128xf32, #tpu.memory_space<hbm>> -> memref<10240x128xf32, #tpu.memory_space<hbm>>
      tpu.wait_indirect_dma semaphore(%arg12 : memref<!tpu.dma_semaphore, #tpu.memory_space<semaphore_mem>>) src(%dma_wait3A_67 : memref<10240x128xf32, #tpu.memory_space<hbm>>) dst(%dma_wait3A_62 : memref<128x128xf32, #tpu.memory_space<vmem>>)
      %dma_wait3A_68 = arith.constant 256 : i32
      %dma_wait3A_69 = arith.constant 0 : i32
      %dma_wait3A_70 = tpu.memref_slice %arg8[%dma_wait3A_68, %dma_wait3A_69] : memref<640x128xf32, #tpu.memory_space<vmem>> -> memref<128x128xf32, #tpu.memory_space<vmem>>
      %dma_wait3A_71 = arith.constant 256 : i32
      %dma_wait3A_72 = tpu.memref_slice %arg7[%dma_wait3A_71] : memref<640xi32, #tpu.memory_space<vmem>> -> memref<128xi32, #tpu.memory_space<vmem>>
      %dma_wait3A_73 = arith.constant 0 : i32
      %dma_wait3A_74 = arith.constant 0 : i32
      %dma_wait3A_75 = tpu.memref_slice %arg3[%dma_wait3A_73, %dma_wait3A_74] : memref<10240x128xf32, #tpu.memory_space<hbm>> -> memref<10240x128xf32, #tpu.memory_space<hbm>>
      tpu.wait_indirect_dma semaphore(%arg12 : memref<!tpu.dma_semaphore, #tpu.memory_space<semaphore_mem>>) src(%dma_wait3A_75 : memref<10240x128xf32, #tpu.memory_space<hbm>>) dst(%dma_wait3A_70 : memref<128x128xf32, #tpu.memory_space<vmem>>)
      %dma_wait3A_76 = arith.constant 384 : i32
      %dma_wait3A_77 = arith.constant 0 : i32
      %dma_wait3A_78 = tpu.memref_slice %arg8[%dma_wait3A_76, %dma_wait3A_77] : memref<640x128xf32, #tpu.memory_space<vmem>> -> memref<128x128xf32, #tpu.memory_space<vmem>>
      %dma_wait3A_79 = arith.constant 384 : i32
      %dma_wait3A_80 = tpu.memref_slice %arg7[%dma_wait3A_79] : memref<640xi32, #tpu.memory_space<vmem>> -> memref<128xi32, #tpu.memory_space<vmem>>
      %dma_wait3A_81 = arith.constant 0 : i32
      %dma_wait3A_82 = arith.constant 0 : i32
      %dma_wait3A_83 = tpu.memref_slice %arg3[%dma_wait3A_81, %dma_wait3A_82] : memref<10240x128xf32, #tpu.memory_space<hbm>> -> memref<10240x128xf32, #tpu.memory_space<hbm>>
      tpu.wait_indirect_dma semaphore(%arg12 : memref<!tpu.dma_semaphore, #tpu.memory_space<semaphore_mem>>) src(%dma_wait3A_83 : memref<10240x128xf32, #tpu.memory_space<hbm>>) dst(%dma_wait3A_78 : memref<128x128xf32, #tpu.memory_space<vmem>>)
      %dma_wait3A_84 = arith.constant 512 : i32
      %dma_wait3A_85 = arith.constant 0 : i32
      %dma_wait3A_86 = tpu.memref_slice %arg8[%dma_wait3A_84, %dma_wait3A_85] : memref<640x128xf32, #tpu.memory_space<vmem>> -> memref<128x128xf32, #tpu.memory_space<vmem>>
      %dma_wait3A_87 = arith.constant 512 : i32
      %dma_wait3A_88 = tpu.memref_slice %arg7[%dma_wait3A_87] : memref<640xi32, #tpu.memory_space<vmem>> -> memref<128xi32, #tpu.memory_space<vmem>>
      %dma_wait3A_89 = arith.constant 0 : i32
      %dma_wait3A_90 = arith.constant 0 : i32
      %dma_wait3A_91 = tpu.memref_slice %arg3[%dma_wait3A_89, %dma_wait3A_90] : memref<10240x128xf32, #tpu.memory_space<hbm>> -> memref<10240x128xf32, #tpu.memory_space<hbm>>
      tpu.wait_indirect_dma semaphore(%arg12 : memref<!tpu.dma_semaphore, #tpu.memory_space<semaphore_mem>>) src(%dma_wait3A_91 : memref<10240x128xf32, #tpu.memory_space<hbm>>) dst(%dma_wait3A_86 : memref<128x128xf32, #tpu.memory_space<vmem>>)
      %scan3A_92 = arith.constant 0 : i32
      %scan3A_93 = arith.constant 0 : i32
      %scan3A_94 = arith.constant 32 : i32
      %scan3A_95 = arith.addi %scan3A_93, %scan3A_94 : i32
      %scan3A_96 = arith.constant 1 : i32
      scf.for %scan3A_98 = %scan3A_93 to %scan3A_95 step %scan3A_96  : i32 {
        %mul3A_99 = arith.constant 20 : i32
        %mul3A_100 = arith.muli %scan3A_98, %mul3A_99 : i32
        %get3A = arith.index_cast %mul3A_100 : i32 to index
        %get3A_101 = arith.constant 0 : index
        %get3A_102 = tpu.vector_load %arg8[%get3A, %get3A_101] {strides = array<i32>} : memref<640x128xf32, #tpu.memory_space<vmem>>, vector<1x16xf32>,
        %get3A_103 = vector.shape_cast %get3A_102 : vector<1x16xf32> to vector<16xf32>
        %mul3A_104 = arith.mulf %get3A_103, %get3A_103 : vector<16xf32>
        %add3A_105 = arith.constant 1 : i32
        %add3A_106 = arith.addi %mul3A_100, %add3A_105 : i32
        %get3A_107 = arith.index_cast %add3A_106 : i32 to index
        %get3A_108 = arith.constant 0 : index
        %get3A_109 = tpu.vector_load %arg8[%get3A_107, %get3A_108] {strides = array<i32>} : memref<640x128xf32, #tpu.memory_space<vmem>>, vector<1x16xf32>,
        %get3A_110 = vector.shape_cast %get3A_109 : vector<1x16xf32> to vector<16xf32>
        %max3A = arith.maximumf %get3A_103, %get3A_110 : vector<16xf32>
        %add3A_111 = arith.addf %get3A_103, %get3A_110 : vector<16xf32>
        %mul3A_112 = arith.mulf %get3A_110, %get3A_110 : vector<16xf32>
        %add3A_113 = arith.addf %mul3A_104, %mul3A_112 : vector<16xf32>
        %add3A_114 = arith.constant 2 : i32
        %add3A_115 = arith.addi %mul3A_100, %add3A_114 : i32
        %get3A_116 = arith.index_cast %add3A_115 : i32 to index
        %get3A_117 = arith.constant 0 : index
        %get3A_118 = tpu.vector_load %arg8[%get3A_116, %get3A_117] {strides = array<i32>} : memref<640x128xf32, #tpu.memory_space<vmem>>, vector<1x16xf32>,
        %get3A_119 = vector.shape_cast %get3A_118 : vector<1x16xf32> to vector<16xf32>
        %max3A_120 = arith.maximumf %max3A, %get3A_119 : vector<16xf32>
        %add3A_121 = arith.addf %add3A_111, %get3A_119 : vector<16xf32>
        %mul3A_122 = arith.mulf %get3A_119, %get3A_119 : vector<16xf32>
        %add3A_123 = arith.addf %add3A_113, %mul3A_122 : vector<16xf32>
        %add3A_124 = arith.constant 3 : i32
        %add3A_125 = arith.addi %mul3A_100, %add3A_124 : i32
        %get3A_126 = arith.index_cast %add3A_125 : i32 to index
        %get3A_127 = arith.constant 0 : index
        %get3A_128 = tpu.vector_load %arg8[%get3A_126, %get3A_127] {strides = array<i32>} : memref<640x128xf32, #tpu.memory_space<vmem>>, vector<1x16xf32>,
        %get3A_129 = vector.shape_cast %get3A_128 : vector<1x16xf32> to vector<16xf32>
        %max3A_130 = arith.maximumf %max3A_120, %get3A_129 : vector<16xf32>
        %add3A_131 = arith.addf %add3A_121, %get3A_129 : vector<16xf32>
        %mul3A_132 = arith.mulf %get3A_129, %get3A_129 : vector<16xf32>
        %add3A_133 = arith.addf %add3A_123, %mul3A_132 : vector<16xf32>
        %add3A_134 = arith.constant 4 : i32
        %add3A_135 = arith.addi %mul3A_100, %add3A_134 : i32
        %get3A_136 = arith.index_cast %add3A_135 : i32 to index
        %get3A_137 = arith.constant 0 : index
        %get3A_138 = tpu.vector_load %arg8[%get3A_136, %get3A_137] {strides = array<i32>} : memref<640x128xf32, #tpu.memory_space<vmem>>, vector<1x16xf32>,
        %get3A_139 = vector.shape_cast %get3A_138 : vector<1x16xf32> to vector<16xf32>
        %max3A_140 = arith.maximumf %max3A_130, %get3A_139 : vector<16xf32>
        %add3A_141 = arith.addf %add3A_131, %get3A_139 : vector<16xf32>
        %mul3A_142 = arith.mulf %get3A_139, %get3A_139 : vector<16xf32>
        %add3A_143 = arith.addf %add3A_133, %mul3A_142 : vector<16xf32>
        %add3A_144 = arith.constant 5 : i32
        %add3A_145 = arith.addi %mul3A_100, %add3A_144 : i32
        %get3A_146 = arith.index_cast %add3A_145 : i32 to index
        %get3A_147 = arith.constant 0 : index
        %get3A_148 = tpu.vector_load %arg8[%get3A_146, %get3A_147] {strides = array<i32>} : memref<640x128xf32, #tpu.memory_space<vmem>>, vector<1x16xf32>,
        %get3A_149 = vector.shape_cast %get3A_148 : vector<1x16xf32> to vector<16xf32>
        %max3A_150 = arith.maximumf %max3A_140, %get3A_149 : vector<16xf32>
        %add3A_151 = arith.addf %add3A_141, %get3A_149 : vector<16xf32>
        %mul3A_152 = arith.mulf %get3A_149, %get3A_149 : vector<16xf32>
        %add3A_153 = arith.addf %add3A_143, %mul3A_152 : vector<16xf32>
        %add3A_154 = arith.constant 6 : i32
        %add3A_155 = arith.addi %mul3A_100, %add3A_154 : i32
        %get3A_156 = arith.index_cast %add3A_155 : i32 to index
        %get3A_157 = arith.constant 0 : index
        %get3A_158 = tpu.vector_load %arg8[%get3A_156, %get3A_157] {strides = array<i32>} : memref<640x128xf32, #tpu.memory_space<vmem>>, vector<1x16xf32>,
        %get3A_159 = vector.shape_cast %get3A_158 : vector<1x16xf32> to vector<16xf32>
        %max3A_160 = arith.maximumf %max3A_150, %get3A_159 : vector<16xf32>
        %add3A_161 = arith.addf %add3A_151, %get3A_159 : vector<16xf32>
        %mul3A_162 = arith.mulf %get3A_159, %get3A_159 : vector<16xf32>
        %add3A_163 = arith.addf %add3A_153, %mul3A_162 : vector<16xf32>
        %add3A_164 = arith.constant 7 : i32
        %add3A_165 = arith.addi %mul3A_100, %add3A_164 : i32
        %get3A_166 = arith.index_cast %add3A_165 : i32 to index
        %get3A_167 = arith.constant 0 : index
        %get3A_168 = tpu.vector_load %arg8[%get3A_166, %get3A_167] {strides = array<i32>} : memref<640x128xf32, #tpu.memory_space<vmem>>, vector<1x16xf32>,
        %get3A_169 = vector.shape_cast %get3A_168 : vector<1x16xf32> to vector<16xf32>
        %max3A_170 = arith.maximumf %max3A_160, %get3A_169 : vector<16xf32>
        %add3A_171 = arith.addf %add3A_161, %get3A_169 : vector<16xf32>
        %mul3A_172 = arith.mulf %get3A_169, %get3A_169 : vector<16xf32>
        %add3A_173 = arith.addf %add3A_163, %mul3A_172 : vector<16xf32>
        %add3A_174 = arith.constant 8 : i32
        %add3A_175 = arith.addi %mul3A_100, %add3A_174 : i32
        %get3A_176 = arith.index_cast %add3A_175 : i32 to index
        %get3A_177 = arith.constant 0 : index
        %get3A_178 = tpu.vector_load %arg8[%get3A_176, %get3A_177] {strides = array<i32>} : memref<640x128xf32, #tpu.memory_space<vmem>>, vector<1x16xf32>,
        %get3A_179 = vector.shape_cast %get3A_178 : vector<1x16xf32> to vector<16xf32>
        %max3A_180 = arith.maximumf %max3A_170, %get3A_179 : vector<16xf32>
        %add3A_181 = arith.addf %add3A_171, %get3A_179 : vector<16xf32>
        %mul3A_182 = arith.mulf %get3A_179, %get3A_179 : vector<16xf32>
        %add3A_183 = arith.addf %add3A_173, %mul3A_182 : vector<16xf32>
        %add3A_184 = arith.constant 9 : i32
        %add3A_185 = arith.addi %mul3A_100, %add3A_184 : i32
        %get3A_186 = arith.index_cast %add3A_185 : i32 to index
        %get3A_187 = arith.constant 0 : index
        %get3A_188 = tpu.vector_load %arg8[%get3A_186, %get3A_187] {strides = array<i32>} : memref<640x128xf32, #tpu.memory_space<vmem>>, vector<1x16xf32>,
        %get3A_189 = vector.shape_cast %get3A_188 : vector<1x16xf32> to vector<16xf32>
        %max3A_190 = arith.maximumf %max3A_180, %get3A_189 : vector<16xf32>
        %add3A_191 = arith.addf %add3A_181, %get3A_189 : vector<16xf32>
        %mul3A_192 = arith.mulf %get3A_189, %get3A_189 : vector<16xf32>
        %add3A_193 = arith.addf %add3A_183, %mul3A_192 : vector<16xf32>
        %add3A_194 = arith.constant 10 : i32
        %add3A_195 = arith.addi %mul3A_100, %add3A_194 : i32
        %get3A_196 = arith.index_cast %add3A_195 : i32 to index
        %get3A_197 = arith.constant 0 : index
        %get3A_198 = tpu.vector_load %arg8[%get3A_196, %get3A_197] {strides = array<i32>} : memref<640x128xf32, #tpu.memory_space<vmem>>, vector<1x16xf32>,
        %get3A_199 = vector.shape_cast %get3A_198 : vector<1x16xf32> to vector<16xf32>
        %max3A_200 = arith.maximumf %max3A_190, %get3A_199 : vector<16xf32>
        %add3A_201 = arith.addf %add3A_191, %get3A_199 : vector<16xf32>
        %mul3A_202 = arith.mulf %get3A_199, %get3A_199 : vector<16xf32>
        %add3A_203 = arith.addf %add3A_193, %mul3A_202 : vector<16xf32>
        %add3A_204 = arith.constant 11 : i32
        %add3A_205 = arith.addi %mul3A_100, %add3A_204 : i32
        %get3A_206 = arith.index_cast %add3A_205 : i32 to index
        %get3A_207 = arith.constant 0 : index
        %get3A_208 = tpu.vector_load %arg8[%get3A_206, %get3A_207] {strides = array<i32>} : memref<640x128xf32, #tpu.memory_space<vmem>>, vector<1x16xf32>,
        %get3A_209 = vector.shape_cast %get3A_208 : vector<1x16xf32> to vector<16xf32>
        %max3A_210 = arith.maximumf %max3A_200, %get3A_209 : vector<16xf32>
        %add3A_211 = arith.addf %add3A_201, %get3A_209 : vector<16xf32>
        %mul3A_212 = arith.mulf %get3A_209, %get3A_209 : vector<16xf32>
        %add3A_213 = arith.addf %add3A_203, %mul3A_212 : vector<16xf32>
        %add3A_214 = arith.constant 12 : i32
        %add3A_215 = arith.addi %mul3A_100, %add3A_214 : i32
        %get3A_216 = arith.index_cast %add3A_215 : i32 to index
        %get3A_217 = arith.constant 0 : index
        %get3A_218 = tpu.vector_load %arg8[%get3A_216, %get3A_217] {strides = array<i32>} : memref<640x128xf32, #tpu.memory_space<vmem>>, vector<1x16xf32>,
        %get3A_219 = vector.shape_cast %get3A_218 : vector<1x16xf32> to vector<16xf32>
        %max3A_220 = arith.maximumf %max3A_210, %get3A_219 : vector<16xf32>
        %add3A_221 = arith.addf %add3A_211, %get3A_219 : vector<16xf32>
        %mul3A_222 = arith.mulf %get3A_219, %get3A_219 : vector<16xf32>
        %add3A_223 = arith.addf %add3A_213, %mul3A_222 : vector<16xf32>
        %add3A_224 = arith.constant 13 : i32
        %add3A_225 = arith.addi %mul3A_100, %add3A_224 : i32
        %get3A_226 = arith.index_cast %add3A_225 : i32 to index
        %get3A_227 = arith.constant 0 : index
        %get3A_228 = tpu.vector_load %arg8[%get3A_226, %get3A_227] {strides = array<i32>} : memref<640x128xf32, #tpu.memory_space<vmem>>, vector<1x16xf32>,
        %get3A_229 = vector.shape_cast %get3A_228 : vector<1x16xf32> to vector<16xf32>
        %max3A_230 = arith.maximumf %max3A_220, %get3A_229 : vector<16xf32>
        %add3A_231 = arith.addf %add3A_221, %get3A_229 : vector<16xf32>
        %mul3A_232 = arith.mulf %get3A_229, %get3A_229 : vector<16xf32>
        %add3A_233 = arith.addf %add3A_223, %mul3A_232 : vector<16xf32>
        %add3A_234 = arith.constant 14 : i32
        %add3A_235 = arith.addi %mul3A_100, %add3A_234 : i32
        %get3A_236 = arith.index_cast %add3A_235 : i32 to index
        %get3A_237 = arith.constant 0 : index
        %get3A_238 = tpu.vector_load %arg8[%get3A_236, %get3A_237] {strides = array<i32>} : memref<640x128xf32, #tpu.memory_space<vmem>>, vector<1x16xf32>,
        %get3A_239 = vector.shape_cast %get3A_238 : vector<1x16xf32> to vector<16xf32>
        %max3A_240 = arith.maximumf %max3A_230, %get3A_239 : vector<16xf32>
        %add3A_241 = arith.addf %add3A_231, %get3A_239 : vector<16xf32>
        %mul3A_242 = arith.mulf %get3A_239, %get3A_239 : vector<16xf32>
        %add3A_243 = arith.addf %add3A_233, %mul3A_242 : vector<16xf32>
        %add3A_244 = arith.constant 15 : i32
        %add3A_245 = arith.addi %mul3A_100, %add3A_244 : i32
        %get3A_246 = arith.index_cast %add3A_245 : i32 to index
        %get3A_247 = arith.constant 0 : index
        %get3A_248 = tpu.vector_load %arg8[%get3A_246, %get3A_247] {strides = array<i32>} : memref<640x128xf32, #tpu.memory_space<vmem>>, vector<1x16xf32>,
        %get3A_249 = vector.shape_cast %get3A_248 : vector<1x16xf32> to vector<16xf32>
        %max3A_250 = arith.maximumf %max3A_240, %get3A_249 : vector<16xf32>
        %add3A_251 = arith.addf %add3A_241, %get3A_249 : vector<16xf32>
        %mul3A_252 = arith.mulf %get3A_249, %get3A_249 : vector<16xf32>
        %add3A_253 = arith.addf %add3A_243, %mul3A_252 : vector<16xf32>
        %add3A_254 = arith.constant 16 : i32
        %add3A_255 = arith.addi %mul3A_100, %add3A_254 : i32
        %get3A_256 = arith.index_cast %add3A_255 : i32 to index
        %get3A_257 = arith.constant 0 : index
        %get3A_258 = tpu.vector_load %arg8[%get3A_256, %get3A_257] {strides = array<i32>} : memref<640x128xf32, #tpu.memory_space<vmem>>, vector<1x16xf32>,
        %get3A_259 = vector.shape_cast %get3A_258 : vector<1x16xf32> to vector<16xf32>
        %max3A_260 = arith.maximumf %max3A_250, %get3A_259 : vector<16xf32>
        %add3A_261 = arith.addf %add3A_251, %get3A_259 : vector<16xf32>
        %mul3A_262 = arith.mulf %get3A_259, %get3A_259 : vector<16xf32>
        %add3A_263 = arith.addf %add3A_253, %mul3A_262 : vector<16xf32>
        %add3A_264 = arith.constant 17 : i32
        %add3A_265 = arith.addi %mul3A_100, %add3A_264 : i32
        %get3A_266 = arith.index_cast %add3A_265 : i32 to index
        %get3A_267 = arith.constant 0 : index
        %get3A_268 = tpu.vector_load %arg8[%get3A_266, %get3A_267] {strides = array<i32>} : memref<640x128xf32, #tpu.memory_space<vmem>>, vector<1x16xf32>,
        %get3A_269 = vector.shape_cast %get3A_268 : vector<1x16xf32> to vector<16xf32>
        %max3A_270 = arith.maximumf %max3A_260, %get3A_269 : vector<16xf32>
        %add3A_271 = arith.addf %add3A_261, %get3A_269 : vector<16xf32>
        %mul3A_272 = arith.mulf %get3A_269, %get3A_269 : vector<16xf32>
        %add3A_273 = arith.addf %add3A_263, %mul3A_272 : vector<16xf32>
        %add3A_274 = arith.constant 18 : i32
        %add3A_275 = arith.addi %mul3A_100, %add3A_274 : i32
        %get3A_276 = arith.index_cast %add3A_275 : i32 to index
        %get3A_277 = arith.constant 0 : index
        %get3A_278 = tpu.vector_load %arg8[%get3A_276, %get3A_277] {strides = array<i32>} : memref<640x128xf32, #tpu.memory_space<vmem>>, vector<1x16xf32>,
        %get3A_279 = vector.shape_cast %get3A_278 : vector<1x16xf32> to vector<16xf32>
        %max3A_280 = arith.maximumf %max3A_270, %get3A_279 : vector<16xf32>
        %add3A_281 = arith.addf %add3A_271, %get3A_279 : vector<16xf32>
        %mul3A_282 = arith.mulf %get3A_279, %get3A_279 : vector<16xf32>
        %add3A_283 = arith.addf %add3A_273, %mul3A_282 : vector<16xf32>
        %add3A_284 = arith.constant 19 : i32
        %add3A_285 = arith.addi %mul3A_100, %add3A_284 : i32
        %get3A_286 = arith.index_cast %add3A_285 : i32 to index
        %get3A_287 = arith.constant 0 : index
        %get3A_288 = tpu.vector_load %arg8[%get3A_286, %get3A_287] {strides = array<i32>} : memref<640x128xf32, #tpu.memory_space<vmem>>, vector<1x16xf32>,
        %get3A_289 = vector.shape_cast %get3A_288 : vector<1x16xf32> to vector<16xf32>
        %max3A_290 = arith.maximumf %max3A_280, %get3A_289 : vector<16xf32>
        %add3A_291 = arith.addf %add3A_281, %get3A_289 : vector<16xf32>
        %mul3A_292 = arith.mulf %get3A_289, %get3A_289 : vector<16xf32>
        %add3A_293 = arith.addf %add3A_283, %mul3A_292 : vector<16xf32>
        %swap3A = arith.index_cast %scan3A_98 : i32 to index
        %swap3A_294 = arith.constant 0 : index
        %swap3A_295 = tpu.vector_load %arg9[%swap3A, %swap3A_294] {strides = array<i32>} : memref<32x128xf32, #tpu.memory_space<vmem>>, vector<1x16xf32>,
        %swap3A_296 = vector.shape_cast %swap3A_295 : vector<1x16xf32> to vector<16xf32>
        %swap3A_297 = vector.shape_cast %max3A_290 : vector<16xf32> to vector<1x16xf32>
        tpu.vector_store %arg9[%swap3A, %swap3A_294], %swap3A_297 {strides = array<i32>} : memref<32x128xf32, #tpu.memory_space<vmem>>, vector<1x16xf32>,
        %swap3A_298 = arith.index_cast %scan3A_98 : i32 to index
        %swap3A_299 = arith.constant 0 : index
        %swap3A_300 = tpu.vector_load %arg10[%swap3A_298, %swap3A_299] {strides = array<i32>} : memref<32x128xf32, #tpu.memory_space<vmem>>, vector<1x16xf32>,
        %swap3A_301 = vector.shape_cast %swap3A_300 : vector<1x16xf32> to vector<16xf32>
        %swap3A_302 = vector.shape_cast %add3A_291 : vector<16xf32> to vector<1x16xf32>
        tpu.vector_store %arg10[%swap3A_298, %swap3A_299], %swap3A_302 {strides = array<i32>} : memref<32x128xf32, #tpu.memory_space<vmem>>, vector<1x16xf32>,
        %swap3A_303 = arith.index_cast %scan3A_98 : i32 to index
        %swap3A_304 = arith.constant 0 : index
        %swap3A_305 = tpu.vector_load %arg11[%swap3A_303, %swap3A_304] {strides = array<i32>} : memref<32x128xf32, #tpu.memory_space<vmem>>, vector<1x16xf32>,
        %swap3A_306 = vector.shape_cast %swap3A_305 : vector<1x16xf32> to vector<16xf32>
        %swap3A_307 = vector.shape_cast %add3A_293 : vector<16xf32> to vector<1x16xf32>
        tpu.vector_store %arg11[%swap3A_303, %swap3A_304], %swap3A_307 {strides = array<i32>} : memref<32x128xf32, #tpu.memory_space<vmem>>, vector<1x16xf32>,
        %get3A_308 = arith.index_cast %mul3A_100 : i32 to index
        %get3A_309 = arith.constant 16 : index
        %get3A_310 = tpu.vector_load %arg8[%get3A_308, %get3A_309] {strides = array<i32>} : memref<640x128xf32, #tpu.memory_space<vmem>>, vector<1x16xf32>,
        %get3A_311 = vector.shape_cast %get3A_310 : vector<1x16xf32> to vector<16xf32>
        %mul3A_312 = arith.mulf %get3A_311, %get3A_311 : vector<16xf32>
        %add3A_313 = arith.constant 1 : i32
        %add3A_314 = arith.addi %mul3A_100, %add3A_313 : i32
        %get3A_315 = arith.index_cast %add3A_314 : i32 to index
        %get3A_316 = arith.constant 16 : index
        %get3A_317 = tpu.vector_load %arg8[%get3A_315, %get3A_316] {strides = array<i32>} : memref<640x128xf32, #tpu.memory_space<vmem>>, vector<1x16xf32>,
        %get3A_318 = vector.shape_cast %get3A_317 : vector<1x16xf32> to vector<16xf32>
        %max3A_319 = arith.maximumf %get3A_311, %get3A_318 : vector<16xf32>
        %add3A_320 = arith.addf %get3A_311, %get3A_318 : vector<16xf32>
        %mul3A_321 = arith.mulf %get3A_318, %get3A_318 : vector<16xf32>
        %add3A_322 = arith.addf %mul3A_312, %mul3A_321 : vector<16xf32>
        %add3A_323 = arith.constant 2 : i32
        %add3A_324 = arith.addi %mul3A_100, %add3A_323 : i32
        %get3A_325 = arith.index_cast %add3A_324 : i32 to index
        %get3A_326 = arith.constant 16 : index
        %get3A_327 = tpu.vector_load %arg8[%get3A_325, %get3A_326] {strides = array<i32>} : memref<640x128xf32, #tpu.memory_space<vmem>>, vector<1x16xf32>,
        %get3A_328 = vector.shape_cast %get3A_327 : vector<1x16xf32> to vector<16xf32>
        %max3A_329 = arith.maximumf %max3A_319, %get3A_328 : vector<16xf32>
        %add3A_330 = arith.addf %add3A_320, %get3A_328 : vector<16xf32>
        %mul3A_331 = arith.mulf %get3A_328, %get3A_328 : vector<16xf32>
        %add3A_332 = arith.addf %add3A_322, %mul3A_331 : vector<16xf32>
        %add3A_333 = arith.constant 3 : i32
        %add3A_334 = arith.addi %mul3A_100, %add3A_333 : i32
        %get3A_335 = arith.index_cast %add3A_334 : i32 to index
        %get3A_336 = arith.constant 16 : index
        %get3A_337 = tpu.vector_load %arg8[%get3A_335, %get3A_336] {strides = array<i32>} : memref<640x128xf32, #tpu.memory_space<vmem>>, vector<1x16xf32>,
        %get3A_338 = vector.shape_cast %get3A_337 : vector<1x16xf32> to vector<16xf32>
        %max3A_339 = arith.maximumf %max3A_329, %get3A_338 : vector<16xf32>
        %add3A_340 = arith.addf %add3A_330, %get3A_338 : vector<16xf32>
        %mul3A_341 = arith.mulf %get3A_338, %get3A_338 : vector<16xf32>
        %add3A_342 = arith.addf %add3A_332, %mul3A_341 : vector<16xf32>
        %add3A_343 = arith.constant 4 : i32
        %add3A_344 = arith.addi %mul3A_100, %add3A_343 : i32
        %get3A_345 = arith.index_cast %add3A_344 : i32 to index
        %get3A_346 = arith.constant 16 : index
        %get3A_347 = tpu.vector_load %arg8[%get3A_345, %get3A_346] {strides = array<i32>} : memref<640x128xf32, #tpu.memory_space<vmem>>, vector<1x16xf32>,
        %get3A_348 = vector.shape_cast %get3A_347 : vector<1x16xf32> to vector<16xf32>
        %max3A_349 = arith.maximumf %max3A_339, %get3A_348 : vector<16xf32>
        %add3A_350 = arith.addf %add3A_340, %get3A_348 : vector<16xf32>
        %mul3A_351 = arith.mulf %get3A_348, %get3A_348 : vector<16xf32>
        %add3A_352 = arith.addf %add3A_342, %mul3A_351 : vector<16xf32>
        %add3A_353 = arith.constant 5 : i32
        %add3A_354 = arith.addi %mul3A_100, %add3A_353 : i32
        %get3A_355 = arith.index_cast %add3A_354 : i32 to index
        %get3A_356 = arith.constant 16 : index
        %get3A_357 = tpu.vector_load %arg8[%get3A_355, %get3A_356] {strides = array<i32>} : memref<640x128xf32, #tpu.memory_space<vmem>>, vector<1x16xf32>,
        %get3A_358 = vector.shape_cast %get3A_357 : vector<1x16xf32> to vector<16xf32>
        %max3A_359 = arith.maximumf %max3A_349, %get3A_358 : vector<16xf32>
        %add3A_360 = arith.addf %add3A_350, %get3A_358 : vector<16xf32>
        %mul3A_361 = arith.mulf %get3A_358, %get3A_358 : vector<16xf32>
        %add3A_362 = arith.addf %add3A_352, %mul3A_361 : vector<16xf32>
        %add3A_363 = arith.constant 6 : i32
        %add3A_364 = arith.addi %mul3A_100, %add3A_363 : i32
        %get3A_365 = arith.index_cast %add3A_364 : i32 to index
        %get3A_366 = arith.constant 16 : index
        %get3A_367 = tpu.vector_load %arg8[%get3A_365, %get3A_366] {strides = array<i32>} : memref<640x128xf32, #tpu.memory_space<vmem>>, vector<1x16xf32>,
        %get3A_368 = vector.shape_cast %get3A_367 : vector<1x16xf32> to vector<16xf32>
        %max3A_369 = arith.maximumf %max3A_359, %get3A_368 : vector<16xf32>
        %add3A_370 = arith.addf %add3A_360, %get3A_368 : vector<16xf32>
        %mul3A_371 = arith.mulf %get3A_368, %get3A_368 : vector<16xf32>
        %add3A_372 = arith.addf %add3A_362, %mul3A_371 : vector<16xf32>
        %add3A_373 = arith.constant 7 : i32
        %add3A_374 = arith.addi %mul3A_100, %add3A_373 : i32
        %get3A_375 = arith.index_cast %add3A_374 : i32 to index
        %get3A_376 = arith.constant 16 : index
        %get3A_377 = tpu.vector_load %arg8[%get3A_375, %get3A_376] {strides = array<i32>} : memref<640x128xf32, #tpu.memory_space<vmem>>, vector<1x16xf32>,
        %get3A_378 = vector.shape_cast %get3A_377 : vector<1x16xf32> to vector<16xf32>
        %max3A_379 = arith.maximumf %max3A_369, %get3A_378 : vector<16xf32>
        %add3A_380 = arith.addf %add3A_370, %get3A_378 : vector<16xf32>
        %mul3A_381 = arith.mulf %get3A_378, %get3A_378 : vector<16xf32>
        %add3A_382 = arith.addf %add3A_372, %mul3A_381 : vector<16xf32>
        %add3A_383 = arith.constant 8 : i32
        %add3A_384 = arith.addi %mul3A_100, %add3A_383 : i32
        %get3A_385 = arith.index_cast %add3A_384 : i32 to index
        %get3A_386 = arith.constant 16 : index
        %get3A_387 = tpu.vector_load %arg8[%get3A_385, %get3A_386] {strides = array<i32>} : memref<640x128xf32, #tpu.memory_space<vmem>>, vector<1x16xf32>,
        %get3A_388 = vector.shape_cast %get3A_387 : vector<1x16xf32> to vector<16xf32>
        %max3A_389 = arith.maximumf %max3A_379, %get3A_388 : vector<16xf32>
        %add3A_390 = arith.addf %add3A_380, %get3A_388 : vector<16xf32>
        %mul3A_391 = arith.mulf %get3A_388, %get3A_388 : vector<16xf32>
        %add3A_392 = arith.addf %add3A_382, %mul3A_391 : vector<16xf32>
        %add3A_393 = arith.constant 9 : i32
        %add3A_394 = arith.addi %mul3A_100, %add3A_393 : i32
        %get3A_395 = arith.index_cast %add3A_394 : i32 to index
        %get3A_396 = arith.constant 16 : index
        %get3A_397 = tpu.vector_load %arg8[%get3A_395, %get3A_396] {strides = array<i32>} : memref<640x128xf32, #tpu.memory_space<vmem>>, vector<1x16xf32>,
        %get3A_398 = vector.shape_cast %get3A_397 : vector<1x16xf32> to vector<16xf32>
        %max3A_399 = arith.maximumf %max3A_389, %get3A_398 : vector<16xf32>
        %add3A_400 = arith.addf %add3A_390, %get3A_398 : vector<16xf32>
        %mul3A_401 = arith.mulf %get3A_398, %get3A_398 : vector<16xf32>
        %add3A_402 = arith.addf %add3A_392, %mul3A_401 : vector<16xf32>
        %add3A_403 = arith.constant 10 : i32
        %add3A_404 = arith.addi %mul3A_100, %add3A_403 : i32
        %get3A_405 = arith.index_cast %add3A_404 : i32 to index
        %get3A_406 = arith.constant 16 : index
        %get3A_407 = tpu.vector_load %arg8[%get3A_405, %get3A_406] {strides = array<i32>} : memref<640x128xf32, #tpu.memory_space<vmem>>, vector<1x16xf32>,
        %get3A_408 = vector.shape_cast %get3A_407 : vector<1x16xf32> to vector<16xf32>
        %max3A_409 = arith.maximumf %max3A_399, %get3A_408 : vector<16xf32>
        %add3A_410 = arith.addf %add3A_400, %get3A_408 : vector<16xf32>
        %mul3A_411 = arith.mulf %get3A_408, %get3A_408 : vector<16xf32>
        %add3A_412 = arith.addf %add3A_402, %mul3A_411 : vector<16xf32>
        %add3A_413 = arith.constant 11 : i32
        %add3A_414 = arith.addi %mul3A_100, %add3A_413 : i32
        %get3A_415 = arith.index_cast %add3A_414 : i32 to index
        %get3A_416 = arith.constant 16 : index
        %get3A_417 = tpu.vector_load %arg8[%get3A_415, %get3A_416] {strides = array<i32>} : memref<640x128xf32, #tpu.memory_space<vmem>>, vector<1x16xf32>,
        %get3A_418 = vector.shape_cast %get3A_417 : vector<1x16xf32> to vector<16xf32>
        %max3A_419 = arith.maximumf %max3A_409, %get3A_418 : vector<16xf32>
        %add3A_420 = arith.addf %add3A_410, %get3A_418 : vector<16xf32>
        %mul3A_421 = arith.mulf %get3A_418, %get3A_418 : vector<16xf32>
        %add3A_422 = arith.addf %add3A_412, %mul3A_421 : vector<16xf32>
        %add3A_423 = arith.constant 12 : i32
        %add3A_424 = arith.addi %mul3A_100, %add3A_423 : i32
        %get3A_425 = arith.index_cast %add3A_424 : i32 to index
        %get3A_426 = arith.constant 16 : index
        %get3A_427 = tpu.vector_load %arg8[%get3A_425, %get3A_426] {strides = array<i32>} : memref<640x128xf32, #tpu.memory_space<vmem>>, vector<1x16xf32>,
        %get3A_428 = vector.shape_cast %get3A_427 : vector<1x16xf32> to vector<16xf32>
        %max3A_429 = arith.maximumf %max3A_419, %get3A_428 : vector<16xf32>
        %add3A_430 = arith.addf %add3A_420, %get3A_428 : vector<16xf32>
        %mul3A_431 = arith.mulf %get3A_428, %get3A_428 : vector<16xf32>
        %add3A_432 = arith.addf %add3A_422, %mul3A_431 : vector<16xf32>
        %add3A_433 = arith.constant 13 : i32
        %add3A_434 = arith.addi %mul3A_100, %add3A_433 : i32
        %get3A_435 = arith.index_cast %add3A_434 : i32 to index
        %get3A_436 = arith.constant 16 : index
        %get3A_437 = tpu.vector_load %arg8[%get3A_435, %get3A_436] {strides = array<i32>} : memref<640x128xf32, #tpu.memory_space<vmem>>, vector<1x16xf32>,
        %get3A_438 = vector.shape_cast %get3A_437 : vector<1x16xf32> to vector<16xf32>
        %max3A_439 = arith.maximumf %max3A_429, %get3A_438 : vector<16xf32>
        %add3A_440 = arith.addf %add3A_430, %get3A_438 : vector<16xf32>
        %mul3A_441 = arith.mulf %get3A_438, %get3A_438 : vector<16xf32>
        %add3A_442 = arith.addf %add3A_432, %mul3A_441 : vector<16xf32>
        %add3A_443 = arith.constant 14 : i32
        %add3A_444 = arith.addi %mul3A_100, %add3A_443 : i32
        %get3A_445 = arith.index_cast %add3A_444 : i32 to index
        %get3A_446 = arith.constant 16 : index
        %get3A_447 = tpu.vector_load %arg8[%get3A_445, %get3A_446] {strides = array<i32>} : memref<640x128xf32, #tpu.memory_space<vmem>>, vector<1x16xf32>,
        %get3A_448 = vector.shape_cast %get3A_447 : vector<1x16xf32> to vector<16xf32>
        %max3A_449 = arith.maximumf %max3A_439, %get3A_448 : vector<16xf32>
        %add3A_450 = arith.addf %add3A_440, %get3A_448 : vector<16xf32>
        %mul3A_451 = arith.mulf %get3A_448, %get3A_448 : vector<16xf32>
        %add3A_452 = arith.addf %add3A_442, %mul3A_451 : vector<16xf32>
        %add3A_453 = arith.constant 15 : i32
        %add3A_454 = arith.addi %mul3A_100, %add3A_453 : i32
        %get3A_455 = arith.index_cast %add3A_454 : i32 to index
        %get3A_456 = arith.constant 16 : index
        %get3A_457 = tpu.vector_load %arg8[%get3A_455, %get3A_456] {strides = array<i32>} : memref<640x128xf32, #tpu.memory_space<vmem>>, vector<1x16xf32>,
        %get3A_458 = vector.shape_cast %get3A_457 : vector<1x16xf32> to vector<16xf32>
        %max3A_459 = arith.maximumf %max3A_449, %get3A_458 : vector<16xf32>
        %add3A_460 = arith.addf %add3A_450, %get3A_458 : vector<16xf32>
        %mul3A_461 = arith.mulf %get3A_458, %get3A_458 : vector<16xf32>
        %add3A_462 = arith.addf %add3A_452, %mul3A_461 : vector<16xf32>
        %add3A_463 = arith.constant 16 : i32
        %add3A_464 = arith.addi %mul3A_100, %add3A_463 : i32
        %get3A_465 = arith.index_cast %add3A_464 : i32 to index
        %get3A_466 = arith.constant 16 : index
        %get3A_467 = tpu.vector_load %arg8[%get3A_465, %get3A_466] {strides = array<i32>} : memref<640x128xf32, #tpu.memory_space<vmem>>, vector<1x16xf32>,
        %get3A_468 = vector.shape_cast %get3A_467 : vector<1x16xf32> to vector<16xf32>
        %max3A_469 = arith.maximumf %max3A_459, %get3A_468 : vector<16xf32>
        %add3A_470 = arith.addf %add3A_460, %get3A_468 : vector<16xf32>
        %mul3A_471 = arith.mulf %get3A_468, %get3A_468 : vector<16xf32>
        %add3A_472 = arith.addf %add3A_462, %mul3A_471 : vector<16xf32>
        %add3A_473 = arith.constant 17 : i32
        %add3A_474 = arith.addi %mul3A_100, %add3A_473 : i32
        %get3A_475 = arith.index_cast %add3A_474 : i32 to index
        %get3A_476 = arith.constant 16 : index
        %get3A_477 = tpu.vector_load %arg8[%get3A_475, %get3A_476] {strides = array<i32>} : memref<640x128xf32, #tpu.memory_space<vmem>>, vector<1x16xf32>,
        %get3A_478 = vector.shape_cast %get3A_477 : vector<1x16xf32> to vector<16xf32>
        %max3A_479 = arith.maximumf %max3A_469, %get3A_478 : vector<16xf32>
        %add3A_480 = arith.addf %add3A_470, %get3A_478 : vector<16xf32>
        %mul3A_481 = arith.mulf %get3A_478, %get3A_478 : vector<16xf32>
        %add3A_482 = arith.addf %add3A_472, %mul3A_481 : vector<16xf32>
        %add3A_483 = arith.constant 18 : i32
        %add3A_484 = arith.addi %mul3A_100, %add3A_483 : i32
        %get3A_485 = arith.index_cast %add3A_484 : i32 to index
        %get3A_486 = arith.constant 16 : index
        %get3A_487 = tpu.vector_load %arg8[%get3A_485, %get3A_486] {strides = array<i32>} : memref<640x128xf32, #tpu.memory_space<vmem>>, vector<1x16xf32>,
        %get3A_488 = vector.shape_cast %get3A_487 : vector<1x16xf32> to vector<16xf32>
        %max3A_489 = arith.maximumf %max3A_479, %get3A_488 : vector<16xf32>
        %add3A_490 = arith.addf %add3A_480, %get3A_488 : vector<16xf32>
        %mul3A_491 = arith.mulf %get3A_488, %get3A_488 : vector<16xf32>
        %add3A_492 = arith.addf %add3A_482, %mul3A_491 : vector<16xf32>
        %add3A_493 = arith.constant 19 : i32
        %add3A_494 = arith.addi %mul3A_100, %add3A_493 : i32
        %get3A_495 = arith.index_cast %add3A_494 : i32 to index
        %get3A_496 = arith.constant 16 : index
        %get3A_497 = tpu.vector_load %arg8[%get3A_495, %get3A_496] {strides = array<i32>} : memref<640x128xf32, #tpu.memory_space<vmem>>, vector<1x16xf32>,
        %get3A_498 = vector.shape_cast %get3A_497 : vector<1x16xf32> to vector<16xf32>
        %max3A_499 = arith.maximumf %max3A_489, %get3A_498 : vector<16xf32>
        %add3A_500 = arith.addf %add3A_490, %get3A_498 : vector<16xf32>
        %mul3A_501 = arith.mulf %get3A_498, %get3A_498 : vector<16xf32>
        %add3A_502 = arith.addf %add3A_492, %mul3A_501 : vector<16xf32>
        %swap3A_503 = arith.index_cast %scan3A_98 : i32 to index
        %swap3A_504 = arith.constant 16 : index
        %swap3A_505 = tpu.vector_load %arg9[%swap3A_503, %swap3A_504] {strides = array<i32>} : memref<32x128xf32, #tpu.memory_space<vmem>>, vector<1x16xf32>,
        %swap3A_506 = vector.shape_cast %swap3A_505 : vector<1x16xf32> to vector<16xf32>
        %swap3A_507 = vector.shape_cast %max3A_499 : vector<16xf32> to vector<1x16xf32>
        tpu.vector_store %arg9[%swap3A_503, %swap3A_504], %swap3A_507 {strides = array<i32>} : memref<32x128xf32, #tpu.memory_space<vmem>>, vector<1x16xf32>,
        %swap3A_508 = arith.index_cast %scan3A_98 : i32 to index
        %swap3A_509 = arith.constant 16 : index
        %swap3A_510 = tpu.vector_load %arg10[%swap3A_508, %swap3A_509] {strides = array<i32>} : memref<32x128xf32, #tpu.memory_space<vmem>>, vector<1x16xf32>,
        %swap3A_511 = vector.shape_cast %swap3A_510 : vector<1x16xf32> to vector<16xf32>
        %swap3A_512 = vector.shape_cast %add3A_500 : vector<16xf32> to vector<1x16xf32>
        tpu.vector_store %arg10[%swap3A_508, %swap3A_509], %swap3A_512 {strides = array<i32>} : memref<32x128xf32, #tpu.memory_space<vmem>>, vector<1x16xf32>,
        %swap3A_513 = arith.index_cast %scan3A_98 : i32 to index
        %swap3A_514 = arith.constant 16 : index
        %swap3A_515 = tpu.vector_load %arg11[%swap3A_513, %swap3A_514] {strides = array<i32>} : memref<32x128xf32, #tpu.memory_space<vmem>>, vector<1x16xf32>,
        %swap3A_516 = vector.shape_cast %swap3A_515 : vector<1x16xf32> to vector<16xf32>
        %swap3A_517 = vector.shape_cast %add3A_502 : vector<16xf32> to vector<1x16xf32>
        tpu.vector_store %arg11[%swap3A_513, %swap3A_514], %swap3A_517 {strides = array<i32>} : memref<32x128xf32, #tpu.memory_space<vmem>>, vector<1x16xf32>,
        %get3A_518 = arith.index_cast %mul3A_100 : i32 to index
        %get3A_519 = arith.constant 32 : index
        %get3A_520 = tpu.vector_load %arg8[%get3A_518, %get3A_519] {strides = array<i32>} : memref<640x128xf32, #tpu.memory_space<vmem>>, vector<1x16xf32>,
        %get3A_521 = vector.shape_cast %get3A_520 : vector<1x16xf32> to vector<16xf32>
        %mul3A_522 = arith.mulf %get3A_521, %get3A_521 : vector<16xf32>
        %add3A_523 = arith.constant 1 : i32
        %add3A_524 = arith.addi %mul3A_100, %add3A_523 : i32
        %get3A_525 = arith.index_cast %add3A_524 : i32 to index
        %get3A_526 = arith.constant 32 : index
        %get3A_527 = tpu.vector_load %arg8[%get3A_525, %get3A_526] {strides = array<i32>} : memref<640x128xf32, #tpu.memory_space<vmem>>, vector<1x16xf32>,
        %get3A_528 = vector.shape_cast %get3A_527 : vector<1x16xf32> to vector<16xf32>
        %max3A_529 = arith.maximumf %get3A_521, %get3A_528 : vector<16xf32>
        %add3A_530 = arith.addf %get3A_521, %get3A_528 : vector<16xf32>
        %mul3A_531 = arith.mulf %get3A_528, %get3A_528 : vector<16xf32>
        %add3A_532 = arith.addf %mul3A_522, %mul3A_531 : vector<16xf32>
        %add3A_533 = arith.constant 2 : i32
        %add3A_534 = arith.addi %mul3A_100, %add3A_533 : i32
        %get3A_535 = arith.index_cast %add3A_534 : i32 to index
        %get3A_536 = arith.constant 32 : index
        %get3A_537 = tpu.vector_load %arg8[%get3A_535, %get3A_536] {strides = array<i32>} : memref<640x128xf32, #tpu.memory_space<vmem>>, vector<1x16xf32>,
        %get3A_538 = vector.shape_cast %get3A_537 : vector<1x16xf32> to vector<16xf32>
        %max3A_539 = arith.maximumf %max3A_529, %get3A_538 : vector<16xf32>
        %add3A_540 = arith.addf %add3A_530, %get3A_538 : vector<16xf32>
        %mul3A_541 = arith.mulf %get3A_538, %get3A_538 : vector<16xf32>
        %add3A_542 = arith.addf %add3A_532, %mul3A_541 : vector<16xf32>
        %add3A_543 = arith.constant 3 : i32
        %add3A_544 = arith.addi %mul3A_100, %add3A_543 : i32
        %get3A_545 = arith.index_cast %add3A_544 : i32 to index
        %get3A_546 = arith.constant 32 : index
        %get3A_547 = tpu.vector_load %arg8[%get3A_545, %get3A_546] {strides = array<i32>} : memref<640x128xf32, #tpu.memory_space<vmem>>, vector<1x16xf32>,
        %get3A_548 = vector.shape_cast %get3A_547 : vector<1x16xf32> to vector<16xf32>
        %max3A_549 = arith.maximumf %max3A_539, %get3A_548 : vector<16xf32>
        %add3A_550 = arith.addf %add3A_540, %get3A_548 : vector<16xf32>
        %mul3A_551 = arith.mulf %get3A_548, %get3A_548 : vector<16xf32>
        %add3A_552 = arith.addf %add3A_542, %mul3A_551 : vector<16xf32>
        %add3A_553 = arith.constant 4 : i32
        %add3A_554 = arith.addi %mul3A_100, %add3A_553 : i32
        %get3A_555 = arith.index_cast %add3A_554 : i32 to index
        %get3A_556 = arith.constant 32 : index
        %get3A_557 = tpu.vector_load %arg8[%get3A_555, %get3A_556] {strides = array<i32>} : memref<640x128xf32, #tpu.memory_space<vmem>>, vector<1x16xf32>,
        %get3A_558 = vector.shape_cast %get3A_557 : vector<1x16xf32> to vector<16xf32>
        %max3A_559 = arith.maximumf %max3A_549, %get3A_558 : vector<16xf32>
        %add3A_560 = arith.addf %add3A_550, %get3A_558 : vector<16xf32>
        %mul3A_561 = arith.mulf %get3A_558, %get3A_558 : vector<16xf32>
        %add3A_562 = arith.addf %add3A_552, %mul3A_561 : vector<16xf32>
        %add3A_563 = arith.constant 5 : i32
        %add3A_564 = arith.addi %mul3A_100, %add3A_563 : i32
        %get3A_565 = arith.index_cast %add3A_564 : i32 to index
        %get3A_566 = arith.constant 32 : index
        %get3A_567 = tpu.vector_load %arg8[%get3A_565, %get3A_566] {strides = array<i32>} : memref<640x128xf32, #tpu.memory_space<vmem>>, vector<1x16xf32>,
        %get3A_568 = vector.shape_cast %get3A_567 : vector<1x16xf32> to vector<16xf32>
        %max3A_569 = arith.maximumf %max3A_559, %get3A_568 : vector<16xf32>
        %add3A_570 = arith.addf %add3A_560, %get3A_568 : vector<16xf32>
        %mul3A_571 = arith.mulf %get3A_568, %get3A_568 : vector<16xf32>
        %add3A_572 = arith.addf %add3A_562, %mul3A_571 : vector<16xf32>
        %add3A_573 = arith.constant 6 : i32
        %add3A_574 = arith.addi %mul3A_100, %add3A_573 : i32
        %get3A_575 = arith.index_cast %add3A_574 : i32 to index
        %get3A_576 = arith.constant 32 : index
        %get3A_577 = tpu.vector_load %arg8[%get3A_575, %get3A_576] {strides = array<i32>} : memref<640x128xf32, #tpu.memory_space<vmem>>, vector<1x16xf32>,
        %get3A_578 = vector.shape_cast %get3A_577 : vector<1x16xf32> to vector<16xf32>
        %max3A_579 = arith.maximumf %max3A_569, %get3A_578 : vector<16xf32>
        %add3A_580 = arith.addf %add3A_570, %get3A_578 : vector<16xf32>
        %mul3A_581 = arith.mulf %get3A_578, %get3A_578 : vector<16xf32>
        %add3A_582 = arith.addf %add3A_572, %mul3A_581 : vector<16xf32>
        %add3A_583 = arith.constant 7 : i32
        %add3A_584 = arith.addi %mul3A_100, %add3A_583 : i32
        %get3A_585 = arith.index_cast %add3A_584 : i32 to index
        %get3A_586 = arith.constant 32 : index
        %get3A_587 = tpu.vector_load %arg8[%get3A_585, %get3A_586] {strides = array<i32>} : memref<640x128xf32, #tpu.memory_space<vmem>>, vector<1x16xf32>,
        %get3A_588 = vector.shape_cast %get3A_587 : vector<1x16xf32> to vector<16xf32>
        %max3A_589 = arith.maximumf %max3A_579, %get3A_588 : vector<16xf32>
        %add3A_590 = arith.addf %add3A_580, %get3A_588 : vector<16xf32>
        %mul3A_591 = arith.mulf %get3A_588, %get3A_588 : vector<16xf32>
        %add3A_592 = arith.addf %add3A_582, %mul3A_591 : vector<16xf32>
        %add3A_593 = arith.constant 8 : i32
        %add3A_594 = arith.addi %mul3A_100, %add3A_593 : i32
        %get3A_595 = arith.index_cast %add3A_594 : i32 to index
        %get3A_596 = arith.constant 32 : index
        %get3A_597 = tpu.vector_load %arg8[%get3A_595, %get3A_596] {strides = array<i32>} : memref<640x128xf32, #tpu.memory_space<vmem>>, vector<1x16xf32>,
        %get3A_598 = vector.shape_cast %get3A_597 : vector<1x16xf32> to vector<16xf32>
        %max3A_599 = arith.maximumf %max3A_589, %get3A_598 : vector<16xf32>
        %add3A_600 = arith.addf %add3A_590, %get3A_598 : vector<16xf32>
        %mul3A_601 = arith.mulf %get3A_598, %get3A_598 : vector<16xf32>
        %add3A_602 = arith.addf %add3A_592, %mul3A_601 : vector<16xf32>
        %add3A_603 = arith.constant 9 : i32
        %add3A_604 = arith.addi %mul3A_100, %add3A_603 : i32
        %get3A_605 = arith.index_cast %add3A_604 : i32 to index
        %get3A_606 = arith.constant 32 : index
        %get3A_607 = tpu.vector_load %arg8[%get3A_605, %get3A_606] {strides = array<i32>} : memref<640x128xf32, #tpu.memory_space<vmem>>, vector<1x16xf32>,
        %get3A_608 = vector.shape_cast %get3A_607 : vector<1x16xf32> to vector<16xf32>
        %max3A_609 = arith.maximumf %max3A_599, %get3A_608 : vector<16xf32>
        %add3A_610 = arith.addf %add3A_600, %get3A_608 : vector<16xf32>
        %mul3A_611 = arith.mulf %get3A_608, %get3A_608 : vector<16xf32>
        %add3A_612 = arith.addf %add3A_602, %mul3A_611 : vector<16xf32>
        %add3A_613 = arith.constant 10 : i32
        %add3A_614 = arith.addi %mul3A_100, %add3A_613 : i32
        %get3A_615 = arith.index_cast %add3A_614 : i32 to index
        %get3A_616 = arith.constant 32 : index
        %get3A_617 = tpu.vector_load %arg8[%get3A_615, %get3A_616] {strides = array<i32>} : memref<640x128xf32, #tpu.memory_space<vmem>>, vector<1x16xf32>,
        %get3A_618 = vector.shape_cast %get3A_617 : vector<1x16xf32> to vector<16xf32>
        %max3A_619 = arith.maximumf %max3A_609, %get3A_618 : vector<16xf32>
        %add3A_620 = arith.addf %add3A_610, %get3A_618 : vector<16xf32>
        %mul3A_621 = arith.mulf %get3A_618, %get3A_618 : vector<16xf32>
        %add3A_622 = arith.addf %add3A_612, %mul3A_621 : vector<16xf32>
        %add3A_623 = arith.constant 11 : i32
        %add3A_624 = arith.addi %mul3A_100, %add3A_623 : i32
        %get3A_625 = arith.index_cast %add3A_624 : i32 to index
        %get3A_626 = arith.constant 32 : index
        %get3A_627 = tpu.vector_load %arg8[%get3A_625, %get3A_626] {strides = array<i32>} : memref<640x128xf32, #tpu.memory_space<vmem>>, vector<1x16xf32>,
        %get3A_628 = vector.shape_cast %get3A_627 : vector<1x16xf32> to vector<16xf32>
        %max3A_629 = arith.maximumf %max3A_619, %get3A_628 : vector<16xf32>
        %add3A_630 = arith.addf %add3A_620, %get3A_628 : vector<16xf32>
        %mul3A_631 = arith.mulf %get3A_628, %get3A_628 : vector<16xf32>
        %add3A_632 = arith.addf %add3A_622, %mul3A_631 : vector<16xf32>
        %add3A_633 = arith.constant 12 : i32
        %add3A_634 = arith.addi %mul3A_100, %add3A_633 : i32
        %get3A_635 = arith.index_cast %add3A_634 : i32 to index
        %get3A_636 = arith.constant 32 : index
        %get3A_637 = tpu.vector_load %arg8[%get3A_635, %get3A_636] {strides = array<i32>} : memref<640x128xf32, #tpu.memory_space<vmem>>, vector<1x16xf32>,
        %get3A_638 = vector.shape_cast %get3A_637 : vector<1x16xf32> to vector<16xf32>
        %max3A_639 = arith.maximumf %max3A_629, %get3A_638 : vector<16xf32>
        %add3A_640 = arith.addf %add3A_630, %get3A_638 : vector<16xf32>
        %mul3A_641 = arith.mulf %get3A_638, %get3A_638 : vector<16xf32>
        %add3A_642 = arith.addf %add3A_632, %mul3A_641 : vector<16xf32>
        %add3A_643 = arith.constant 13 : i32
        %add3A_644 = arith.addi %mul3A_100, %add3A_643 : i32
        %get3A_645 = arith.index_cast %add3A_644 : i32 to index
        %get3A_646 = arith.constant 32 : index
        %get3A_647 = tpu.vector_load %arg8[%get3A_645, %get3A_646] {strides = array<i32>} : memref<640x128xf32, #tpu.memory_space<vmem>>, vector<1x16xf32>,
        %get3A_648 = vector.shape_cast %get3A_647 : vector<1x16xf32> to vector<16xf32>
        %max3A_649 = arith.maximumf %max3A_639, %get3A_648 : vector<16xf32>
        %add3A_650 = arith.addf %add3A_640, %get3A_648 : vector<16xf32>
        %mul3A_651 = arith.mulf %get3A_648, %get3A_648 : vector<16xf32>
        %add3A_652 = arith.addf %add3A_642, %mul3A_651 : vector<16xf32>
        %add3A_653 = arith.constant 14 : i32
        %add3A_654 = arith.addi %mul3A_100, %add3A_653 : i32
        %get3A_655 = arith.index_cast %add3A_654 : i32 to index
        %get3A_656 = arith.constant 32 : index
        %get3A_657 = tpu.vector_load %arg8[%get3A_655, %get3A_656] {strides = array<i32>} : memref<640x128xf32, #tpu.memory_space<vmem>>, vector<1x16xf32>,
        %get3A_658 = vector.shape_cast %get3A_657 : vector<1x16xf32> to vector<16xf32>
        %max3A_659 = arith.maximumf %max3A_649, %get3A_658 : vector<16xf32>
        %add3A_660 = arith.addf %add3A_650, %get3A_658 : vector<16xf32>
        %mul3A_661 = arith.mulf %get3A_658, %get3A_658 : vector<16xf32>
        %add3A_662 = arith.addf %add3A_652, %mul3A_661 : vector<16xf32>
        %add3A_663 = arith.constant 15 : i32
        %add3A_664 = arith.addi %mul3A_100, %add3A_663 : i32
        %get3A_665 = arith.index_cast %add3A_664 : i32 to index
        %get3A_666 = arith.constant 32 : index
        %get3A_667 = tpu.vector_load %arg8[%get3A_665, %get3A_666] {strides = array<i32>} : memref<640x128xf32, #tpu.memory_space<vmem>>, vector<1x16xf32>,
        %get3A_668 = vector.shape_cast %get3A_667 : vector<1x16xf32> to vector<16xf32>
        %max3A_669 = arith.maximumf %max3A_659, %get3A_668 : vector<16xf32>
        %add3A_670 = arith.addf %add3A_660, %get3A_668 : vector<16xf32>
        %mul3A_671 = arith.mulf %get3A_668, %get3A_668 : vector<16xf32>
        %add3A_672 = arith.addf %add3A_662, %mul3A_671 : vector<16xf32>
        %add3A_673 = arith.constant 16 : i32
        %add3A_674 = arith.addi %mul3A_100, %add3A_673 : i32
        %get3A_675 = arith.index_cast %add3A_674 : i32 to index
        %get3A_676 = arith.constant 32 : index
        %get3A_677 = tpu.vector_load %arg8[%get3A_675, %get3A_676] {strides = array<i32>} : memref<640x128xf32, #tpu.memory_space<vmem>>, vector<1x16xf32>,
        %get3A_678 = vector.shape_cast %get3A_677 : vector<1x16xf32> to vector<16xf32>
        %max3A_679 = arith.maximumf %max3A_669, %get3A_678 : vector<16xf32>
        %add3A_680 = arith.addf %add3A_670, %get3A_678 : vector<16xf32>
        %mul3A_681 = arith.mulf %get3A_678, %get3A_678 : vector<16xf32>
        %add3A_682 = arith.addf %add3A_672, %mul3A_681 : vector<16xf32>
        %add3A_683 = arith.constant 17 : i32
        %add3A_684 = arith.addi %mul3A_100, %add3A_683 : i32
        %get3A_685 = arith.index_cast %add3A_684 : i32 to index
        %get3A_686 = arith.constant 32 : index
        %get3A_687 = tpu.vector_load %arg8[%get3A_685, %get3A_686] {strides = array<i32>} : memref<640x128xf32, #tpu.memory_space<vmem>>, vector<1x16xf32>,
        %get3A_688 = vector.shape_cast %get3A_687 : vector<1x16xf32> to vector<16xf32>
        %max3A_689 = arith.maximumf %max3A_679, %get3A_688 : vector<16xf32>
        %add3A_690 = arith.addf %add3A_680, %get3A_688 : vector<16xf32>
        %mul3A_691 = arith.mulf %get3A_688, %get3A_688 : vector<16xf32>
        %add3A_692 = arith.addf %add3A_682, %mul3A_691 : vector<16xf32>
        %add3A_693 = arith.constant 18 : i32
        %add3A_694 = arith.addi %mul3A_100, %add3A_693 : i32
        %get3A_695 = arith.index_cast %add3A_694 : i32 to index
        %get3A_696 = arith.constant 32 : index
        %get3A_697 = tpu.vector_load %arg8[%get3A_695, %get3A_696] {strides = array<i32>} : memref<640x128xf32, #tpu.memory_space<vmem>>, vector<1x16xf32>,
        %get3A_698 = vector.shape_cast %get3A_697 : vector<1x16xf32> to vector<16xf32>
        %max3A_699 = arith.maximumf %max3A_689, %get3A_698 : vector<16xf32>
        %add3A_700 = arith.addf %add3A_690, %get3A_698 : vector<16xf32>
        %mul3A_701 = arith.mulf %get3A_698, %get3A_698 : vector<16xf32>
        %add3A_702 = arith.addf %add3A_692, %mul3A_701 : vector<16xf32>
        %add3A_703 = arith.constant 19 : i32
        %add3A_704 = arith.addi %mul3A_100, %add3A_703 : i32
        %get3A_705 = arith.index_cast %add3A_704 : i32 to index
        %get3A_706 = arith.constant 32 : index
        %get3A_707 = tpu.vector_load %arg8[%get3A_705, %get3A_706] {strides = array<i32>} : memref<640x128xf32, #tpu.memory_space<vmem>>, vector<1x16xf32>,
        %get3A_708 = vector.shape_cast %get3A_707 : vector<1x16xf32> to vector<16xf32>
        %max3A_709 = arith.maximumf %max3A_699, %get3A_708 : vector<16xf32>
        %add3A_710 = arith.addf %add3A_700, %get3A_708 : vector<16xf32>
        %mul3A_711 = arith.mulf %get3A_708, %get3A_708 : vector<16xf32>
        %add3A_712 = arith.addf %add3A_702, %mul3A_711 : vector<16xf32>
        %swap3A_713 = arith.index_cast %scan3A_98 : i32 to index
        %swap3A_714 = arith.constant 32 : index
        %swap3A_715 = tpu.vector_load %arg9[%swap3A_713, %swap3A_714] {strides = array<i32>} : memref<32x128xf32, #tpu.memory_space<vmem>>, vector<1x16xf32>,
        %swap3A_716 = vector.shape_cast %swap3A_715 : vector<1x16xf32> to vector<16xf32>
        %swap3A_717 = vector.shape_cast %max3A_709 : vector<16xf32> to vector<1x16xf32>
        tpu.vector_store %arg9[%swap3A_713, %swap3A_714], %swap3A_717 {strides = array<i32>} : memref<32x128xf32, #tpu.memory_space<vmem>>, vector<1x16xf32>,
        %swap3A_718 = arith.index_cast %scan3A_98 : i32 to index
        %swap3A_719 = arith.constant 32 : index
        %swap3A_720 = tpu.vector_load %arg10[%swap3A_718, %swap3A_719] {strides = array<i32>} : memref<32x128xf32, #tpu.memory_space<vmem>>, vector<1x16xf32>,
        %swap3A_721 = vector.shape_cast %swap3A_720 : vector<1x16xf32> to vector<16xf32>
        %swap3A_722 = vector.shape_cast %add3A_710 : vector<16xf32> to vector<1x16xf32>
        tpu.vector_store %arg10[%swap3A_718, %swap3A_719], %swap3A_722 {strides = array<i32>} : memref<32x128xf32, #tpu.memory_space<vmem>>, vector<1x16xf32>,
        %swap3A_723 = arith.index_cast %scan3A_98 : i32 to index
        %swap3A_724 = arith.constant 32 : index
        %swap3A_725 = tpu.vector_load %arg11[%swap3A_723, %swap3A_724] {strides = array<i32>} : memref<32x128xf32, #tpu.memory_space<vmem>>, vector<1x16xf32>,
        %swap3A_726 = vector.shape_cast %swap3A_725 : vector<1x16xf32> to vector<16xf32>
        %swap3A_727 = vector.shape_cast %add3A_712 : vector<16xf32> to vector<1x16xf32>
        tpu.vector_store %arg11[%swap3A_723, %swap3A_724], %swap3A_727 {strides = array<i32>} : memref<32x128xf32, #tpu.memory_space<vmem>>, vector<1x16xf32>,
        %get3A_728 = arith.index_cast %mul3A_100 : i32 to index
        %get3A_729 = arith.constant 48 : index
        %get3A_730 = tpu.vector_load %arg8[%get3A_728, %get3A_729] {strides = array<i32>} : memref<640x128xf32, #tpu.memory_space<vmem>>, vector<1x16xf32>,
        %get3A_731 = vector.shape_cast %get3A_730 : vector<1x16xf32> to vector<16xf32>
        %mul3A_732 = arith.mulf %get3A_731, %get3A_731 : vector<16xf32>
        %add3A_733 = arith.constant 1 : i32
        %add3A_734 = arith.addi %mul3A_100, %add3A_733 : i32
        %get3A_735 = arith.index_cast %add3A_734 : i32 to index
        %get3A_736 = arith.constant 48 : index
        %get3A_737 = tpu.vector_load %arg8[%get3A_735, %get3A_736] {strides = array<i32>} : memref<640x128xf32, #tpu.memory_space<vmem>>, vector<1x16xf32>,
        %get3A_738 = vector.shape_cast %get3A_737 : vector<1x16xf32> to vector<16xf32>
        %max3A_739 = arith.maximumf %get3A_731, %get3A_738 : vector<16xf32>
        %add3A_740 = arith.addf %get3A_731, %get3A_738 : vector<16xf32>
        %mul3A_741 = arith.mulf %get3A_738, %get3A_738 : vector<16xf32>
        %add3A_742 = arith.addf %mul3A_732, %mul3A_741 : vector<16xf32>
        %add3A_743 = arith.constant 2 : i32
        %add3A_744 = arith.addi %mul3A_100, %add3A_743 : i32
        %get3A_745 = arith.index_cast %add3A_744 : i32 to index
        %get3A_746 = arith.constant 48 : index
        %get3A_747 = tpu.vector_load %arg8[%get3A_745, %get3A_746] {strides = array<i32>} : memref<640x128xf32, #tpu.memory_space<vmem>>, vector<1x16xf32>,
        %get3A_748 = vector.shape_cast %get3A_747 : vector<1x16xf32> to vector<16xf32>
        %max3A_749 = arith.maximumf %max3A_739, %get3A_748 : vector<16xf32>
        %add3A_750 = arith.addf %add3A_740, %get3A_748 : vector<16xf32>
        %mul3A_751 = arith.mulf %get3A_748, %get3A_748 : vector<16xf32>
        %add3A_752 = arith.addf %add3A_742, %mul3A_751 : vector<16xf32>
        %add3A_753 = arith.constant 3 : i32
        %add3A_754 = arith.addi %mul3A_100, %add3A_753 : i32
        %get3A_755 = arith.index_cast %add3A_754 : i32 to index
        %get3A_756 = arith.constant 48 : index
        %get3A_757 = tpu.vector_load %arg8[%get3A_755, %get3A_756] {strides = array<i32>} : memref<640x128xf32, #tpu.memory_space<vmem>>, vector<1x16xf32>,
        %get3A_758 = vector.shape_cast %get3A_757 : vector<1x16xf32> to vector<16xf32>
        %max3A_759 = arith.maximumf %max3A_749, %get3A_758 : vector<16xf32>
        %add3A_760 = arith.addf %add3A_750, %get3A_758 : vector<16xf32>
        %mul3A_761 = arith.mulf %get3A_758, %get3A_758 : vector<16xf32>
        %add3A_762 = arith.addf %add3A_752, %mul3A_761 : vector<16xf32>
        %add3A_763 = arith.constant 4 : i32
        %add3A_764 = arith.addi %mul3A_100, %add3A_763 : i32
        %get3A_765 = arith.index_cast %add3A_764 : i32 to index
        %get3A_766 = arith.constant 48 : index
        %get3A_767 = tpu.vector_load %arg8[%get3A_765, %get3A_766] {strides = array<i32>} : memref<640x128xf32, #tpu.memory_space<vmem>>, vector<1x16xf32>,
        %get3A_768 = vector.shape_cast %get3A_767 : vector<1x16xf32> to vector<16xf32>
        %max3A_769 = arith.maximumf %max3A_759, %get3A_768 : vector<16xf32>
        %add3A_770 = arith.addf %add3A_760, %get3A_768 : vector<16xf32>
        %mul3A_771 = arith.mulf %get3A_768, %get3A_768 : vector<16xf32>
        %add3A_772 = arith.addf %add3A_762, %mul3A_771 : vector<16xf32>
        %add3A_773 = arith.constant 5 : i32
        %add3A_774 = arith.addi %mul3A_100, %add3A_773 : i32
        %get3A_775 = arith.index_cast %add3A_774 : i32 to index
        %get3A_776 = arith.constant 48 : index
        %get3A_777 = tpu.vector_load %arg8[%get3A_775, %get3A_776] {strides = array<i32>} : memref<640x128xf32, #tpu.memory_space<vmem>>, vector<1x16xf32>,
        %get3A_778 = vector.shape_cast %get3A_777 : vector<1x16xf32> to vector<16xf32>
        %max3A_779 = arith.maximumf %max3A_769, %get3A_778 : vector<16xf32>
        %add3A_780 = arith.addf %add3A_770, %get3A_778 : vector<16xf32>
        %mul3A_781 = arith.mulf %get3A_778, %get3A_778 : vector<16xf32>
        %add3A_782 = arith.addf %add3A_772, %mul3A_781 : vector<16xf32>
        %add3A_783 = arith.constant 6 : i32
        %add3A_784 = arith.addi %mul3A_100, %add3A_783 : i32
        %get3A_785 = arith.index_cast %add3A_784 : i32 to index
        %get3A_786 = arith.constant 48 : index
        %get3A_787 = tpu.vector_load %arg8[%get3A_785, %get3A_786] {strides = array<i32>} : memref<640x128xf32, #tpu.memory_space<vmem>>, vector<1x16xf32>,
        %get3A_788 = vector.shape_cast %get3A_787 : vector<1x16xf32> to vector<16xf32>
        %max3A_789 = arith.maximumf %max3A_779, %get3A_788 : vector<16xf32>
        %add3A_790 = arith.addf %add3A_780, %get3A_788 : vector<16xf32>
        %mul3A_791 = arith.mulf %get3A_788, %get3A_788 : vector<16xf32>
        %add3A_792 = arith.addf %add3A_782, %mul3A_791 : vector<16xf32>
        %add3A_793 = arith.constant 7 : i32
        %add3A_794 = arith.addi %mul3A_100, %add3A_793 : i32
        %get3A_795 = arith.index_cast %add3A_794 : i32 to index
        %get3A_796 = arith.constant 48 : index
        %get3A_797 = tpu.vector_load %arg8[%get3A_795, %get3A_796] {strides = array<i32>} : memref<640x128xf32, #tpu.memory_space<vmem>>, vector<1x16xf32>,
        %get3A_798 = vector.shape_cast %get3A_797 : vector<1x16xf32> to vector<16xf32>
        %max3A_799 = arith.maximumf %max3A_789, %get3A_798 : vector<16xf32>
        %add3A_800 = arith.addf %add3A_790, %get3A_798 : vector<16xf32>
        %mul3A_801 = arith.mulf %get3A_798, %get3A_798 : vector<16xf32>
        %add3A_802 = arith.addf %add3A_792, %mul3A_801 : vector<16xf32>
        %add3A_803 = arith.constant 8 : i32
        %add3A_804 = arith.addi %mul3A_100, %add3A_803 : i32
        %get3A_805 = arith.index_cast %add3A_804 : i32 to index
        %get3A_806 = arith.constant 48 : index
        %get3A_807 = tpu.vector_load %arg8[%get3A_805, %get3A_806] {strides = array<i32>} : memref<640x128xf32, #tpu.memory_space<vmem>>, vector<1x16xf32>,
        %get3A_808 = vector.shape_cast %get3A_807 : vector<1x16xf32> to vector<16xf32>
        %max3A_809 = arith.maximumf %max3A_799, %get3A_808 : vector<16xf32>
        %add3A_810 = arith.addf %add3A_800, %get3A_808 : vector<16xf32>
        %mul3A_811 = arith.mulf %get3A_808, %get3A_808 : vector<16xf32>
        %add3A_812 = arith.addf %add3A_802, %mul3A_811 : vector<16xf32>
        %add3A_813 = arith.constant 9 : i32
        %add3A_814 = arith.addi %mul3A_100, %add3A_813 : i32
        %get3A_815 = arith.index_cast %add3A_814 : i32 to index
        %get3A_816 = arith.constant 48 : index
        %get3A_817 = tpu.vector_load %arg8[%get3A_815, %get3A_816] {strides = array<i32>} : memref<640x128xf32, #tpu.memory_space<vmem>>, vector<1x16xf32>,
        %get3A_818 = vector.shape_cast %get3A_817 : vector<1x16xf32> to vector<16xf32>
        %max3A_819 = arith.maximumf %max3A_809, %get3A_818 : vector<16xf32>
        %add3A_820 = arith.addf %add3A_810, %get3A_818 : vector<16xf32>
        %mul3A_821 = arith.mulf %get3A_818, %get3A_818 : vector<16xf32>
        %add3A_822 = arith.addf %add3A_812, %mul3A_821 : vector<16xf32>
        %add3A_823 = arith.constant 10 : i32
        %add3A_824 = arith.addi %mul3A_100, %add3A_823 : i32
        %get3A_825 = arith.index_cast %add3A_824 : i32 to index
        %get3A_826 = arith.constant 48 : index
        %get3A_827 = tpu.vector_load %arg8[%get3A_825, %get3A_826] {strides = array<i32>} : memref<640x128xf32, #tpu.memory_space<vmem>>, vector<1x16xf32>,
        %get3A_828 = vector.shape_cast %get3A_827 : vector<1x16xf32> to vector<16xf32>
        %max3A_829 = arith.maximumf %max3A_819, %get3A_828 : vector<16xf32>
        %add3A_830 = arith.addf %add3A_820, %get3A_828 : vector<16xf32>
        %mul3A_831 = arith.mulf %get3A_828, %get3A_828 : vector<16xf32>
        %add3A_832 = arith.addf %add3A_822, %mul3A_831 : vector<16xf32>
        %add3A_833 = arith.constant 11 : i32
        %add3A_834 = arith.addi %mul3A_100, %add3A_833 : i32
        %get3A_835 = arith.index_cast %add3A_834 : i32 to index
        %get3A_836 = arith.constant 48 : index
        %get3A_837 = tpu.vector_load %arg8[%get3A_835, %get3A_836] {strides = array<i32>} : memref<640x128xf32, #tpu.memory_space<vmem>>, vector<1x16xf32>,
        %get3A_838 = vector.shape_cast %get3A_837 : vector<1x16xf32> to vector<16xf32>
        %max3A_839 = arith.maximumf %max3A_829, %get3A_838 : vector<16xf32>
        %add3A_840 = arith.addf %add3A_830, %get3A_838 : vector<16xf32>
        %mul3A_841 = arith.mulf %get3A_838, %get3A_838 : vector<16xf32>
        %add3A_842 = arith.addf %add3A_832, %mul3A_841 : vector<16xf32>
        %add3A_843 = arith.constant 12 : i32
        %add3A_844 = arith.addi %mul3A_100, %add3A_843 : i32
        %get3A_845 = arith.index_cast %add3A_844 : i32 to index
        %get3A_846 = arith.constant 48 : index
        %get3A_847 = tpu.vector_load %arg8[%get3A_845, %get3A_846] {strides = array<i32>} : memref<640x128xf32, #tpu.memory_space<vmem>>, vector<1x16xf32>,
        %get3A_848 = vector.shape_cast %get3A_847 : vector<1x16xf32> to vector<16xf32>
        %max3A_849 = arith.maximumf %max3A_839, %get3A_848 : vector<16xf32>
        %add3A_850 = arith.addf %add3A_840, %get3A_848 : vector<16xf32>
        %mul3A_851 = arith.mulf %get3A_848, %get3A_848 : vector<16xf32>
        %add3A_852 = arith.addf %add3A_842, %mul3A_851 : vector<16xf32>
        %add3A_853 = arith.constant 13 : i32
        %add3A_854 = arith.addi %mul3A_100, %add3A_853 : i32
        %get3A_855 = arith.index_cast %add3A_854 : i32 to index
        %get3A_856 = arith.constant 48 : index
        %get3A_857 = tpu.vector_load %arg8[%get3A_855, %get3A_856] {strides = array<i32>} : memref<640x128xf32, #tpu.memory_space<vmem>>, vector<1x16xf32>,
        %get3A_858 = vector.shape_cast %get3A_857 : vector<1x16xf32> to vector<16xf32>
        %max3A_859 = arith.maximumf %max3A_849, %get3A_858 : vector<16xf32>
        %add3A_860 = arith.addf %add3A_850, %get3A_858 : vector<16xf32>
        %mul3A_861 = arith.mulf %get3A_858, %get3A_858 : vector<16xf32>
        %add3A_862 = arith.addf %add3A_852, %mul3A_861 : vector<16xf32>
        %add3A_863 = arith.constant 14 : i32
        %add3A_864 = arith.addi %mul3A_100, %add3A_863 : i32
        %get3A_865 = arith.index_cast %add3A_864 : i32 to index
        %get3A_866 = arith.constant 48 : index
        %get3A_867 = tpu.vector_load %arg8[%get3A_865, %get3A_866] {strides = array<i32>} : memref<640x128xf32, #tpu.memory_space<vmem>>, vector<1x16xf32>,
        %get3A_868 = vector.shape_cast %get3A_867 : vector<1x16xf32> to vector<16xf32>
        %max3A_869 = arith.maximumf %max3A_859, %get3A_868 : vector<16xf32>
        %add3A_870 = arith.addf %add3A_860, %get3A_868 : vector<16xf32>
        %mul3A_871 = arith.mulf %get3A_868, %get3A_868 : vector<16xf32>
        %add3A_872 = arith.addf %add3A_862, %mul3A_871 : vector<16xf32>
        %add3A_873 = arith.constant 15 : i32
        %add3A_874 = arith.addi %mul3A_100, %add3A_873 : i32
        %get3A_875 = arith.index_cast %add3A_874 : i32 to index
        %get3A_876 = arith.constant 48 : index
        %get3A_877 = tpu.vector_load %arg8[%get3A_875, %get3A_876] {strides = array<i32>} : memref<640x128xf32, #tpu.memory_space<vmem>>, vector<1x16xf32>,
        %get3A_878 = vector.shape_cast %get3A_877 : vector<1x16xf32> to vector<16xf32>
        %max3A_879 = arith.maximumf %max3A_869, %get3A_878 : vector<16xf32>
        %add3A_880 = arith.addf %add3A_870, %get3A_878 : vector<16xf32>
        %mul3A_881 = arith.mulf %get3A_878, %get3A_878 : vector<16xf32>
        %add3A_882 = arith.addf %add3A_872, %mul3A_881 : vector<16xf32>
        %add3A_883 = arith.constant 16 : i32
        %add3A_884 = arith.addi %mul3A_100, %add3A_883 : i32
        %get3A_885 = arith.index_cast %add3A_884 : i32 to index
        %get3A_886 = arith.constant 48 : index
        %get3A_887 = tpu.vector_load %arg8[%get3A_885, %get3A_886] {strides = array<i32>} : memref<640x128xf32, #tpu.memory_space<vmem>>, vector<1x16xf32>,
        %get3A_888 = vector.shape_cast %get3A_887 : vector<1x16xf32> to vector<16xf32>
        %max3A_889 = arith.maximumf %max3A_879, %get3A_888 : vector<16xf32>
        %add3A_890 = arith.addf %add3A_880, %get3A_888 : vector<16xf32>
        %mul3A_891 = arith.mulf %get3A_888, %get3A_888 : vector<16xf32>
        %add3A_892 = arith.addf %add3A_882, %mul3A_891 : vector<16xf32>
        %add3A_893 = arith.constant 17 : i32
        %add3A_894 = arith.addi %mul3A_100, %add3A_893 : i32
        %get3A_895 = arith.index_cast %add3A_894 : i32 to index
        %get3A_896 = arith.constant 48 : index
        %get3A_897 = tpu.vector_load %arg8[%get3A_895, %get3A_896] {strides = array<i32>} : memref<640x128xf32, #tpu.memory_space<vmem>>, vector<1x16xf32>,
        %get3A_898 = vector.shape_cast %get3A_897 : vector<1x16xf32> to vector<16xf32>
        %max3A_899 = arith.maximumf %max3A_889, %get3A_898 : vector<16xf32>
        %add3A_900 = arith.addf %add3A_890, %get3A_898 : vector<16xf32>
        %mul3A_901 = arith.mulf %get3A_898, %get3A_898 : vector<16xf32>
        %add3A_902 = arith.addf %add3A_892, %mul3A_901 : vector<16xf32>
        %add3A_903 = arith.constant 18 : i32
        %add3A_904 = arith.addi %mul3A_100, %add3A_903 : i32
        %get3A_905 = arith.index_cast %add3A_904 : i32 to index
        %get3A_906 = arith.constant 48 : index
        %get3A_907 = tpu.vector_load %arg8[%get3A_905, %get3A_906] {strides = array<i32>} : memref<640x128xf32, #tpu.memory_space<vmem>>, vector<1x16xf32>,
        %get3A_908 = vector.shape_cast %get3A_907 : vector<1x16xf32> to vector<16xf32>
        %max3A_909 = arith.maximumf %max3A_899, %get3A_908 : vector<16xf32>
        %add3A_910 = arith.addf %add3A_900, %get3A_908 : vector<16xf32>
        %mul3A_911 = arith.mulf %get3A_908, %get3A_908 : vector<16xf32>
        %add3A_912 = arith.addf %add3A_902, %mul3A_911 : vector<16xf32>
        %add3A_913 = arith.constant 19 : i32
        %add3A_914 = arith.addi %mul3A_100, %add3A_913 : i32
        %get3A_915 = arith.index_cast %add3A_914 : i32 to index
        %get3A_916 = arith.constant 48 : index
        %get3A_917 = tpu.vector_load %arg8[%get3A_915, %get3A_916] {strides = array<i32>} : memref<640x128xf32, #tpu.memory_space<vmem>>, vector<1x16xf32>,
        %get3A_918 = vector.shape_cast %get3A_917 : vector<1x16xf32> to vector<16xf32>
        %max3A_919 = arith.maximumf %max3A_909, %get3A_918 : vector<16xf32>
        %add3A_920 = arith.addf %add3A_910, %get3A_918 : vector<16xf32>
        %mul3A_921 = arith.mulf %get3A_918, %get3A_918 : vector<16xf32>
        %add3A_922 = arith.addf %add3A_912, %mul3A_921 : vector<16xf32>
        %swap3A_923 = arith.index_cast %scan3A_98 : i32 to index
        %swap3A_924 = arith.constant 48 : index
        %swap3A_925 = tpu.vector_load %arg9[%swap3A_923, %swap3A_924] {strides = array<i32>} : memref<32x128xf32, #tpu.memory_space<vmem>>, vector<1x16xf32>,
        %swap3A_926 = vector.shape_cast %swap3A_925 : vector<1x16xf32> to vector<16xf32>
        %swap3A_927 = vector.shape_cast %max3A_919 : vector<16xf32> to vector<1x16xf32>
        tpu.vector_store %arg9[%swap3A_923, %swap3A_924], %swap3A_927 {strides = array<i32>} : memref<32x128xf32, #tpu.memory_space<vmem>>, vector<1x16xf32>,
        %swap3A_928 = arith.index_cast %scan3A_98 : i32 to index
        %swap3A_929 = arith.constant 48 : index
        %swap3A_930 = tpu.vector_load %arg10[%swap3A_928, %swap3A_929] {strides = array<i32>} : memref<32x128xf32, #tpu.memory_space<vmem>>, vector<1x16xf32>,
        %swap3A_931 = vector.shape_cast %swap3A_930 : vector<1x16xf32> to vector<16xf32>
        %swap3A_932 = vector.shape_cast %add3A_920 : vector<16xf32> to vector<1x16xf32>
        tpu.vector_store %arg10[%swap3A_928, %swap3A_929], %swap3A_932 {strides = array<i32>} : memref<32x128xf32, #tpu.memory_space<vmem>>, vector<1x16xf32>,
        %swap3A_933 = arith.index_cast %scan3A_98 : i32 to index
        %swap3A_934 = arith.constant 48 : index
        %swap3A_935 = tpu.vector_load %arg11[%swap3A_933, %swap3A_934] {strides = array<i32>} : memref<32x128xf32, #tpu.memory_space<vmem>>, vector<1x16xf32>,
        %swap3A_936 = vector.shape_cast %swap3A_935 : vector<1x16xf32> to vector<16xf32>
        %swap3A_937 = vector.shape_cast %add3A_922 : vector<16xf32> to vector<1x16xf32>
        tpu.vector_store %arg11[%swap3A_933, %swap3A_934], %swap3A_937 {strides = array<i32>} : memref<32x128xf32, #tpu.memory_space<vmem>>, vector<1x16xf32>,
        %get3A_938 = arith.index_cast %mul3A_100 : i32 to index
        %get3A_939 = arith.constant 64 : index
        %get3A_940 = tpu.vector_load %arg8[%get3A_938, %get3A_939] {strides = array<i32>} : memref<640x128xf32, #tpu.memory_space<vmem>>, vector<1x16xf32>,
        %get3A_941 = vector.shape_cast %get3A_940 : vector<1x16xf32> to vector<16xf32>
        %mul3A_942 = arith.mulf %get3A_941, %get3A_941 : vector<16xf32>
        %add3A_943 = arith.constant 1 : i32
        %add3A_944 = arith.addi %mul3A_100, %add3A_943 : i32
        %get3A_945 = arith.index_cast %add3A_944 : i32 to index
        %get3A_946 = arith.constant 64 : index
        %get3A_947 = tpu.vector_load %arg8[%get3A_945, %get3A_946] {strides = array<i32>} : memref<640x128xf32, #tpu.memory_space<vmem>>, vector<1x16xf32>,
        %get3A_948 = vector.shape_cast %get3A_947 : vector<1x16xf32> to vector<16xf32>
        %max3A_949 = arith.maximumf %get3A_941, %get3A_948 : vector<16xf32>
        %add3A_950 = arith.addf %get3A_941, %get3A_948 : vector<16xf32>
        %mul3A_951 = arith.mulf %get3A_948, %get3A_948 : vector<16xf32>
        %add3A_952 = arith.addf %mul3A_942, %mul3A_951 : vector<16xf32>
        %add3A_953 = arith.constant 2 : i32
        %add3A_954 = arith.addi %mul3A_100, %add3A_953 : i32
        %get3A_955 = arith.index_cast %add3A_954 : i32 to index
        %get3A_956 = arith.constant 64 : index
        %get3A_957 = tpu.vector_load %arg8[%get3A_955, %get3A_956] {strides = array<i32>} : memref<640x128xf32, #tpu.memory_space<vmem>>, vector<1x16xf32>,
        %get3A_958 = vector.shape_cast %get3A_957 : vector<1x16xf32> to vector<16xf32>
        %max3A_959 = arith.maximumf %max3A_949, %get3A_958 : vector<16xf32>
        %add3A_960 = arith.addf %add3A_950, %get3A_958 : vector<16xf32>
        %mul3A_961 = arith.mulf %get3A_958, %get3A_958 : vector<16xf32>
        %add3A_962 = arith.addf %add3A_952, %mul3A_961 : vector<16xf32>
        %add3A_963 = arith.constant 3 : i32
        %add3A_964 = arith.addi %mul3A_100, %add3A_963 : i32
        %get3A_965 = arith.index_cast %add3A_964 : i32 to index
        %get3A_966 = arith.constant 64 : index
        %get3A_967 = tpu.vector_load %arg8[%get3A_965, %get3A_966] {strides = array<i32>} : memref<640x128xf32, #tpu.memory_space<vmem>>, vector<1x16xf32>,
        %get3A_968 = vector.shape_cast %get3A_967 : vector<1x16xf32> to vector<16xf32>
        %max3A_969 = arith.maximumf %max3A_959, %get3A_968 : vector<16xf32>
        %add3A_970 = arith.addf %add3A_960, %get3A_968 : vector<16xf32>
        %mul3A_971 = arith.mulf %get3A_968, %get3A_968 : vector<16xf32>
        %add3A_972 = arith.addf %add3A_962, %mul3A_971 : vector<16xf32>
        %add3A_973 = arith.constant 4 : i32
        %add3A_974 = arith.addi %mul3A_100, %add3A_973 : i32
        %get3A_975 = arith.index_cast %add3A_974 : i32 to index
        %get3A_976 = arith.constant 64 : index
        %get3A_977 = tpu.vector_load %arg8[%get3A_975, %get3A_976] {strides = array<i32>} : memref<640x128xf32, #tpu.memory_space<vmem>>, vector<1x16xf32>,
        %get3A_978 = vector.shape_cast %get3A_977 : vector<1x16xf32> to vector<16xf32>
        %max3A_979 = arith.maximumf %max3A_969, %get3A_978 : vector<16xf32>
        %add3A_980 = arith.addf %add3A_970, %get3A_978 : vector<16xf32>
        %mul3A_981 = arith.mulf %get3A_978, %get3A_978 : vector<16xf32>
        %add3A_982 = arith.addf %add3A_972, %mul3A_981 : vector<16xf32>
        %add3A_983 = arith.constant 5 : i32
        %add3A_984 = arith.addi %mul3A_100, %add3A_983 : i32
        %get3A_985 = arith.index_cast %add3A_984 : i32 to index
        %get3A_986 = arith.constant 64 : index
        %get3A_987 = tpu.vector_load %arg8[%get3A_985, %get3A_986] {strides = array<i32>} : memref<640x128xf32, #tpu.memory_space<vmem>>, vector<1x16xf32>,
        %get3A_988 = vector.shape_cast %get3A_987 : vector<1x16xf32> to vector<16xf32>
        %max3A_989 = arith.maximumf %max3A_979, %get3A_988 : vector<16xf32>
        %add3A_990 = arith.addf %add3A_980, %get3A_988 : vector<16xf32>
        %mul3A_991 = arith.mulf %get3A_988, %get3A_988 : vector<16xf32>
        %add3A_992 = arith.addf %add3A_982, %mul3A_991 : vector<16xf32>
        %add3A_993 = arith.constant 6 : i32
        %add3A_994 = arith.addi %mul3A_100, %add3A_993 : i32
        %get3A_995 = arith.index_cast %add3A_994 : i32 to index
        %get3A_996 = arith.constant 64 : index
        %get3A_997 = tpu.vector_load %arg8[%get3A_995, %get3A_996] {strides = array<i32>} : memref<640x128xf32, #tpu.memory_space<vmem>>, vector<1x16xf32>,
        %get3A_998 = vector.shape_cast %get3A_997 : vector<1x16xf32> to vector<16xf32>
        %max3A_999 = arith.maximumf %max3A_989, %get3A_998 : vector<16xf32>
        %add3A_1000 = arith.addf %add3A_990, %get3A_998 : vector<16xf32>
        %mul3A_1001 = arith.mulf %get3A_998, %get3A_998 : vector<16xf32>
        %add3A_1002 = arith.addf %add3A_992, %mul3A_1001 : vector<16xf32>
        %add3A_1003 = arith.constant 7 : i32
        %add3A_1004 = arith.addi %mul3A_100, %add3A_1003 : i32
        %get3A_1005 = arith.index_cast %add3A_1004 : i32 to index
        %get3A_1006 = arith.constant 64 : index
        %get3A_1007 = tpu.vector_load %arg8[%get3A_1005, %get3A_1006] {strides = array<i32>} : memref<640x128xf32, #tpu.memory_space<vmem>>, vector<1x16xf32>,
        %get3A_1008 = vector.shape_cast %get3A_1007 : vector<1x16xf32> to vector<16xf32>
        %max3A_1009 = arith.maximumf %max3A_999, %get3A_1008 : vector<16xf32>
        %add3A_1010 = arith.addf %add3A_1000, %get3A_1008 : vector<16xf32>
        %mul3A_1011 = arith.mulf %get3A_1008, %get3A_1008 : vector<16xf32>
        %add3A_1012 = arith.addf %add3A_1002, %mul3A_1011 : vector<16xf32>
        %add3A_1013 = arith.constant 8 : i32
        %add3A_1014 = arith.addi %mul3A_100, %add3A_1013 : i32
        %get3A_1015 = arith.index_cast %add3A_1014 : i32 to index
        %get3A_1016 = arith.constant 64 : index
        %get3A_1017 = tpu.vector_load %arg8[%get3A_1015, %get3A_1016] {strides = array<i32>} : memref<640x128xf32, #tpu.memory_space<vmem>>, vector<1x16xf32>,
        %get3A_1018 = vector.shape_cast %get3A_1017 : vector<1x16xf32> to vector<16xf32>
        %max3A_1019 = arith.maximumf %max3A_1009, %get3A_1018 : vector<16xf32>
        %add3A_1020 = arith.addf %add3A_1010, %get3A_1018 : vector<16xf32>
        %mul3A_1021 = arith.mulf %get3A_1018, %get3A_1018 : vector<16xf32>
        %add3A_1022 = arith.addf %add3A_1012, %mul3A_1021 : vector<16xf32>
        %add3A_1023 = arith.constant 9 : i32
        %add3A_1024 = arith.addi %mul3A_100, %add3A_1023 : i32
        %get3A_1025 = arith.index_cast %add3A_1024 : i32 to index
        %get3A_1026 = arith.constant 64 : index
        %get3A_1027 = tpu.vector_load %arg8[%get3A_1025, %get3A_1026] {strides = array<i32>} : memref<640x128xf32, #tpu.memory_space<vmem>>, vector<1x16xf32>,
        %get3A_1028 = vector.shape_cast %get3A_1027 : vector<1x16xf32> to vector<16xf32>
        %max3A_1029 = arith.maximumf %max3A_1019, %get3A_1028 : vector<16xf32>
        %add3A_1030 = arith.addf %add3A_1020, %get3A_1028 : vector<16xf32>
        %mul3A_1031 = arith.mulf %get3A_1028, %get3A_1028 : vector<16xf32>
        %add3A_1032 = arith.addf %add3A_1022, %mul3A_1031 : vector<16xf32>
        %add3A_1033 = arith.constant 10 : i32
        %add3A_1034 = arith.addi %mul3A_100, %add3A_1033 : i32
        %get3A_1035 = arith.index_cast %add3A_1034 : i32 to index
        %get3A_1036 = arith.constant 64 : index
        %get3A_1037 = tpu.vector_load %arg8[%get3A_1035, %get3A_1036] {strides = array<i32>} : memref<640x128xf32, #tpu.memory_space<vmem>>, vector<1x16xf32>,
        %get3A_1038 = vector.shape_cast %get3A_1037 : vector<1x16xf32> to vector<16xf32>
        %max3A_1039 = arith.maximumf %max3A_1029, %get3A_1038 : vector<16xf32>
        %add3A_1040 = arith.addf %add3A_1030, %get3A_1038 : vector<16xf32>
        %mul3A_1041 = arith.mulf %get3A_1038, %get3A_1038 : vector<16xf32>
        %add3A_1042 = arith.addf %add3A_1032, %mul3A_1041 : vector<16xf32>
        %add3A_1043 = arith.constant 11 : i32
        %add3A_1044 = arith.addi %mul3A_100, %add3A_1043 : i32
        %get3A_1045 = arith.index_cast %add3A_1044 : i32 to index
        %get3A_1046 = arith.constant 64 : index
        %get3A_1047 = tpu.vector_load %arg8[%get3A_1045, %get3A_1046] {strides = array<i32>} : memref<640x128xf32, #tpu.memory_space<vmem>>, vector<1x16xf32>,
        %get3A_1048 = vector.shape_cast %get3A_1047 : vector<1x16xf32> to vector<16xf32>
        %max3A_1049 = arith.maximumf %max3A_1039, %get3A_1048 : vector<16xf32>
        %add3A_1050 = arith.addf %add3A_1040, %get3A_1048 : vector<16xf32>
        %mul3A_1051 = arith.mulf %get3A_1048, %get3A_1048 : vector<16xf32>
        %add3A_1052 = arith.addf %add3A_1042, %mul3A_1051 : vector<16xf32>
        %add3A_1053 = arith.constant 12 : i32
        %add3A_1054 = arith.addi %mul3A_100, %add3A_1053 : i32
        %get3A_1055 = arith.index_cast %add3A_1054 : i32 to index
        %get3A_1056 = arith.constant 64 : index
        %get3A_1057 = tpu.vector_load %arg8[%get3A_1055, %get3A_1056] {strides = array<i32>} : memref<640x128xf32, #tpu.memory_space<vmem>>, vector<1x16xf32>,
        %get3A_1058 = vector.shape_cast %get3A_1057 : vector<1x16xf32> to vector<16xf32>
        %max3A_1059 = arith.maximumf %max3A_1049, %get3A_1058 : vector<16xf32>
        %add3A_1060 = arith.addf %add3A_1050, %get3A_1058 : vector<16xf32>
        %mul3A_1061 = arith.mulf %get3A_1058, %get3A_1058 : vector<16xf32>
        %add3A_1062 = arith.addf %add3A_1052, %mul3A_1061 : vector<16xf32>
        %add3A_1063 = arith.constant 13 : i32
        %add3A_1064 = arith.addi %mul3A_100, %add3A_1063 : i32
        %get3A_1065 = arith.index_cast %add3A_1064 : i32 to index
        %get3A_1066 = arith.constant 64 : index
        %get3A_1067 = tpu.vector_load %arg8[%get3A_1065, %get3A_1066] {strides = array<i32>} : memref<640x128xf32, #tpu.memory_space<vmem>>, vector<1x16xf32>,
        %get3A_1068 = vector.shape_cast %get3A_1067 : vector<1x16xf32> to vector<16xf32>
        %max3A_1069 = arith.maximumf %max3A_1059, %get3A_1068 : vector<16xf32>
        %add3A_1070 = arith.addf %add3A_1060, %get3A_1068 : vector<16xf32>
        %mul3A_1071 = arith.mulf %get3A_1068, %get3A_1068 : vector<16xf32>
        %add3A_1072 = arith.addf %add3A_1062, %mul3A_1071 : vector<16xf32>
        %add3A_1073 = arith.constant 14 : i32
        %add3A_1074 = arith.addi %mul3A_100, %add3A_1073 : i32
        %get3A_1075 = arith.index_cast %add3A_1074 : i32 to index
        %get3A_1076 = arith.constant 64 : index
        %get3A_1077 = tpu.vector_load %arg8[%get3A_1075, %get3A_1076] {strides = array<i32>} : memref<640x128xf32, #tpu.memory_space<vmem>>, vector<1x16xf32>,
        %get3A_1078 = vector.shape_cast %get3A_1077 : vector<1x16xf32> to vector<16xf32>
        %max3A_1079 = arith.maximumf %max3A_1069, %get3A_1078 : vector<16xf32>
        %add3A_1080 = arith.addf %add3A_1070, %get3A_1078 : vector<16xf32>
        %mul3A_1081 = arith.mulf %get3A_1078, %get3A_1078 : vector<16xf32>
        %add3A_1082 = arith.addf %add3A_1072, %mul3A_1081 : vector<16xf32>
        %add3A_1083 = arith.constant 15 : i32
        %add3A_1084 = arith.addi %mul3A_100, %add3A_1083 : i32
        %get3A_1085 = arith.index_cast %add3A_1084 : i32 to index
        %get3A_1086 = arith.constant 64 : index
        %get3A_1087 = tpu.vector_load %arg8[%get3A_1085, %get3A_1086] {strides = array<i32>} : memref<640x128xf32, #tpu.memory_space<vmem>>, vector<1x16xf32>,
        %get3A_1088 = vector.shape_cast %get3A_1087 : vector<1x16xf32> to vector<16xf32>
        %max3A_1089 = arith.maximumf %max3A_1079, %get3A_1088 : vector<16xf32>
        %add3A_1090 = arith.addf %add3A_1080, %get3A_1088 : vector<16xf32>
        %mul3A_1091 = arith.mulf %get3A_1088, %get3A_1088 : vector<16xf32>
        %add3A_1092 = arith.addf %add3A_1082, %mul3A_1091 : vector<16xf32>
        %add3A_1093 = arith.constant 16 : i32
        %add3A_1094 = arith.addi %mul3A_100, %add3A_1093 : i32
        %get3A_1095 = arith.index_cast %add3A_1094 : i32 to index
        %get3A_1096 = arith.constant 64 : index
        %get3A_1097 = tpu.vector_load %arg8[%get3A_1095, %get3A_1096] {strides = array<i32>} : memref<640x128xf32, #tpu.memory_space<vmem>>, vector<1x16xf32>,
        %get3A_1098 = vector.shape_cast %get3A_1097 : vector<1x16xf32> to vector<16xf32>
        %max3A_1099 = arith.maximumf %max3A_1089, %get3A_1098 : vector<16xf32>
        %add3A_1100 = arith.addf %add3A_1090, %get3A_1098 : vector<16xf32>
        %mul3A_1101 = arith.mulf %get3A_1098, %get3A_1098 : vector<16xf32>
        %add3A_1102 = arith.addf %add3A_1092, %mul3A_1101 : vector<16xf32>
        %add3A_1103 = arith.constant 17 : i32
        %add3A_1104 = arith.addi %mul3A_100, %add3A_1103 : i32
        %get3A_1105 = arith.index_cast %add3A_1104 : i32 to index
        %get3A_1106 = arith.constant 64 : index
        %get3A_1107 = tpu.vector_load %arg8[%get3A_1105, %get3A_1106] {strides = array<i32>} : memref<640x128xf32, #tpu.memory_space<vmem>>, vector<1x16xf32>,
        %get3A_1108 = vector.shape_cast %get3A_1107 : vector<1x16xf32> to vector<16xf32>
        %max3A_1109 = arith.maximumf %max3A_1099, %get3A_1108 : vector<16xf32>
        %add3A_1110 = arith.addf %add3A_1100, %get3A_1108 : vector<16xf32>
        %mul3A_1111 = arith.mulf %get3A_1108, %get3A_1108 : vector<16xf32>
        %add3A_1112 = arith.addf %add3A_1102, %mul3A_1111 : vector<16xf32>
        %add3A_1113 = arith.constant 18 : i32
        %add3A_1114 = arith.addi %mul3A_100, %add3A_1113 : i32
        %get3A_1115 = arith.index_cast %add3A_1114 : i32 to index
        %get3A_1116 = arith.constant 64 : index
        %get3A_1117 = tpu.vector_load %arg8[%get3A_1115, %get3A_1116] {strides = array<i32>} : memref<640x128xf32, #tpu.memory_space<vmem>>, vector<1x16xf32>,
        %get3A_1118 = vector.shape_cast %get3A_1117 : vector<1x16xf32> to vector<16xf32>
        %max3A_1119 = arith.maximumf %max3A_1109, %get3A_1118 : vector<16xf32>
        %add3A_1120 = arith.addf %add3A_1110, %get3A_1118 : vector<16xf32>
        %mul3A_1121 = arith.mulf %get3A_1118, %get3A_1118 : vector<16xf32>
        %add3A_1122 = arith.addf %add3A_1112, %mul3A_1121 : vector<16xf32>
        %add3A_1123 = arith.constant 19 : i32
        %add3A_1124 = arith.addi %mul3A_100, %add3A_1123 : i32
        %get3A_1125 = arith.index_cast %add3A_1124 : i32 to index
        %get3A_1126 = arith.constant 64 : index
        %get3A_1127 = tpu.vector_load %arg8[%get3A_1125, %get3A_1126] {strides = array<i32>} : memref<640x128xf32, #tpu.memory_space<vmem>>, vector<1x16xf32>,
        %get3A_1128 = vector.shape_cast %get3A_1127 : vector<1x16xf32> to vector<16xf32>
        %max3A_1129 = arith.maximumf %max3A_1119, %get3A_1128 : vector<16xf32>
        %add3A_1130 = arith.addf %add3A_1120, %get3A_1128 : vector<16xf32>
        %mul3A_1131 = arith.mulf %get3A_1128, %get3A_1128 : vector<16xf32>
        %add3A_1132 = arith.addf %add3A_1122, %mul3A_1131 : vector<16xf32>
        %swap3A_1133 = arith.index_cast %scan3A_98 : i32 to index
        %swap3A_1134 = arith.constant 64 : index
        %swap3A_1135 = tpu.vector_load %arg9[%swap3A_1133, %swap3A_1134] {strides = array<i32>} : memref<32x128xf32, #tpu.memory_space<vmem>>, vector<1x16xf32>,
        %swap3A_1136 = vector.shape_cast %swap3A_1135 : vector<1x16xf32> to vector<16xf32>
        %swap3A_1137 = vector.shape_cast %max3A_1129 : vector<16xf32> to vector<1x16xf32>
        tpu.vector_store %arg9[%swap3A_1133, %swap3A_1134], %swap3A_1137 {strides = array<i32>} : memref<32x128xf32, #tpu.memory_space<vmem>>, vector<1x16xf32>,
        %swap3A_1138 = arith.index_cast %scan3A_98 : i32 to index
        %swap3A_1139 = arith.constant 64 : index
        %swap3A_1140 = tpu.vector_load %arg10[%swap3A_1138, %swap3A_1139] {strides = array<i32>} : memref<32x128xf32, #tpu.memory_space<vmem>>, vector<1x16xf32>,
        %swap3A_1141 = vector.shape_cast %swap3A_1140 : vector<1x16xf32> to vector<16xf32>
        %swap3A_1142 = vector.shape_cast %add3A_1130 : vector<16xf32> to vector<1x16xf32>
        tpu.vector_store %arg10[%swap3A_1138, %swap3A_1139], %swap3A_1142 {strides = array<i32>} : memref<32x128xf32, #tpu.memory_space<vmem>>, vector<1x16xf32>,
        %swap3A_1143 = arith.index_cast %scan3A_98 : i32 to index
        %swap3A_1144 = arith.constant 64 : index
        %swap3A_1145 = tpu.vector_load %arg11[%swap3A_1143, %swap3A_1144] {strides = array<i32>} : memref<32x128xf32, #tpu.memory_space<vmem>>, vector<1x16xf32>,
        %swap3A_1146 = vector.shape_cast %swap3A_1145 : vector<1x16xf32> to vector<16xf32>
        %swap3A_1147 = vector.shape_cast %add3A_1132 : vector<16xf32> to vector<1x16xf32>
        tpu.vector_store %arg11[%swap3A_1143, %swap3A_1144], %swap3A_1147 {strides = array<i32>} : memref<32x128xf32, #tpu.memory_space<vmem>>, vector<1x16xf32>,
        %get3A_1148 = arith.index_cast %mul3A_100 : i32 to index
        %get3A_1149 = arith.constant 80 : index
        %get3A_1150 = tpu.vector_load %arg8[%get3A_1148, %get3A_1149] {strides = array<i32>} : memref<640x128xf32, #tpu.memory_space<vmem>>, vector<1x16xf32>,
        %get3A_1151 = vector.shape_cast %get3A_1150 : vector<1x16xf32> to vector<16xf32>
        %mul3A_1152 = arith.mulf %get3A_1151, %get3A_1151 : vector<16xf32>
        %add3A_1153 = arith.constant 1 : i32
        %add3A_1154 = arith.addi %mul3A_100, %add3A_1153 : i32
        %get3A_1155 = arith.index_cast %add3A_1154 : i32 to index
        %get3A_1156 = arith.constant 80 : index
        %get3A_1157 = tpu.vector_load %arg8[%get3A_1155, %get3A_1156] {strides = array<i32>} : memref<640x128xf32, #tpu.memory_space<vmem>>, vector<1x16xf32>,
        %get3A_1158 = vector.shape_cast %get3A_1157 : vector<1x16xf32> to vector<16xf32>
        %max3A_1159 = arith.maximumf %get3A_1151, %get3A_1158 : vector<16xf32>
        %add3A_1160 = arith.addf %get3A_1151, %get3A_1158 : vector<16xf32>
        %mul3A_1161 = arith.mulf %get3A_1158, %get3A_1158 : vector<16xf32>
        %add3A_1162 = arith.addf %mul3A_1152, %mul3A_1161 : vector<16xf32>
        %add3A_1163 = arith.constant 2 : i32
        %add3A_1164 = arith.addi %mul3A_100, %add3A_1163 : i32
        %get3A_1165 = arith.index_cast %add3A_1164 : i32 to index
        %get3A_1166 = arith.constant 80 : index
        %get3A_1167 = tpu.vector_load %arg8[%get3A_1165, %get3A_1166] {strides = array<i32>} : memref<640x128xf32, #tpu.memory_space<vmem>>, vector<1x16xf32>,
        %get3A_1168 = vector.shape_cast %get3A_1167 : vector<1x16xf32> to vector<16xf32>
        %max3A_1169 = arith.maximumf %max3A_1159, %get3A_1168 : vector<16xf32>
        %add3A_1170 = arith.addf %add3A_1160, %get3A_1168 : vector<16xf32>
        %mul3A_1171 = arith.mulf %get3A_1168, %get3A_1168 : vector<16xf32>
        %add3A_1172 = arith.addf %add3A_1162, %mul3A_1171 : vector<16xf32>
        %add3A_1173 = arith.constant 3 : i32
        %add3A_1174 = arith.addi %mul3A_100, %add3A_1173 : i32
        %get3A_1175 = arith.index_cast %add3A_1174 : i32 to index
        %get3A_1176 = arith.constant 80 : index
        %get3A_1177 = tpu.vector_load %arg8[%get3A_1175, %get3A_1176] {strides = array<i32>} : memref<640x128xf32, #tpu.memory_space<vmem>>, vector<1x16xf32>,
        %get3A_1178 = vector.shape_cast %get3A_1177 : vector<1x16xf32> to vector<16xf32>
        %max3A_1179 = arith.maximumf %max3A_1169, %get3A_1178 : vector<16xf32>
        %add3A_1180 = arith.addf %add3A_1170, %get3A_1178 : vector<16xf32>
        %mul3A_1181 = arith.mulf %get3A_1178, %get3A_1178 : vector<16xf32>
        %add3A_1182 = arith.addf %add3A_1172, %mul3A_1181 : vector<16xf32>
        %add3A_1183 = arith.constant 4 : i32
        %add3A_1184 = arith.addi %mul3A_100, %add3A_1183 : i32
        %get3A_1185 = arith.index_cast %add3A_1184 : i32 to index
        %get3A_1186 = arith.constant 80 : index
        %get3A_1187 = tpu.vector_load %arg8[%get3A_1185, %get3A_1186] {strides = array<i32>} : memref<640x128xf32, #tpu.memory_space<vmem>>, vector<1x16xf32>,
        %get3A_1188 = vector.shape_cast %get3A_1187 : vector<1x16xf32> to vector<16xf32>
        %max3A_1189 = arith.maximumf %max3A_1179, %get3A_1188 : vector<16xf32>
        %add3A_1190 = arith.addf %add3A_1180, %get3A_1188 : vector<16xf32>
        %mul3A_1191 = arith.mulf %get3A_1188, %get3A_1188 : vector<16xf32>
        %add3A_1192 = arith.addf %add3A_1182, %mul3A_1191 : vector<16xf32>
        %add3A_1193 = arith.constant 5 : i32
        %add3A_1194 = arith.addi %mul3A_100, %add3A_1193 : i32
        %get3A_1195 = arith.index_cast %add3A_1194 : i32 to index
        %get3A_1196 = arith.constant 80 : index
        %get3A_1197 = tpu.vector_load %arg8[%get3A_1195, %get3A_1196] {strides = array<i32>} : memref<640x128xf32, #tpu.memory_space<vmem>>, vector<1x16xf32>,
        %get3A_1198 = vector.shape_cast %get3A_1197 : vector<1x16xf32> to vector<16xf32>
        %max3A_1199 = arith.maximumf %max3A_1189, %get3A_1198 : vector<16xf32>
        %add3A_1200 = arith.addf %add3A_1190, %get3A_1198 : vector<16xf32>
        %mul3A_1201 = arith.mulf %get3A_1198, %get3A_1198 : vector<16xf32>
        %add3A_1202 = arith.addf %add3A_1192, %mul3A_1201 : vector<16xf32>
        %add3A_1203 = arith.constant 6 : i32
        %add3A_1204 = arith.addi %mul3A_100, %add3A_1203 : i32
        %get3A_1205 = arith.index_cast %add3A_1204 : i32 to index
        %get3A_1206 = arith.constant 80 : index
        %get3A_1207 = tpu.vector_load %arg8[%get3A_1205, %get3A_1206] {strides = array<i32>} : memref<640x128xf32, #tpu.memory_space<vmem>>, vector<1x16xf32>,
        %get3A_1208 = vector.shape_cast %get3A_1207 : vector<1x16xf32> to vector<16xf32>
        %max3A_1209 = arith.maximumf %max3A_1199, %get3A_1208 : vector<16xf32>
        %add3A_1210 = arith.addf %add3A_1200, %get3A_1208 : vector<16xf32>
        %mul3A_1211 = arith.mulf %get3A_1208, %get3A_1208 : vector<16xf32>
        %add3A_1212 = arith.addf %add3A_1202, %mul3A_1211 : vector<16xf32>
        %add3A_1213 = arith.constant 7 : i32
        %add3A_1214 = arith.addi %mul3A_100, %add3A_1213 : i32
        %get3A_1215 = arith.index_cast %add3A_1214 : i32 to index
        %get3A_1216 = arith.constant 80 : index
        %get3A_1217 = tpu.vector_load %arg8[%get3A_1215, %get3A_1216] {strides = array<i32>} : memref<640x128xf32, #tpu.memory_space<vmem>>, vector<1x16xf32>,
        %get3A_1218 = vector.shape_cast %get3A_1217 : vector<1x16xf32> to vector<16xf32>
        %max3A_1219 = arith.maximumf %max3A_1209, %get3A_1218 : vector<16xf32>
        %add3A_1220 = arith.addf %add3A_1210, %get3A_1218 : vector<16xf32>
        %mul3A_1221 = arith.mulf %get3A_1218, %get3A_1218 : vector<16xf32>
        %add3A_1222 = arith.addf %add3A_1212, %mul3A_1221 : vector<16xf32>
        %add3A_1223 = arith.constant 8 : i32
        %add3A_1224 = arith.addi %mul3A_100, %add3A_1223 : i32
        %get3A_1225 = arith.index_cast %add3A_1224 : i32 to index
        %get3A_1226 = arith.constant 80 : index
        %get3A_1227 = tpu.vector_load %arg8[%get3A_1225, %get3A_1226] {strides = array<i32>} : memref<640x128xf32, #tpu.memory_space<vmem>>, vector<1x16xf32>,
        %get3A_1228 = vector.shape_cast %get3A_1227 : vector<1x16xf32> to vector<16xf32>
        %max3A_1229 = arith.maximumf %max3A_1219, %get3A_1228 : vector<16xf32>
        %add3A_1230 = arith.addf %add3A_1220, %get3A_1228 : vector<16xf32>
        %mul3A_1231 = arith.mulf %get3A_1228, %get3A_1228 : vector<16xf32>
        %add3A_1232 = arith.addf %add3A_1222, %mul3A_1231 : vector<16xf32>
        %add3A_1233 = arith.constant 9 : i32
        %add3A_1234 = arith.addi %mul3A_100, %add3A_1233 : i32
        %get3A_1235 = arith.index_cast %add3A_1234 : i32 to index
        %get3A_1236 = arith.constant 80 : index
        %get3A_1237 = tpu.vector_load %arg8[%get3A_1235, %get3A_1236] {strides = array<i32>} : memref<640x128xf32, #tpu.memory_space<vmem>>, vector<1x16xf32>,
        %get3A_1238 = vector.shape_cast %get3A_1237 : vector<1x16xf32> to vector<16xf32>
        %max3A_1239 = arith.maximumf %max3A_1229, %get3A_1238 : vector<16xf32>
        %add3A_1240 = arith.addf %add3A_1230, %get3A_1238 : vector<16xf32>
        %mul3A_1241 = arith.mulf %get3A_1238, %get3A_1238 : vector<16xf32>
        %add3A_1242 = arith.addf %add3A_1232, %mul3A_1241 : vector<16xf32>
        %add3A_1243 = arith.constant 10 : i32
        %add3A_1244 = arith.addi %mul3A_100, %add3A_1243 : i32
        %get3A_1245 = arith.index_cast %add3A_1244 : i32 to index
        %get3A_1246 = arith.constant 80 : index
        %get3A_1247 = tpu.vector_load %arg8[%get3A_1245, %get3A_1246] {strides = array<i32>} : memref<640x128xf32, #tpu.memory_space<vmem>>, vector<1x16xf32>,
        %get3A_1248 = vector.shape_cast %get3A_1247 : vector<1x16xf32> to vector<16xf32>
        %max3A_1249 = arith.maximumf %max3A_1239, %get3A_1248 : vector<16xf32>
        %add3A_1250 = arith.addf %add3A_1240, %get3A_1248 : vector<16xf32>
        %mul3A_1251 = arith.mulf %get3A_1248, %get3A_1248 : vector<16xf32>
        %add3A_1252 = arith.addf %add3A_1242, %mul3A_1251 : vector<16xf32>
        %add3A_1253 = arith.constant 11 : i32
        %add3A_1254 = arith.addi %mul3A_100, %add3A_1253 : i32
        %get3A_1255 = arith.index_cast %add3A_1254 : i32 to index
        %get3A_1256 = arith.constant 80 : index
        %get3A_1257 = tpu.vector_load %arg8[%get3A_1255, %get3A_1256] {strides = array<i32>} : memref<640x128xf32, #tpu.memory_space<vmem>>, vector<1x16xf32>,
        %get3A_1258 = vector.shape_cast %get3A_1257 : vector<1x16xf32> to vector<16xf32>
        %max3A_1259 = arith.maximumf %max3A_1249, %get3A_1258 : vector<16xf32>
        %add3A_1260 = arith.addf %add3A_1250, %get3A_1258 : vector<16xf32>
        %mul3A_1261 = arith.mulf %get3A_1258, %get3A_1258 : vector<16xf32>
        %add3A_1262 = arith.addf %add3A_1252, %mul3A_1261 : vector<16xf32>
        %add3A_1263 = arith.constant 12 : i32
        %add3A_1264 = arith.addi %mul3A_100, %add3A_1263 : i32
        %get3A_1265 = arith.index_cast %add3A_1264 : i32 to index
        %get3A_1266 = arith.constant 80 : index
        %get3A_1267 = tpu.vector_load %arg8[%get3A_1265, %get3A_1266] {strides = array<i32>} : memref<640x128xf32, #tpu.memory_space<vmem>>, vector<1x16xf32>,
        %get3A_1268 = vector.shape_cast %get3A_1267 : vector<1x16xf32> to vector<16xf32>
        %max3A_1269 = arith.maximumf %max3A_1259, %get3A_1268 : vector<16xf32>
        %add3A_1270 = arith.addf %add3A_1260, %get3A_1268 : vector<16xf32>
        %mul3A_1271 = arith.mulf %get3A_1268, %get3A_1268 : vector<16xf32>
        %add3A_1272 = arith.addf %add3A_1262, %mul3A_1271 : vector<16xf32>
        %add3A_1273 = arith.constant 13 : i32
        %add3A_1274 = arith.addi %mul3A_100, %add3A_1273 : i32
        %get3A_1275 = arith.index_cast %add3A_1274 : i32 to index
        %get3A_1276 = arith.constant 80 : index
        %get3A_1277 = tpu.vector_load %arg8[%get3A_1275, %get3A_1276] {strides = array<i32>} : memref<640x128xf32, #tpu.memory_space<vmem>>, vector<1x16xf32>,
        %get3A_1278 = vector.shape_cast %get3A_1277 : vector<1x16xf32> to vector<16xf32>
        %max3A_1279 = arith.maximumf %max3A_1269, %get3A_1278 : vector<16xf32>
        %add3A_1280 = arith.addf %add3A_1270, %get3A_1278 : vector<16xf32>
        %mul3A_1281 = arith.mulf %get3A_1278, %get3A_1278 : vector<16xf32>
        %add3A_1282 = arith.addf %add3A_1272, %mul3A_1281 : vector<16xf32>
        %add3A_1283 = arith.constant 14 : i32
        %add3A_1284 = arith.addi %mul3A_100, %add3A_1283 : i32
        %get3A_1285 = arith.index_cast %add3A_1284 : i32 to index
        %get3A_1286 = arith.constant 80 : index
        %get3A_1287 = tpu.vector_load %arg8[%get3A_1285, %get3A_1286] {strides = array<i32>} : memref<640x128xf32, #tpu.memory_space<vmem>>, vector<1x16xf32>,
        %get3A_1288 = vector.shape_cast %get3A_1287 : vector<1x16xf32> to vector<16xf32>
        %max3A_1289 = arith.maximumf %max3A_1279, %get3A_1288 : vector<16xf32>
        %add3A_1290 = arith.addf %add3A_1280, %get3A_1288 : vector<16xf32>
        %mul3A_1291 = arith.mulf %get3A_1288, %get3A_1288 : vector<16xf32>
        %add3A_1292 = arith.addf %add3A_1282, %mul3A_1291 : vector<16xf32>
        %add3A_1293 = arith.constant 15 : i32
        %add3A_1294 = arith.addi %mul3A_100, %add3A_1293 : i32
        %get3A_1295 = arith.index_cast %add3A_1294 : i32 to index
        %get3A_1296 = arith.constant 80 : index
        %get3A_1297 = tpu.vector_load %arg8[%get3A_1295, %get3A_1296] {strides = array<i32>} : memref<640x128xf32, #tpu.memory_space<vmem>>, vector<1x16xf32>,
        %get3A_1298 = vector.shape_cast %get3A_1297 : vector<1x16xf32> to vector<16xf32>
        %max3A_1299 = arith.maximumf %max3A_1289, %get3A_1298 : vector<16xf32>
        %add3A_1300 = arith.addf %add3A_1290, %get3A_1298 : vector<16xf32>
        %mul3A_1301 = arith.mulf %get3A_1298, %get3A_1298 : vector<16xf32>
        %add3A_1302 = arith.addf %add3A_1292, %mul3A_1301 : vector<16xf32>
        %add3A_1303 = arith.constant 16 : i32
        %add3A_1304 = arith.addi %mul3A_100, %add3A_1303 : i32
        %get3A_1305 = arith.index_cast %add3A_1304 : i32 to index
        %get3A_1306 = arith.constant 80 : index
        %get3A_1307 = tpu.vector_load %arg8[%get3A_1305, %get3A_1306] {strides = array<i32>} : memref<640x128xf32, #tpu.memory_space<vmem>>, vector<1x16xf32>,
        %get3A_1308 = vector.shape_cast %get3A_1307 : vector<1x16xf32> to vector<16xf32>
        %max3A_1309 = arith.maximumf %max3A_1299, %get3A_1308 : vector<16xf32>
        %add3A_1310 = arith.addf %add3A_1300, %get3A_1308 : vector<16xf32>
        %mul3A_1311 = arith.mulf %get3A_1308, %get3A_1308 : vector<16xf32>
        %add3A_1312 = arith.addf %add3A_1302, %mul3A_1311 : vector<16xf32>
        %add3A_1313 = arith.constant 17 : i32
        %add3A_1314 = arith.addi %mul3A_100, %add3A_1313 : i32
        %get3A_1315 = arith.index_cast %add3A_1314 : i32 to index
        %get3A_1316 = arith.constant 80 : index
        %get3A_1317 = tpu.vector_load %arg8[%get3A_1315, %get3A_1316] {strides = array<i32>} : memref<640x128xf32, #tpu.memory_space<vmem>>, vector<1x16xf32>,
        %get3A_1318 = vector.shape_cast %get3A_1317 : vector<1x16xf32> to vector<16xf32>
        %max3A_1319 = arith.maximumf %max3A_1309, %get3A_1318 : vector<16xf32>
        %add3A_1320 = arith.addf %add3A_1310, %get3A_1318 : vector<16xf32>
        %mul3A_1321 = arith.mulf %get3A_1318, %get3A_1318 : vector<16xf32>
        %add3A_1322 = arith.addf %add3A_1312, %mul3A_1321 : vector<16xf32>
        %add3A_1323 = arith.constant 18 : i32
        %add3A_1324 = arith.addi %mul3A_100, %add3A_1323 : i32
        %get3A_1325 = arith.index_cast %add3A_1324 : i32 to index
        %get3A_1326 = arith.constant 80 : index
        %get3A_1327 = tpu.vector_load %arg8[%get3A_1325, %get3A_1326] {strides = array<i32>} : memref<640x128xf32, #tpu.memory_space<vmem>>, vector<1x16xf32>,
        %get3A_1328 = vector.shape_cast %get3A_1327 : vector<1x16xf32> to vector<16xf32>
        %max3A_1329 = arith.maximumf %max3A_1319, %get3A_1328 : vector<16xf32>
        %add3A_1330 = arith.addf %add3A_1320, %get3A_1328 : vector<16xf32>
        %mul3A_1331 = arith.mulf %get3A_1328, %get3A_1328 : vector<16xf32>
        %add3A_1332 = arith.addf %add3A_1322, %mul3A_1331 : vector<16xf32>
        %add3A_1333 = arith.constant 19 : i32
        %add3A_1334 = arith.addi %mul3A_100, %add3A_1333 : i32
        %get3A_1335 = arith.index_cast %add3A_1334 : i32 to index
        %get3A_1336 = arith.constant 80 : index
        %get3A_1337 = tpu.vector_load %arg8[%get3A_1335, %get3A_1336] {strides = array<i32>} : memref<640x128xf32, #tpu.memory_space<vmem>>, vector<1x16xf32>,
        %get3A_1338 = vector.shape_cast %get3A_1337 : vector<1x16xf32> to vector<16xf32>
        %max3A_1339 = arith.maximumf %max3A_1329, %get3A_1338 : vector<16xf32>
        %add3A_1340 = arith.addf %add3A_1330, %get3A_1338 : vector<16xf32>
        %mul3A_1341 = arith.mulf %get3A_1338, %get3A_1338 : vector<16xf32>
        %add3A_1342 = arith.addf %add3A_1332, %mul3A_1341 : vector<16xf32>
        %swap3A_1343 = arith.index_cast %scan3A_98 : i32 to index
        %swap3A_1344 = arith.constant 80 : index
        %swap3A_1345 = tpu.vector_load %arg9[%swap3A_1343, %swap3A_1344] {strides = array<i32>} : memref<32x128xf32, #tpu.memory_space<vmem>>, vector<1x16xf32>,
        %swap3A_1346 = vector.shape_cast %swap3A_1345 : vector<1x16xf32> to vector<16xf32>
        %swap3A_1347 = vector.shape_cast %max3A_1339 : vector<16xf32> to vector<1x16xf32>
        tpu.vector_store %arg9[%swap3A_1343, %swap3A_1344], %swap3A_1347 {strides = array<i32>} : memref<32x128xf32, #tpu.memory_space<vmem>>, vector<1x16xf32>,
        %swap3A_1348 = arith.index_cast %scan3A_98 : i32 to index
        %swap3A_1349 = arith.constant 80 : index
        %swap3A_1350 = tpu.vector_load %arg10[%swap3A_1348, %swap3A_1349] {strides = array<i32>} : memref<32x128xf32, #tpu.memory_space<vmem>>, vector<1x16xf32>,
        %swap3A_1351 = vector.shape_cast %swap3A_1350 : vector<1x16xf32> to vector<16xf32>
        %swap3A_1352 = vector.shape_cast %add3A_1340 : vector<16xf32> to vector<1x16xf32>
        tpu.vector_store %arg10[%swap3A_1348, %swap3A_1349], %swap3A_1352 {strides = array<i32>} : memref<32x128xf32, #tpu.memory_space<vmem>>, vector<1x16xf32>,
        %swap3A_1353 = arith.index_cast %scan3A_98 : i32 to index
        %swap3A_1354 = arith.constant 80 : index
        %swap3A_1355 = tpu.vector_load %arg11[%swap3A_1353, %swap3A_1354] {strides = array<i32>} : memref<32x128xf32, #tpu.memory_space<vmem>>, vector<1x16xf32>,
        %swap3A_1356 = vector.shape_cast %swap3A_1355 : vector<1x16xf32> to vector<16xf32>
        %swap3A_1357 = vector.shape_cast %add3A_1342 : vector<16xf32> to vector<1x16xf32>
        tpu.vector_store %arg11[%swap3A_1353, %swap3A_1354], %swap3A_1357 {strides = array<i32>} : memref<32x128xf32, #tpu.memory_space<vmem>>, vector<1x16xf32>,
        %get3A_1358 = arith.index_cast %mul3A_100 : i32 to index
        %get3A_1359 = arith.constant 96 : index
        %get3A_1360 = tpu.vector_load %arg8[%get3A_1358, %get3A_1359] {strides = array<i32>} : memref<640x128xf32, #tpu.memory_space<vmem>>, vector<1x16xf32>,
        %get3A_1361 = vector.shape_cast %get3A_1360 : vector<1x16xf32> to vector<16xf32>
        %mul3A_1362 = arith.mulf %get3A_1361, %get3A_1361 : vector<16xf32>
        %add3A_1363 = arith.constant 1 : i32
        %add3A_1364 = arith.addi %mul3A_100, %add3A_1363 : i32
        %get3A_1365 = arith.index_cast %add3A_1364 : i32 to index
        %get3A_1366 = arith.constant 96 : index
        %get3A_1367 = tpu.vector_load %arg8[%get3A_1365, %get3A_1366] {strides = array<i32>} : memref<640x128xf32, #tpu.memory_space<vmem>>, vector<1x16xf32>,
        %get3A_1368 = vector.shape_cast %get3A_1367 : vector<1x16xf32> to vector<16xf32>
        %max3A_1369 = arith.maximumf %get3A_1361, %get3A_1368 : vector<16xf32>
        %add3A_1370 = arith.addf %get3A_1361, %get3A_1368 : vector<16xf32>
        %mul3A_1371 = arith.mulf %get3A_1368, %get3A_1368 : vector<16xf32>
        %add3A_1372 = arith.addf %mul3A_1362, %mul3A_1371 : vector<16xf32>
        %add3A_1373 = arith.constant 2 : i32
        %add3A_1374 = arith.addi %mul3A_100, %add3A_1373 : i32
        %get3A_1375 = arith.index_cast %add3A_1374 : i32 to index
        %get3A_1376 = arith.constant 96 : index
        %get3A_1377 = tpu.vector_load %arg8[%get3A_1375, %get3A_1376] {strides = array<i32>} : memref<640x128xf32, #tpu.memory_space<vmem>>, vector<1x16xf32>,
        %get3A_1378 = vector.shape_cast %get3A_1377 : vector<1x16xf32> to vector<16xf32>
        %max3A_1379 = arith.maximumf %max3A_1369, %get3A_1378 : vector<16xf32>
        %add3A_1380 = arith.addf %add3A_1370, %get3A_1378 : vector<16xf32>
        %mul3A_1381 = arith.mulf %get3A_1378, %get3A_1378 : vector<16xf32>
        %add3A_1382 = arith.addf %add3A_1372, %mul3A_1381 : vector<16xf32>
        %add3A_1383 = arith.constant 3 : i32
        %add3A_1384 = arith.addi %mul3A_100, %add3A_1383 : i32
        %get3A_1385 = arith.index_cast %add3A_1384 : i32 to index
        %get3A_1386 = arith.constant 96 : index
        %get3A_1387 = tpu.vector_load %arg8[%get3A_1385, %get3A_1386] {strides = array<i32>} : memref<640x128xf32, #tpu.memory_space<vmem>>, vector<1x16xf32>,
        %get3A_1388 = vector.shape_cast %get3A_1387 : vector<1x16xf32> to vector<16xf32>
        %max3A_1389 = arith.maximumf %max3A_1379, %get3A_1388 : vector<16xf32>
        %add3A_1390 = arith.addf %add3A_1380, %get3A_1388 : vector<16xf32>
        %mul3A_1391 = arith.mulf %get3A_1388, %get3A_1388 : vector<16xf32>
        %add3A_1392 = arith.addf %add3A_1382, %mul3A_1391 : vector<16xf32>
        %add3A_1393 = arith.constant 4 : i32
        %add3A_1394 = arith.addi %mul3A_100, %add3A_1393 : i32
        %get3A_1395 = arith.index_cast %add3A_1394 : i32 to index
        %get3A_1396 = arith.constant 96 : index
        %get3A_1397 = tpu.vector_load %arg8[%get3A_1395, %get3A_1396] {strides = array<i32>} : memref<640x128xf32, #tpu.memory_space<vmem>>, vector<1x16xf32>,
        %get3A_1398 = vector.shape_cast %get3A_1397 : vector<1x16xf32> to vector<16xf32>
        %max3A_1399 = arith.maximumf %max3A_1389, %get3A_1398 : vector<16xf32>
        %add3A_1400 = arith.addf %add3A_1390, %get3A_1398 : vector<16xf32>
        %mul3A_1401 = arith.mulf %get3A_1398, %get3A_1398 : vector<16xf32>
        %add3A_1402 = arith.addf %add3A_1392, %mul3A_1401 : vector<16xf32>
        %add3A_1403 = arith.constant 5 : i32
        %add3A_1404 = arith.addi %mul3A_100, %add3A_1403 : i32
        %get3A_1405 = arith.index_cast %add3A_1404 : i32 to index
        %get3A_1406 = arith.constant 96 : index
        %get3A_1407 = tpu.vector_load %arg8[%get3A_1405, %get3A_1406] {strides = array<i32>} : memref<640x128xf32, #tpu.memory_space<vmem>>, vector<1x16xf32>,
        %get3A_1408 = vector.shape_cast %get3A_1407 : vector<1x16xf32> to vector<16xf32>
        %max3A_1409 = arith.maximumf %max3A_1399, %get3A_1408 : vector<16xf32>
        %add3A_1410 = arith.addf %add3A_1400, %get3A_1408 : vector<16xf32>
        %mul3A_1411 = arith.mulf %get3A_1408, %get3A_1408 : vector<16xf32>
        %add3A_1412 = arith.addf %add3A_1402, %mul3A_1411 : vector<16xf32>
        %add3A_1413 = arith.constant 6 : i32
        %add3A_1414 = arith.addi %mul3A_100, %add3A_1413 : i32
        %get3A_1415 = arith.index_cast %add3A_1414 : i32 to index
        %get3A_1416 = arith.constant 96 : index
        %get3A_1417 = tpu.vector_load %arg8[%get3A_1415, %get3A_1416] {strides = array<i32>} : memref<640x128xf32, #tpu.memory_space<vmem>>, vector<1x16xf32>,
        %get3A_1418 = vector.shape_cast %get3A_1417 : vector<1x16xf32> to vector<16xf32>
        %max3A_1419 = arith.maximumf %max3A_1409, %get3A_1418 : vector<16xf32>
        %add3A_1420 = arith.addf %add3A_1410, %get3A_1418 : vector<16xf32>
        %mul3A_1421 = arith.mulf %get3A_1418, %get3A_1418 : vector<16xf32>
        %add3A_1422 = arith.addf %add3A_1412, %mul3A_1421 : vector<16xf32>
        %add3A_1423 = arith.constant 7 : i32
        %add3A_1424 = arith.addi %mul3A_100, %add3A_1423 : i32
        %get3A_1425 = arith.index_cast %add3A_1424 : i32 to index
        %get3A_1426 = arith.constant 96 : index
        %get3A_1427 = tpu.vector_load %arg8[%get3A_1425, %get3A_1426] {strides = array<i32>} : memref<640x128xf32, #tpu.memory_space<vmem>>, vector<1x16xf32>,
        %get3A_1428 = vector.shape_cast %get3A_1427 : vector<1x16xf32> to vector<16xf32>
        %max3A_1429 = arith.maximumf %max3A_1419, %get3A_1428 : vector<16xf32>
        %add3A_1430 = arith.addf %add3A_1420, %get3A_1428 : vector<16xf32>
        %mul3A_1431 = arith.mulf %get3A_1428, %get3A_1428 : vector<16xf32>
        %add3A_1432 = arith.addf %add3A_1422, %mul3A_1431 : vector<16xf32>
        %add3A_1433 = arith.constant 8 : i32
        %add3A_1434 = arith.addi %mul3A_100, %add3A_1433 : i32
        %get3A_1435 = arith.index_cast %add3A_1434 : i32 to index
        %get3A_1436 = arith.constant 96 : index
        %get3A_1437 = tpu.vector_load %arg8[%get3A_1435, %get3A_1436] {strides = array<i32>} : memref<640x128xf32, #tpu.memory_space<vmem>>, vector<1x16xf32>,
        %get3A_1438 = vector.shape_cast %get3A_1437 : vector<1x16xf32> to vector<16xf32>
        %max3A_1439 = arith.maximumf %max3A_1429, %get3A_1438 : vector<16xf32>
        %add3A_1440 = arith.addf %add3A_1430, %get3A_1438 : vector<16xf32>
        %mul3A_1441 = arith.mulf %get3A_1438, %get3A_1438 : vector<16xf32>
        %add3A_1442 = arith.addf %add3A_1432, %mul3A_1441 : vector<16xf32>
        %add3A_1443 = arith.constant 9 : i32
        %add3A_1444 = arith.addi %mul3A_100, %add3A_1443 : i32
        %get3A_1445 = arith.index_cast %add3A_1444 : i32 to index
        %get3A_1446 = arith.constant 96 : index
        %get3A_1447 = tpu.vector_load %arg8[%get3A_1445, %get3A_1446] {strides = array<i32>} : memref<640x128xf32, #tpu.memory_space<vmem>>, vector<1x16xf32>,
        %get3A_1448 = vector.shape_cast %get3A_1447 : vector<1x16xf32> to vector<16xf32>
        %max3A_1449 = arith.maximumf %max3A_1439, %get3A_1448 : vector<16xf32>
        %add3A_1450 = arith.addf %add3A_1440, %get3A_1448 : vector<16xf32>
        %mul3A_1451 = arith.mulf %get3A_1448, %get3A_1448 : vector<16xf32>
        %add3A_1452 = arith.addf %add3A_1442, %mul3A_1451 : vector<16xf32>
        %add3A_1453 = arith.constant 10 : i32
        %add3A_1454 = arith.addi %mul3A_100, %add3A_1453 : i32
        %get3A_1455 = arith.index_cast %add3A_1454 : i32 to index
        %get3A_1456 = arith.constant 96 : index
        %get3A_1457 = tpu.vector_load %arg8[%get3A_1455, %get3A_1456] {strides = array<i32>} : memref<640x128xf32, #tpu.memory_space<vmem>>, vector<1x16xf32>,
        %get3A_1458 = vector.shape_cast %get3A_1457 : vector<1x16xf32> to vector<16xf32>
        %max3A_1459 = arith.maximumf %max3A_1449, %get3A_1458 : vector<16xf32>
        %add3A_1460 = arith.addf %add3A_1450, %get3A_1458 : vector<16xf32>
        %mul3A_1461 = arith.mulf %get3A_1458, %get3A_1458 : vector<16xf32>
        %add3A_1462 = arith.addf %add3A_1452, %mul3A_1461 : vector<16xf32>
        %add3A_1463 = arith.constant 11 : i32
        %add3A_1464 = arith.addi %mul3A_100, %add3A_1463 : i32
        %get3A_1465 = arith.index_cast %add3A_1464 : i32 to index
        %get3A_1466 = arith.constant 96 : index
        %get3A_1467 = tpu.vector_load %arg8[%get3A_1465, %get3A_1466] {strides = array<i32>} : memref<640x128xf32, #tpu.memory_space<vmem>>, vector<1x16xf32>,
        %get3A_1468 = vector.shape_cast %get3A_1467 : vector<1x16xf32> to vector<16xf32>
        %max3A_1469 = arith.maximumf %max3A_1459, %get3A_1468 : vector<16xf32>
        %add3A_1470 = arith.addf %add3A_1460, %get3A_1468 : vector<16xf32>
        %mul3A_1471 = arith.mulf %get3A_1468, %get3A_1468 : vector<16xf32>
        %add3A_1472 = arith.addf %add3A_1462, %mul3A_1471 : vector<16xf32>
        %add3A_1473 = arith.constant 12 : i32
        %add3A_1474 = arith.addi %mul3A_100, %add3A_1473 : i32
        %get3A_1475 = arith.index_cast %add3A_1474 : i32 to index
        %get3A_1476 = arith.constant 96 : index
        %get3A_1477 = tpu.vector_load %arg8[%get3A_1475, %get3A_1476] {strides = array<i32>} : memref<640x128xf32, #tpu.memory_space<vmem>>, vector<1x16xf32>,
        %get3A_1478 = vector.shape_cast %get3A_1477 : vector<1x16xf32> to vector<16xf32>
        %max3A_1479 = arith.maximumf %max3A_1469, %get3A_1478 : vector<16xf32>
        %add3A_1480 = arith.addf %add3A_1470, %get3A_1478 : vector<16xf32>
        %mul3A_1481 = arith.mulf %get3A_1478, %get3A_1478 : vector<16xf32>
        %add3A_1482 = arith.addf %add3A_1472, %mul3A_1481 : vector<16xf32>
        %add3A_1483 = arith.constant 13 : i32
        %add3A_1484 = arith.addi %mul3A_100, %add3A_1483 : i32
        %get3A_1485 = arith.index_cast %add3A_1484 : i32 to index
        %get3A_1486 = arith.constant 96 : index
        %get3A_1487 = tpu.vector_load %arg8[%get3A_1485, %get3A_1486] {strides = array<i32>} : memref<640x128xf32, #tpu.memory_space<vmem>>, vector<1x16xf32>,
        %get3A_1488 = vector.shape_cast %get3A_1487 : vector<1x16xf32> to vector<16xf32>
        %max3A_1489 = arith.maximumf %max3A_1479, %get3A_1488 : vector<16xf32>
        %add3A_1490 = arith.addf %add3A_1480, %get3A_1488 : vector<16xf32>
        %mul3A_1491 = arith.mulf %get3A_1488, %get3A_1488 : vector<16xf32>
        %add3A_1492 = arith.addf %add3A_1482, %mul3A_1491 : vector<16xf32>
        %add3A_1493 = arith.constant 14 : i32
        %add3A_1494 = arith.addi %mul3A_100, %add3A_1493 : i32
        %get3A_1495 = arith.index_cast %add3A_1494 : i32 to index
        %get3A_1496 = arith.constant 96 : index
        %get3A_1497 = tpu.vector_load %arg8[%get3A_1495, %get3A_1496] {strides = array<i32>} : memref<640x128xf32, #tpu.memory_space<vmem>>, vector<1x16xf32>,
        %get3A_1498 = vector.shape_cast %get3A_1497 : vector<1x16xf32> to vector<16xf32>
        %max3A_1499 = arith.maximumf %max3A_1489, %get3A_1498 : vector<16xf32>
        %add3A_1500 = arith.addf %add3A_1490, %get3A_1498 : vector<16xf32>
        %mul3A_1501 = arith.mulf %get3A_1498, %get3A_1498 : vector<16xf32>
        %add3A_1502 = arith.addf %add3A_1492, %mul3A_1501 : vector<16xf32>
        %add3A_1503 = arith.constant 15 : i32
        %add3A_1504 = arith.addi %mul3A_100, %add3A_1503 : i32
        %get3A_1505 = arith.index_cast %add3A_1504 : i32 to index
        %get3A_1506 = arith.constant 96 : index
        %get3A_1507 = tpu.vector_load %arg8[%get3A_1505, %get3A_1506] {strides = array<i32>} : memref<640x128xf32, #tpu.memory_space<vmem>>, vector<1x16xf32>,
        %get3A_1508 = vector.shape_cast %get3A_1507 : vector<1x16xf32> to vector<16xf32>
        %max3A_1509 = arith.maximumf %max3A_1499, %get3A_1508 : vector<16xf32>
        %add3A_1510 = arith.addf %add3A_1500, %get3A_1508 : vector<16xf32>
        %mul3A_1511 = arith.mulf %get3A_1508, %get3A_1508 : vector<16xf32>
        %add3A_1512 = arith.addf %add3A_1502, %mul3A_1511 : vector<16xf32>
        %add3A_1513 = arith.constant 16 : i32
        %add3A_1514 = arith.addi %mul3A_100, %add3A_1513 : i32
        %get3A_1515 = arith.index_cast %add3A_1514 : i32 to index
        %get3A_1516 = arith.constant 96 : index
        %get3A_1517 = tpu.vector_load %arg8[%get3A_1515, %get3A_1516] {strides = array<i32>} : memref<640x128xf32, #tpu.memory_space<vmem>>, vector<1x16xf32>,
        %get3A_1518 = vector.shape_cast %get3A_1517 : vector<1x16xf32> to vector<16xf32>
        %max3A_1519 = arith.maximumf %max3A_1509, %get3A_1518 : vector<16xf32>
        %add3A_1520 = arith.addf %add3A_1510, %get3A_1518 : vector<16xf32>
        %mul3A_1521 = arith.mulf %get3A_1518, %get3A_1518 : vector<16xf32>
        %add3A_1522 = arith.addf %add3A_1512, %mul3A_1521 : vector<16xf32>
        %add3A_1523 = arith.constant 17 : i32
        %add3A_1524 = arith.addi %mul3A_100, %add3A_1523 : i32
        %get3A_1525 = arith.index_cast %add3A_1524 : i32 to index
        %get3A_1526 = arith.constant 96 : index
        %get3A_1527 = tpu.vector_load %arg8[%get3A_1525, %get3A_1526] {strides = array<i32>} : memref<640x128xf32, #tpu.memory_space<vmem>>, vector<1x16xf32>,
        %get3A_1528 = vector.shape_cast %get3A_1527 : vector<1x16xf32> to vector<16xf32>
        %max3A_1529 = arith.maximumf %max3A_1519, %get3A_1528 : vector<16xf32>
        %add3A_1530 = arith.addf %add3A_1520, %get3A_1528 : vector<16xf32>
        %mul3A_1531 = arith.mulf %get3A_1528, %get3A_1528 : vector<16xf32>
        %add3A_1532 = arith.addf %add3A_1522, %mul3A_1531 : vector<16xf32>
        %add3A_1533 = arith.constant 18 : i32
        %add3A_1534 = arith.addi %mul3A_100, %add3A_1533 : i32
        %get3A_1535 = arith.index_cast %add3A_1534 : i32 to index
        %get3A_1536 = arith.constant 96 : index
        %get3A_1537 = tpu.vector_load %arg8[%get3A_1535, %get3A_1536] {strides = array<i32>} : memref<640x128xf32, #tpu.memory_space<vmem>>, vector<1x16xf32>,
        %get3A_1538 = vector.shape_cast %get3A_1537 : vector<1x16xf32> to vector<16xf32>
        %max3A_1539 = arith.maximumf %max3A_1529, %get3A_1538 : vector<16xf32>
        %add3A_1540 = arith.addf %add3A_1530, %get3A_1538 : vector<16xf32>
        %mul3A_1541 = arith.mulf %get3A_1538, %get3A_1538 : vector<16xf32>
        %add3A_1542 = arith.addf %add3A_1532, %mul3A_1541 : vector<16xf32>
        %add3A_1543 = arith.constant 19 : i32
        %add3A_1544 = arith.addi %mul3A_100, %add3A_1543 : i32
        %get3A_1545 = arith.index_cast %add3A_1544 : i32 to index
        %get3A_1546 = arith.constant 96 : index
        %get3A_1547 = tpu.vector_load %arg8[%get3A_1545, %get3A_1546] {strides = array<i32>} : memref<640x128xf32, #tpu.memory_space<vmem>>, vector<1x16xf32>,
        %get3A_1548 = vector.shape_cast %get3A_1547 : vector<1x16xf32> to vector<16xf32>
        %max3A_1549 = arith.maximumf %max3A_1539, %get3A_1548 : vector<16xf32>
        %add3A_1550 = arith.addf %add3A_1540, %get3A_1548 : vector<16xf32>
        %mul3A_1551 = arith.mulf %get3A_1548, %get3A_1548 : vector<16xf32>
        %add3A_1552 = arith.addf %add3A_1542, %mul3A_1551 : vector<16xf32>
        %swap3A_1553 = arith.index_cast %scan3A_98 : i32 to index
        %swap3A_1554 = arith.constant 96 : index
        %swap3A_1555 = tpu.vector_load %arg9[%swap3A_1553, %swap3A_1554] {strides = array<i32>} : memref<32x128xf32, #tpu.memory_space<vmem>>, vector<1x16xf32>,
        %swap3A_1556 = vector.shape_cast %swap3A_1555 : vector<1x16xf32> to vector<16xf32>
        %swap3A_1557 = vector.shape_cast %max3A_1549 : vector<16xf32> to vector<1x16xf32>
        tpu.vector_store %arg9[%swap3A_1553, %swap3A_1554], %swap3A_1557 {strides = array<i32>} : memref<32x128xf32, #tpu.memory_space<vmem>>, vector<1x16xf32>,
        %swap3A_1558 = arith.index_cast %scan3A_98 : i32 to index
        %swap3A_1559 = arith.constant 96 : index
        %swap3A_1560 = tpu.vector_load %arg10[%swap3A_1558, %swap3A_1559] {strides = array<i32>} : memref<32x128xf32, #tpu.memory_space<vmem>>, vector<1x16xf32>,
        %swap3A_1561 = vector.shape_cast %swap3A_1560 : vector<1x16xf32> to vector<16xf32>
        %swap3A_1562 = vector.shape_cast %add3A_1550 : vector<16xf32> to vector<1x16xf32>
        tpu.vector_store %arg10[%swap3A_1558, %swap3A_1559], %swap3A_1562 {strides = array<i32>} : memref<32x128xf32, #tpu.memory_space<vmem>>, vector<1x16xf32>,
        %swap3A_1563 = arith.index_cast %scan3A_98 : i32 to index
        %swap3A_1564 = arith.constant 96 : index
        %swap3A_1565 = tpu.vector_load %arg11[%swap3A_1563, %swap3A_1564] {strides = array<i32>} : memref<32x128xf32, #tpu.memory_space<vmem>>, vector<1x16xf32>,
        %swap3A_1566 = vector.shape_cast %swap3A_1565 : vector<1x16xf32> to vector<16xf32>
        %swap3A_1567 = vector.shape_cast %add3A_1552 : vector<16xf32> to vector<1x16xf32>
        tpu.vector_store %arg11[%swap3A_1563, %swap3A_1564], %swap3A_1567 {strides = array<i32>} : memref<32x128xf32, #tpu.memory_space<vmem>>, vector<1x16xf32>,
        %get3A_1568 = arith.index_cast %mul3A_100 : i32 to index
        %get3A_1569 = arith.constant 112 : index
        %get3A_1570 = tpu.vector_load %arg8[%get3A_1568, %get3A_1569] {strides = array<i32>} : memref<640x128xf32, #tpu.memory_space<vmem>>, vector<1x16xf32>,
        %get3A_1571 = vector.shape_cast %get3A_1570 : vector<1x16xf32> to vector<16xf32>
        %mul3A_1572 = arith.mulf %get3A_1571, %get3A_1571 : vector<16xf32>
        %add3A_1573 = arith.constant 1 : i32
        %add3A_1574 = arith.addi %mul3A_100, %add3A_1573 : i32
        %get3A_1575 = arith.index_cast %add3A_1574 : i32 to index
        %get3A_1576 = arith.constant 112 : index
        %get3A_1577 = tpu.vector_load %arg8[%get3A_1575, %get3A_1576] {strides = array<i32>} : memref<640x128xf32, #tpu.memory_space<vmem>>, vector<1x16xf32>,
        %get3A_1578 = vector.shape_cast %get3A_1577 : vector<1x16xf32> to vector<16xf32>
        %max3A_1579 = arith.maximumf %get3A_1571, %get3A_1578 : vector<16xf32>
        %add3A_1580 = arith.addf %get3A_1571, %get3A_1578 : vector<16xf32>
        %mul3A_1581 = arith.mulf %get3A_1578, %get3A_1578 : vector<16xf32>
        %add3A_1582 = arith.addf %mul3A_1572, %mul3A_1581 : vector<16xf32>
        %add3A_1583 = arith.constant 2 : i32
        %add3A_1584 = arith.addi %mul3A_100, %add3A_1583 : i32
        %get3A_1585 = arith.index_cast %add3A_1584 : i32 to index
        %get3A_1586 = arith.constant 112 : index
        %get3A_1587 = tpu.vector_load %arg8[%get3A_1585, %get3A_1586] {strides = array<i32>} : memref<640x128xf32, #tpu.memory_space<vmem>>, vector<1x16xf32>,
        %get3A_1588 = vector.shape_cast %get3A_1587 : vector<1x16xf32> to vector<16xf32>
        %max3A_1589 = arith.maximumf %max3A_1579, %get3A_1588 : vector<16xf32>
        %add3A_1590 = arith.addf %add3A_1580, %get3A_1588 : vector<16xf32>
        %mul3A_1591 = arith.mulf %get3A_1588, %get3A_1588 : vector<16xf32>
        %add3A_1592 = arith.addf %add3A_1582, %mul3A_1591 : vector<16xf32>
        %add3A_1593 = arith.constant 3 : i32
        %add3A_1594 = arith.addi %mul3A_100, %add3A_1593 : i32
        %get3A_1595 = arith.index_cast %add3A_1594 : i32 to index
        %get3A_1596 = arith.constant 112 : index
        %get3A_1597 = tpu.vector_load %arg8[%get3A_1595, %get3A_1596] {strides = array<i32>} : memref<640x128xf32, #tpu.memory_space<vmem>>, vector<1x16xf32>,
        %get3A_1598 = vector.shape_cast %get3A_1597 : vector<1x16xf32> to vector<16xf32>
        %max3A_1599 = arith.maximumf %max3A_1589, %get3A_1598 : vector<16xf32>
        %add3A_1600 = arith.addf %add3A_1590, %get3A_1598 : vector<16xf32>
        %mul3A_1601 = arith.mulf %get3A_1598, %get3A_1598 : vector<16xf32>
        %add3A_1602 = arith.addf %add3A_1592, %mul3A_1601 : vector<16xf32>
        %add3A_1603 = arith.constant 4 : i32
        %add3A_1604 = arith.addi %mul3A_100, %add3A_1603 : i32
        %get3A_1605 = arith.index_cast %add3A_1604 : i32 to index
        %get3A_1606 = arith.constant 112 : index
        %get3A_1607 = tpu.vector_load %arg8[%get3A_1605, %get3A_1606] {strides = array<i32>} : memref<640x128xf32, #tpu.memory_space<vmem>>, vector<1x16xf32>,
        %get3A_1608 = vector.shape_cast %get3A_1607 : vector<1x16xf32> to vector<16xf32>
        %max3A_1609 = arith.maximumf %max3A_1599, %get3A_1608 : vector<16xf32>
        %add3A_1610 = arith.addf %add3A_1600, %get3A_1608 : vector<16xf32>
        %mul3A_1611 = arith.mulf %get3A_1608, %get3A_1608 : vector<16xf32>
        %add3A_1612 = arith.addf %add3A_1602, %mul3A_1611 : vector<16xf32>
        %add3A_1613 = arith.constant 5 : i32
        %add3A_1614 = arith.addi %mul3A_100, %add3A_1613 : i32
        %get3A_1615 = arith.index_cast %add3A_1614 : i32 to index
        %get3A_1616 = arith.constant 112 : index
        %get3A_1617 = tpu.vector_load %arg8[%get3A_1615, %get3A_1616] {strides = array<i32>} : memref<640x128xf32, #tpu.memory_space<vmem>>, vector<1x16xf32>,
        %get3A_1618 = vector.shape_cast %get3A_1617 : vector<1x16xf32> to vector<16xf32>
        %max3A_1619 = arith.maximumf %max3A_1609, %get3A_1618 : vector<16xf32>
        %add3A_1620 = arith.addf %add3A_1610, %get3A_1618 : vector<16xf32>
        %mul3A_1621 = arith.mulf %get3A_1618, %get3A_1618 : vector<16xf32>
        %add3A_1622 = arith.addf %add3A_1612, %mul3A_1621 : vector<16xf32>
        %add3A_1623 = arith.constant 6 : i32
        %add3A_1624 = arith.addi %mul3A_100, %add3A_1623 : i32
        %get3A_1625 = arith.index_cast %add3A_1624 : i32 to index
        %get3A_1626 = arith.constant 112 : index
        %get3A_1627 = tpu.vector_load %arg8[%get3A_1625, %get3A_1626] {strides = array<i32>} : memref<640x128xf32, #tpu.memory_space<vmem>>, vector<1x16xf32>,
        %get3A_1628 = vector.shape_cast %get3A_1627 : vector<1x16xf32> to vector<16xf32>
        %max3A_1629 = arith.maximumf %max3A_1619, %get3A_1628 : vector<16xf32>
        %add3A_1630 = arith.addf %add3A_1620, %get3A_1628 : vector<16xf32>
        %mul3A_1631 = arith.mulf %get3A_1628, %get3A_1628 : vector<16xf32>
        %add3A_1632 = arith.addf %add3A_1622, %mul3A_1631 : vector<16xf32>
        %add3A_1633 = arith.constant 7 : i32
        %add3A_1634 = arith.addi %mul3A_100, %add3A_1633 : i32
        %get3A_1635 = arith.index_cast %add3A_1634 : i32 to index
        %get3A_1636 = arith.constant 112 : index
        %get3A_1637 = tpu.vector_load %arg8[%get3A_1635, %get3A_1636] {strides = array<i32>} : memref<640x128xf32, #tpu.memory_space<vmem>>, vector<1x16xf32>,
        %get3A_1638 = vector.shape_cast %get3A_1637 : vector<1x16xf32> to vector<16xf32>
        %max3A_1639 = arith.maximumf %max3A_1629, %get3A_1638 : vector<16xf32>
        %add3A_1640 = arith.addf %add3A_1630, %get3A_1638 : vector<16xf32>
        %mul3A_1641 = arith.mulf %get3A_1638, %get3A_1638 : vector<16xf32>
        %add3A_1642 = arith.addf %add3A_1632, %mul3A_1641 : vector<16xf32>
        %add3A_1643 = arith.constant 8 : i32
        %add3A_1644 = arith.addi %mul3A_100, %add3A_1643 : i32
        %get3A_1645 = arith.index_cast %add3A_1644 : i32 to index
        %get3A_1646 = arith.constant 112 : index
        %get3A_1647 = tpu.vector_load %arg8[%get3A_1645, %get3A_1646] {strides = array<i32>} : memref<640x128xf32, #tpu.memory_space<vmem>>, vector<1x16xf32>,
        %get3A_1648 = vector.shape_cast %get3A_1647 : vector<1x16xf32> to vector<16xf32>
        %max3A_1649 = arith.maximumf %max3A_1639, %get3A_1648 : vector<16xf32>
        %add3A_1650 = arith.addf %add3A_1640, %get3A_1648 : vector<16xf32>
        %mul3A_1651 = arith.mulf %get3A_1648, %get3A_1648 : vector<16xf32>
        %add3A_1652 = arith.addf %add3A_1642, %mul3A_1651 : vector<16xf32>
        %add3A_1653 = arith.constant 9 : i32
        %add3A_1654 = arith.addi %mul3A_100, %add3A_1653 : i32
        %get3A_1655 = arith.index_cast %add3A_1654 : i32 to index
        %get3A_1656 = arith.constant 112 : index
        %get3A_1657 = tpu.vector_load %arg8[%get3A_1655, %get3A_1656] {strides = array<i32>} : memref<640x128xf32, #tpu.memory_space<vmem>>, vector<1x16xf32>,
        %get3A_1658 = vector.shape_cast %get3A_1657 : vector<1x16xf32> to vector<16xf32>
        %max3A_1659 = arith.maximumf %max3A_1649, %get3A_1658 : vector<16xf32>
        %add3A_1660 = arith.addf %add3A_1650, %get3A_1658 : vector<16xf32>
        %mul3A_1661 = arith.mulf %get3A_1658, %get3A_1658 : vector<16xf32>
        %add3A_1662 = arith.addf %add3A_1652, %mul3A_1661 : vector<16xf32>
        %add3A_1663 = arith.constant 10 : i32
        %add3A_1664 = arith.addi %mul3A_100, %add3A_1663 : i32
        %get3A_1665 = arith.index_cast %add3A_1664 : i32 to index
        %get3A_1666 = arith.constant 112 : index
        %get3A_1667 = tpu.vector_load %arg8[%get3A_1665, %get3A_1666] {strides = array<i32>} : memref<640x128xf32, #tpu.memory_space<vmem>>, vector<1x16xf32>,
        %get3A_1668 = vector.shape_cast %get3A_1667 : vector<1x16xf32> to vector<16xf32>
        %max3A_1669 = arith.maximumf %max3A_1659, %get3A_1668 : vector<16xf32>
        %add3A_1670 = arith.addf %add3A_1660, %get3A_1668 : vector<16xf32>
        %mul3A_1671 = arith.mulf %get3A_1668, %get3A_1668 : vector<16xf32>
        %add3A_1672 = arith.addf %add3A_1662, %mul3A_1671 : vector<16xf32>
        %add3A_1673 = arith.constant 11 : i32
        %add3A_1674 = arith.addi %mul3A_100, %add3A_1673 : i32
        %get3A_1675 = arith.index_cast %add3A_1674 : i32 to index
        %get3A_1676 = arith.constant 112 : index
        %get3A_1677 = tpu.vector_load %arg8[%get3A_1675, %get3A_1676] {strides = array<i32>} : memref<640x128xf32, #tpu.memory_space<vmem>>, vector<1x16xf32>,
        %get3A_1678 = vector.shape_cast %get3A_1677 : vector<1x16xf32> to vector<16xf32>
        %max3A_1679 = arith.maximumf %max3A_1669, %get3A_1678 : vector<16xf32>
        %add3A_1680 = arith.addf %add3A_1670, %get3A_1678 : vector<16xf32>
        %mul3A_1681 = arith.mulf %get3A_1678, %get3A_1678 : vector<16xf32>
        %add3A_1682 = arith.addf %add3A_1672, %mul3A_1681 : vector<16xf32>
        %add3A_1683 = arith.constant 12 : i32
        %add3A_1684 = arith.addi %mul3A_100, %add3A_1683 : i32
        %get3A_1685 = arith.index_cast %add3A_1684 : i32 to index
        %get3A_1686 = arith.constant 112 : index
        %get3A_1687 = tpu.vector_load %arg8[%get3A_1685, %get3A_1686] {strides = array<i32>} : memref<640x128xf32, #tpu.memory_space<vmem>>, vector<1x16xf32>,
        %get3A_1688 = vector.shape_cast %get3A_1687 : vector<1x16xf32> to vector<16xf32>
        %max3A_1689 = arith.maximumf %max3A_1679, %get3A_1688 : vector<16xf32>
        %add3A_1690 = arith.addf %add3A_1680, %get3A_1688 : vector<16xf32>
        %mul3A_1691 = arith.mulf %get3A_1688, %get3A_1688 : vector<16xf32>
        %add3A_1692 = arith.addf %add3A_1682, %mul3A_1691 : vector<16xf32>
        %add3A_1693 = arith.constant 13 : i32
        %add3A_1694 = arith.addi %mul3A_100, %add3A_1693 : i32
        %get3A_1695 = arith.index_cast %add3A_1694 : i32 to index
        %get3A_1696 = arith.constant 112 : index
        %get3A_1697 = tpu.vector_load %arg8[%get3A_1695, %get3A_1696] {strides = array<i32>} : memref<640x128xf32, #tpu.memory_space<vmem>>, vector<1x16xf32>,
        %get3A_1698 = vector.shape_cast %get3A_1697 : vector<1x16xf32> to vector<16xf32>
        %max3A_1699 = arith.maximumf %max3A_1689, %get3A_1698 : vector<16xf32>
        %add3A_1700 = arith.addf %add3A_1690, %get3A_1698 : vector<16xf32>
        %mul3A_1701 = arith.mulf %get3A_1698, %get3A_1698 : vector<16xf32>
        %add3A_1702 = arith.addf %add3A_1692, %mul3A_1701 : vector<16xf32>
        %add3A_1703 = arith.constant 14 : i32
        %add3A_1704 = arith.addi %mul3A_100, %add3A_1703 : i32
        %get3A_1705 = arith.index_cast %add3A_1704 : i32 to index
        %get3A_1706 = arith.constant 112 : index
        %get3A_1707 = tpu.vector_load %arg8[%get3A_1705, %get3A_1706] {strides = array<i32>} : memref<640x128xf32, #tpu.memory_space<vmem>>, vector<1x16xf32>,
        %get3A_1708 = vector.shape_cast %get3A_1707 : vector<1x16xf32> to vector<16xf32>
        %max3A_1709 = arith.maximumf %max3A_1699, %get3A_1708 : vector<16xf32>
        %add3A_1710 = arith.addf %add3A_1700, %get3A_1708 : vector<16xf32>
        %mul3A_1711 = arith.mulf %get3A_1708, %get3A_1708 : vector<16xf32>
        %add3A_1712 = arith.addf %add3A_1702, %mul3A_1711 : vector<16xf32>
        %add3A_1713 = arith.constant 15 : i32
        %add3A_1714 = arith.addi %mul3A_100, %add3A_1713 : i32
        %get3A_1715 = arith.index_cast %add3A_1714 : i32 to index
        %get3A_1716 = arith.constant 112 : index
        %get3A_1717 = tpu.vector_load %arg8[%get3A_1715, %get3A_1716] {strides = array<i32>} : memref<640x128xf32, #tpu.memory_space<vmem>>, vector<1x16xf32>,
        %get3A_1718 = vector.shape_cast %get3A_1717 : vector<1x16xf32> to vector<16xf32>
        %max3A_1719 = arith.maximumf %max3A_1709, %get3A_1718 : vector<16xf32>
        %add3A_1720 = arith.addf %add3A_1710, %get3A_1718 : vector<16xf32>
        %mul3A_1721 = arith.mulf %get3A_1718, %get3A_1718 : vector<16xf32>
        %add3A_1722 = arith.addf %add3A_1712, %mul3A_1721 : vector<16xf32>
        %add3A_1723 = arith.constant 16 : i32
        %add3A_1724 = arith.addi %mul3A_100, %add3A_1723 : i32
        %get3A_1725 = arith.index_cast %add3A_1724 : i32 to index
        %get3A_1726 = arith.constant 112 : index
        %get3A_1727 = tpu.vector_load %arg8[%get3A_1725, %get3A_1726] {strides = array<i32>} : memref<640x128xf32, #tpu.memory_space<vmem>>, vector<1x16xf32>,
        %get3A_1728 = vector.shape_cast %get3A_1727 : vector<1x16xf32> to vector<16xf32>
        %max3A_1729 = arith.maximumf %max3A_1719, %get3A_1728 : vector<16xf32>
        %add3A_1730 = arith.addf %add3A_1720, %get3A_1728 : vector<16xf32>
        %mul3A_1731 = arith.mulf %get3A_1728, %get3A_1728 : vector<16xf32>
        %add3A_1732 = arith.addf %add3A_1722, %mul3A_1731 : vector<16xf32>
        %add3A_1733 = arith.constant 17 : i32
        %add3A_1734 = arith.addi %mul3A_100, %add3A_1733 : i32
        %get3A_1735 = arith.index_cast %add3A_1734 : i32 to index
        %get3A_1736 = arith.constant 112 : index
        %get3A_1737 = tpu.vector_load %arg8[%get3A_1735, %get3A_1736] {strides = array<i32>} : memref<640x128xf32, #tpu.memory_space<vmem>>, vector<1x16xf32>,
        %get3A_1738 = vector.shape_cast %get3A_1737 : vector<1x16xf32> to vector<16xf32>
        %max3A_1739 = arith.maximumf %max3A_1729, %get3A_1738 : vector<16xf32>
        %add3A_1740 = arith.addf %add3A_1730, %get3A_1738 : vector<16xf32>
        %mul3A_1741 = arith.mulf %get3A_1738, %get3A_1738 : vector<16xf32>
        %add3A_1742 = arith.addf %add3A_1732, %mul3A_1741 : vector<16xf32>
        %add3A_1743 = arith.constant 18 : i32
        %add3A_1744 = arith.addi %mul3A_100, %add3A_1743 : i32
        %get3A_1745 = arith.index_cast %add3A_1744 : i32 to index
        %get3A_1746 = arith.constant 112 : index
        %get3A_1747 = tpu.vector_load %arg8[%get3A_1745, %get3A_1746] {strides = array<i32>} : memref<640x128xf32, #tpu.memory_space<vmem>>, vector<1x16xf32>,
        %get3A_1748 = vector.shape_cast %get3A_1747 : vector<1x16xf32> to vector<16xf32>
        %max3A_1749 = arith.maximumf %max3A_1739, %get3A_1748 : vector<16xf32>
        %add3A_1750 = arith.addf %add3A_1740, %get3A_1748 : vector<16xf32>
        %mul3A_1751 = arith.mulf %get3A_1748, %get3A_1748 : vector<16xf32>
        %add3A_1752 = arith.addf %add3A_1742, %mul3A_1751 : vector<16xf32>
        %add3A_1753 = arith.constant 19 : i32
        %add3A_1754 = arith.addi %mul3A_100, %add3A_1753 : i32
        %get3A_1755 = arith.index_cast %add3A_1754 : i32 to index
        %get3A_1756 = arith.constant 112 : index
        %get3A_1757 = tpu.vector_load %arg8[%get3A_1755, %get3A_1756] {strides = array<i32>} : memref<640x128xf32, #tpu.memory_space<vmem>>, vector<1x16xf32>,
        %get3A_1758 = vector.shape_cast %get3A_1757 : vector<1x16xf32> to vector<16xf32>
        %max3A_1759 = arith.maximumf %max3A_1749, %get3A_1758 : vector<16xf32>
        %add3A_1760 = arith.addf %add3A_1750, %get3A_1758 : vector<16xf32>
        %mul3A_1761 = arith.mulf %get3A_1758, %get3A_1758 : vector<16xf32>
        %add3A_1762 = arith.addf %add3A_1752, %mul3A_1761 : vector<16xf32>
        %swap3A_1763 = arith.index_cast %scan3A_98 : i32 to index
        %swap3A_1764 = arith.constant 112 : index
        %swap3A_1765 = tpu.vector_load %arg9[%swap3A_1763, %swap3A_1764] {strides = array<i32>} : memref<32x128xf32, #tpu.memory_space<vmem>>, vector<1x16xf32>,
        %swap3A_1766 = vector.shape_cast %swap3A_1765 : vector<1x16xf32> to vector<16xf32>
        %swap3A_1767 = vector.shape_cast %max3A_1759 : vector<16xf32> to vector<1x16xf32>
        tpu.vector_store %arg9[%swap3A_1763, %swap3A_1764], %swap3A_1767 {strides = array<i32>} : memref<32x128xf32, #tpu.memory_space<vmem>>, vector<1x16xf32>,
        %swap3A_1768 = arith.index_cast %scan3A_98 : i32 to index
        %swap3A_1769 = arith.constant 112 : index
        %swap3A_1770 = tpu.vector_load %arg10[%swap3A_1768, %swap3A_1769] {strides = array<i32>} : memref<32x128xf32, #tpu.memory_space<vmem>>, vector<1x16xf32>,
        %swap3A_1771 = vector.shape_cast %swap3A_1770 : vector<1x16xf32> to vector<16xf32>
        %swap3A_1772 = vector.shape_cast %add3A_1760 : vector<16xf32> to vector<1x16xf32>
        tpu.vector_store %arg10[%swap3A_1768, %swap3A_1769], %swap3A_1772 {strides = array<i32>} : memref<32x128xf32, #tpu.memory_space<vmem>>, vector<1x16xf32>,
        %swap3A_1773 = arith.index_cast %scan3A_98 : i32 to index
        %swap3A_1774 = arith.constant 112 : index
        %swap3A_1775 = tpu.vector_load %arg11[%swap3A_1773, %swap3A_1774] {strides = array<i32>} : memref<32x128xf32, #tpu.memory_space<vmem>>, vector<1x16xf32>,
        %swap3A_1776 = vector.shape_cast %swap3A_1775 : vector<1x16xf32> to vector<16xf32>
        %swap3A_1777 = vector.shape_cast %add3A_1762 : vector<16xf32> to vector<1x16xf32>
        tpu.vector_store %arg11[%swap3A_1773, %swap3A_1774], %swap3A_1777 {strides = array<i32>} : memref<32x128xf32, #tpu.memory_space<vmem>>, vector<1x16xf32>,
      }
      %scan3A_97 = arith.constant 32 : i32
      "tpu.region"() ({
        %run_scoped3A = tpu.sem_alloc : memref<!tpu.dma_semaphore, #tpu.memory_space<semaphore_mem>>
        %dma_start3A_98 = arith.constant 0 : i32
        %dma_start3A_99 = tpu.memref_slice %arg4[%add3A_11, %dma_start3A_98] : memref<10240x128xf32, #tpu.memory_space<hbm>> -> memref<32x128xf32, #tpu.memory_space<hbm>>
        %dma_start3A_100 = arith.constant 0 : i32
        %dma_start3A_101 = tpu.memref_slice %arg4[%add3A_11, %dma_start3A_100] : memref<10240x128xf32, #tpu.memory_space<hbm>> -> memref<32x128xf32, #tpu.memory_space<hbm>>
        tpu.enqueue_dma source(%arg9 : memref<32x128xf32, #tpu.memory_space<vmem>>) target(%dma_start3A_101 : memref<32x128xf32, #tpu.memory_space<hbm>>) target_semaphore(%run_scoped3A : memref<!tpu.dma_semaphore, #tpu.memory_space<semaphore_mem>>)
        %dma_wait3A_102 = arith.constant 0 : i32
        %dma_wait3A_103 = tpu.memref_slice %arg4[%add3A_11, %dma_wait3A_102] : memref<10240x128xf32, #tpu.memory_space<hbm>> -> memref<32x128xf32, #tpu.memory_space<hbm>>
        %dma_wait3A_104 = arith.constant 0 : i32
        %dma_wait3A_105 = tpu.memref_slice %arg4[%add3A_11, %dma_wait3A_104] : memref<10240x128xf32, #tpu.memory_space<hbm>> -> memref<32x128xf32, #tpu.memory_space<hbm>>
        tpu.wait_dma2 semaphore(%run_scoped3A : memref<!tpu.dma_semaphore, #tpu.memory_space<semaphore_mem>>) src(%arg9 : memref<32x128xf32, #tpu.memory_space<vmem>>) dst(%dma_wait3A_105 : memref<32x128xf32, #tpu.memory_space<hbm>>)
        tpu.yield
      }) : () -> ()
      "tpu.region"() ({
        %run_scoped3A = tpu.sem_alloc : memref<!tpu.dma_semaphore, #tpu.memory_space<semaphore_mem>>
        %dma_start3A_98 = arith.constant 0 : i32
        %dma_start3A_99 = tpu.memref_slice %arg5[%add3A_11, %dma_start3A_98] : memref<10240x128xf32, #tpu.memory_space<hbm>> -> memref<32x128xf32, #tpu.memory_space<hbm>>
        %dma_start3A_100 = arith.constant 0 : i32
        %dma_start3A_101 = tpu.memref_slice %arg5[%add3A_11, %dma_start3A_100] : memref<10240x128xf32, #tpu.memory_space<hbm>> -> memref<32x128xf32, #tpu.memory_space<hbm>>
        tpu.enqueue_dma source(%arg10 : memref<32x128xf32, #tpu.memory_space<vmem>>) target(%dma_start3A_101 : memref<32x128xf32, #tpu.memory_space<hbm>>) target_semaphore(%run_scoped3A : memref<!tpu.dma_semaphore, #tpu.memory_space<semaphore_mem>>)
        %dma_wait3A_102 = arith.constant 0 : i32
        %dma_wait3A_103 = tpu.memref_slice %arg5[%add3A_11, %dma_wait3A_102] : memref<10240x128xf32, #tpu.memory_space<hbm>> -> memref<32x128xf32, #tpu.memory_space<hbm>>
        %dma_wait3A_104 = arith.constant 0 : i32
        %dma_wait3A_105 = tpu.memref_slice %arg5[%add3A_11, %dma_wait3A_104] : memref<10240x128xf32, #tpu.memory_space<hbm>> -> memref<32x128xf32, #tpu.memory_space<hbm>>
        tpu.wait_dma2 semaphore(%run_scoped3A : memref<!tpu.dma_semaphore, #tpu.memory_space<semaphore_mem>>) src(%arg10 : memref<32x128xf32, #tpu.memory_space<vmem>>) dst(%dma_wait3A_105 : memref<32x128xf32, #tpu.memory_space<hbm>>)
        tpu.yield
      }) : () -> ()
      "tpu.region"() ({
        %run_scoped3A = tpu.sem_alloc : memref<!tpu.dma_semaphore, #tpu.memory_space<semaphore_mem>>
        %dma_start3A_98 = arith.constant 0 : i32
        %dma_start3A_99 = tpu.memref_slice %arg6[%add3A_11, %dma_start3A_98] : memref<10240x128xf32, #tpu.memory_space<hbm>> -> memref<32x128xf32, #tpu.memory_space<hbm>>
        %dma_start3A_100 = arith.constant 0 : i32
        %dma_start3A_101 = tpu.memref_slice %arg6[%add3A_11, %dma_start3A_100] : memref<10240x128xf32, #tpu.memory_space<hbm>> -> memref<32x128xf32, #tpu.memory_space<hbm>>
        tpu.enqueue_dma source(%arg11 : memref<32x128xf32, #tpu.memory_space<vmem>>) target(%dma_start3A_101 : memref<32x128xf32, #tpu.memory_space<hbm>>) target_semaphore(%run_scoped3A : memref<!tpu.dma_semaphore, #tpu.memory_space<semaphore_mem>>)
        %dma_wait3A_102 = arith.constant 0 : i32
        %dma_wait3A_103 = tpu.memref_slice %arg6[%add3A_11, %dma_wait3A_102] : memref<10240x128xf32, #tpu.memory_space<hbm>> -> memref<32x128xf32, #tpu.memory_space<hbm>>
        %dma_wait3A_104 = arith.constant 0 : i32
        %dma_wait3A_105 = tpu.memref_slice %arg6[%add3A_11, %dma_wait3A_104] : memref<10240x128xf32, #tpu.memory_space<hbm>> -> memref<32x128xf32, #tpu.memory_space<hbm>>
        tpu.wait_dma2 semaphore(%run_scoped3A : memref<!tpu.dma_semaphore, #tpu.memory_space<semaphore_mem>>) src(%arg11 : memref<32x128xf32, #tpu.memory_space<vmem>>) dst(%dma_wait3A_105 : memref<32x128xf32, #tpu.memory_space<hbm>>)
        tpu.yield
      }) : () -> ()
    }
    %scan3A_5 = arith.constant 10 : i32
    return
  }
}

module attributes {stable_mosaic.version = 14 : i64} {
  func.func @_k1_body(%arg0: i32, %arg1: memref<128x128xf32, #tpu.memory_space<vmem>>, %arg2: memref<128x10240xf32, #tpu.memory_space<vmem>>, %arg3: memref<128x128xf32, #tpu.memory_space<vmem>>, %arg4: memref<128x128xf32, #tpu.memory_space<vmem>>, %arg5: memref<128x20xi32, #tpu.memory_space<vmem>>, %arg6: memref<128x128xf32, #tpu.memory_space<vmem>>, %arg7: memref<128x128xf32, #tpu.memory_space<vmem>>, %arg8: memref<8x10240xf32, #tpu.memory_space<vmem>>) attributes {dimension_semantics = [#tpu.dimension_semantics<arbitrary>], iteration_bounds = array<i64: 80>, scalar_prefetch = 0 : i64, scratch_operands = 1 : i64, tpu.core_type = #tpu.core_type<tc>, window_params = [{transform_indices = @transform_0, window_bounds = array<i64: 128, 128>}, {pipeline_mode = #tpu.pipeline_mode<synchronous>, transform_indices = @transform_1, window_bounds = array<i64: 128, 10240>}, {pipeline_mode = #tpu.pipeline_mode<synchronous>, transform_indices = @transform_2, window_bounds = array<i64: 128, 128>}, {pipeline_mode = #tpu.pipeline_mode<synchronous>, transform_indices = @transform_3, window_bounds = array<i64: 128, 128>}, {transform_indices = @transform_4, window_bounds = array<i64: 128, 20>}, {transform_indices = @transform_5, window_bounds = array<i64: 128, 128>}, {transform_indices = @transform_6, window_bounds = array<i64: 128, 128>}]} {
    %get3A = arith.constant 0 : index
    %get3A_0 = arith.constant 0 : index
    %get3A_1 = vector.load %arg1[%get3A, %get3A_0] : memref<128x128xf32, #tpu.memory_space<vmem>>, vector<128x128xf32>
    %transpose3A = tpu.transpose %get3A_1, [1, 0] : vector<128x128xf32> -> vector<128x128xf32>
    %get3A_2 = arith.constant 0 : index
    %get3A_3 = arith.constant 0 : index
    %get3A_4 = vector.load %arg3[%get3A_2, %get3A_3] : memref<128x128xf32, #tpu.memory_space<vmem>>, vector<128x128xf32>
    %dot_general3A = arith.constant dense<0.000000e+00> : vector<128x128xf32>
    %dot_general3A_5 = tpu.matmul %transpose3A, %get3A_4, %dot_general3A {dimension_numbers = #tpu.dot_dimension_numbers<[1], [0], [0], [1], [0, 0, 1, 1], [], []>, transpose_lhs_hint = false} : vector<128x128xf32>, vector<128x128xf32>, vector<128x128xf32> -> vector<128x128xf32>
    %swap3A = arith.constant 0 : index
    %swap3A_6 = arith.constant 0 : index
    %swap3A_7 = vector.load %arg6[%swap3A, %swap3A_6] : memref<128x128xf32, #tpu.memory_space<vmem>>, vector<128x128xf32>
    tpu.vector_store %arg6[%swap3A, %swap3A_6], %dot_general3A_5 {strides = array<i32>} : memref<128x128xf32, #tpu.memory_space<vmem>>, vector<128x128xf32>,
    %get3A_8 = arith.constant 0 : index
    %get3A_9 = arith.constant 0 : index
    %get3A_10 = vector.load %arg4[%get3A_8, %get3A_9] : memref<128x128xf32, #tpu.memory_space<vmem>>, vector<128x128xf32>
    %dot_general3A_11 = arith.constant dense<0.000000e+00> : vector<128x128xf32>
    %dot_general3A_12 = tpu.matmul %transpose3A, %get3A_10, %dot_general3A_11 {dimension_numbers = #tpu.dot_dimension_numbers<[1], [0], [0], [1], [0, 0, 1, 1], [], []>, transpose_lhs_hint = false} : vector<128x128xf32>, vector<128x128xf32>, vector<128x128xf32> -> vector<128x128xf32>
    %swap3A_13 = arith.constant 0 : index
    %swap3A_14 = arith.constant 0 : index
    %swap3A_15 = vector.load %arg7[%swap3A_13, %swap3A_14] : memref<128x128xf32, #tpu.memory_space<vmem>>, vector<128x128xf32>
    tpu.vector_store %arg7[%swap3A_13, %swap3A_14], %dot_general3A_12 {strides = array<i32>} : memref<128x128xf32, #tpu.memory_space<vmem>>, vector<128x128xf32>,
    %eq3A = arith.constant 0 : i32
    %eq3A_16 = arith.cmpi eq, %arg0, %eq3A : i32
    %convert_element_type3A = arith.extui %eq3A_16 : i1 to i32
    %cond3A = arith.constant 0 : i32
    %cond3A_17 = arith.cmpi ne, %convert_element_type3A, %cond3A : i32
    scf.if %cond3A_17 {
      %get3A_366 = arith.constant 0 : index
      %get3A_367 = arith.constant 0 : index
      %get3A_368 = vector.load %arg2[%get3A_366, %get3A_367] : memref<128x10240xf32, #tpu.memory_space<vmem>>, vector<128x10240xf32>
      %iota3A_369 = tpu.iota {dimensions = array<i32: 1>} : vector<1x10240xi32>
      %ge3A = arith.constant 10000 : i32
      %ge3A_370 = vector.broadcast %ge3A : i32 to vector<1x10240xi32>
      %ge3A_371 = arith.cmpi sge, %iota3A_369, %ge3A_370 : vector<1x10240xi32>
      %mul3A_372 = arith.mulf %get3A_368, %get3A_368 : vector<128x10240xf32>
      %reduce_sum3A_373 = arith.constant dense<0.000000e+00> : vector<10240xf32>
      %reduce_sum3A_374 = vector.multi_reduction <add>, %mul3A_372, %reduce_sum3A_373 [0] : vector<128x10240xf32> to vector<10240xf32>
      %broadcast_in_dim3A_375 = vector.shape_cast %reduce_sum3A_374 : vector<10240xf32> to vector<1x10240xf32>
      %jit3A_376 = arith.constant 9.99999993E+36 : f32
      %jit3A_377 = arith.constant 0.000000e+00 : f32
      %broadcast_in_dim3A_378 = vector.broadcast %jit3A_376 : f32 to vector<1x10240xf32>
      %broadcast_in_dim3A_379 = vector.broadcast %jit3A_377 : f32 to vector<1x10240xf32>
      %select_n3A_380 = arith.select %ge3A_371, %broadcast_in_dim3A_378, %broadcast_in_dim3A_379 : vector<1x10240xi1>, vector<1x10240xf32>
      %add3A = arith.addf %broadcast_in_dim3A_375, %select_n3A_380 : vector<1x10240xf32>
      %swap3A_381 = arith.constant 0 : index
      %swap3A_382 = arith.constant 0 : index
      %swap3A_383 = vector.load %arg8[%swap3A_381, %swap3A_382] : memref<8x10240xf32, #tpu.memory_space<vmem>>, vector<1x10240xf32>
      tpu.vector_store %arg8[%swap3A_381, %swap3A_382], %add3A {strides = array<i32>} : memref<8x10240xf32, #tpu.memory_space<vmem>>, vector<1x10240xf32>,
    } else {
    }
    %get3A_18 = arith.constant 0 : index
    %get3A_19 = arith.constant 0 : index
    %get3A_20 = vector.load %arg8[%get3A_18, %get3A_19] : memref<8x10240xf32, #tpu.memory_space<vmem>>, vector<1x10240xf32>
    %mul3A = arith.mulf %transpose3A, %transpose3A : vector<128x128xf32>
    %reduce_sum3A = arith.constant dense<0.000000e+00> : vector<128xf32>
    %reduce_sum3A_21 = vector.multi_reduction <add>, %mul3A, %reduce_sum3A [1] : vector<128x128xf32> to vector<128xf32>
    %broadcast_in_dim3A = vector.shape_cast %reduce_sum3A_21 : vector<128xf32> to vector<128x1xf32>
    %iota3A = tpu.iota {dimensions = array<i32: 1>} : vector<128x10240xi32>
    %get3A_22 = arith.constant 0 : index
    %get3A_23 = arith.constant 0 : index
    %get3A_24 = vector.load %arg2[%get3A_22, %get3A_23] : memref<128x10240xf32, #tpu.memory_space<vmem>>, vector<128x10240xf32>
    %dot_general3A_25 = arith.constant dense<0.000000e+00> : vector<128x10240xf32>
    %dot_general3A_26 = tpu.matmul %transpose3A, %get3A_24, %dot_general3A_25 {dimension_numbers = #tpu.dot_dimension_numbers<[1], [0], [0], [1], [0, 0, 1, 1], [], []>, transpose_lhs_hint = false} : vector<128x128xf32>, vector<128x10240xf32>, vector<128x10240xf32> -> vector<128x10240xf32>
    %mul3A_27 = arith.constant 2.000000e+00 : f32
    %mul3A_28 = vector.broadcast %mul3A_27 : f32 to vector<128x10240xf32>
    %mul3A_29 = arith.mulf %mul3A_28, %dot_general3A_26 : vector<128x10240xf32>
    %sub3A = vector.broadcast %get3A_20 : vector<1x10240xf32> to vector<128x10240xf32>
    %sub3A_30 = arith.subf %mul3A_29, %sub3A : vector<128x10240xf32>
    %sub3A_31 = vector.broadcast %broadcast_in_dim3A : vector<128x1xf32> to vector<128x10240xf32>
    %sub3A_32 = arith.subf %sub3A_30, %sub3A_31 : vector<128x10240xf32>
    %reduce_max3A = arith.constant dense<0xFF800000> : vector<128xf32>
    %reduce_max3A_33 = vector.multi_reduction <maximumf>, %sub3A_32, %reduce_max3A [1] : vector<128x10240xf32> to vector<128xf32>
    %broadcast_in_dim3A_34 = vector.shape_cast %reduce_max3A_33 : vector<128xf32> to vector<128x1xf32>
    %eq3A_35 = vector.broadcast %broadcast_in_dim3A_34 : vector<128x1xf32> to vector<128x10240xf32>
    %eq3A_36 = arith.cmpf oeq, %sub3A_32, %eq3A_35 : vector<128x10240xf32>
    %jit3A = arith.constant 10240 : i32
    %broadcast_in_dim3A_37 = vector.broadcast %jit3A : i32 to vector<128x10240xi32>
    %select_n3A = arith.select %eq3A_36, %iota3A, %broadcast_in_dim3A_37 : vector<128x10240xi1>, vector<128x10240xi32>
    %reduce_min3A = arith.constant dense<2147483647> : vector<128xi32>
    %reduce_min3A_38 = vector.multi_reduction <minsi>, %select_n3A, %reduce_min3A [1] : vector<128x10240xi32> to vector<128xi32>
    %broadcast_in_dim3A_39 = vector.shape_cast %reduce_min3A_38 : vector<128xi32> to vector<128x1xi32>
    %swap3A_40 = arith.constant 0 : index
    %swap3A_41 = arith.constant 0 : index
    %swap3A_42 = vector.load %arg5[%swap3A_40, %swap3A_41] : memref<128x20xi32, #tpu.memory_space<vmem>>, vector<128x1xi32>
    tpu.vector_store %arg5[%swap3A_40, %swap3A_41], %broadcast_in_dim3A_39 {strides = array<i32>} : memref<128x20xi32, #tpu.memory_space<vmem>>, vector<128x1xi32>,
    %jit3A_43 = arith.constant -3.000000e+38 : f32
    %broadcast_in_dim3A_44 = vector.broadcast %jit3A_43 : f32 to vector<128x10240xf32>
    %select_n3A_45 = arith.select %eq3A_36, %broadcast_in_dim3A_44, %sub3A_32 : vector<128x10240xi1>, vector<128x10240xf32>
    %reduce_max3A_46 = arith.constant dense<0xFF800000> : vector<128xf32>
    %reduce_max3A_47 = vector.multi_reduction <maximumf>, %select_n3A_45, %reduce_max3A_46 [1] : vector<128x10240xf32> to vector<128xf32>
    %broadcast_in_dim3A_48 = vector.shape_cast %reduce_max3A_47 : vector<128xf32> to vector<128x1xf32>
    %eq3A_49 = vector.broadcast %broadcast_in_dim3A_48 : vector<128x1xf32> to vector<128x10240xf32>
    %eq3A_50 = arith.cmpf oeq, %select_n3A_45, %eq3A_49 : vector<128x10240xf32>
    %jit3A_51 = arith.constant 10240 : i32
    %broadcast_in_dim3A_52 = vector.broadcast %jit3A_51 : i32 to vector<128x10240xi32>
    %select_n3A_53 = arith.select %eq3A_50, %iota3A, %broadcast_in_dim3A_52 : vector<128x10240xi1>, vector<128x10240xi32>
    %reduce_min3A_54 = arith.constant dense<2147483647> : vector<128xi32>
    %reduce_min3A_55 = vector.multi_reduction <minsi>, %select_n3A_53, %reduce_min3A_54 [1] : vector<128x10240xi32> to vector<128xi32>
    %broadcast_in_dim3A_56 = vector.shape_cast %reduce_min3A_55 : vector<128xi32> to vector<128x1xi32>
    %swap3A_57 = arith.constant 0 : index
    %swap3A_58 = arith.constant 1 : index
    %swap3A_59 = vector.load %arg5[%swap3A_57, %swap3A_58] : memref<128x20xi32, #tpu.memory_space<vmem>>, vector<128x1xi32>
    tpu.vector_store %arg5[%swap3A_57, %swap3A_58], %broadcast_in_dim3A_56 {strides = array<i32>} : memref<128x20xi32, #tpu.memory_space<vmem>>, vector<128x1xi32>,
    %jit3A_60 = arith.constant -3.000000e+38 : f32
    %broadcast_in_dim3A_61 = vector.broadcast %jit3A_60 : f32 to vector<128x10240xf32>
    %select_n3A_62 = arith.select %eq3A_50, %broadcast_in_dim3A_61, %select_n3A_45 : vector<128x10240xi1>, vector<128x10240xf32>
    %reduce_max3A_63 = arith.constant dense<0xFF800000> : vector<128xf32>
    %reduce_max3A_64 = vector.multi_reduction <maximumf>, %select_n3A_62, %reduce_max3A_63 [1] : vector<128x10240xf32> to vector<128xf32>
    %broadcast_in_dim3A_65 = vector.shape_cast %reduce_max3A_64 : vector<128xf32> to vector<128x1xf32>
    %eq3A_66 = vector.broadcast %broadcast_in_dim3A_65 : vector<128x1xf32> to vector<128x10240xf32>
    %eq3A_67 = arith.cmpf oeq, %select_n3A_62, %eq3A_66 : vector<128x10240xf32>
    %jit3A_68 = arith.constant 10240 : i32
    %broadcast_in_dim3A_69 = vector.broadcast %jit3A_68 : i32 to vector<128x10240xi32>
    %select_n3A_70 = arith.select %eq3A_67, %iota3A, %broadcast_in_dim3A_69 : vector<128x10240xi1>, vector<128x10240xi32>
    %reduce_min3A_71 = arith.constant dense<2147483647> : vector<128xi32>
    %reduce_min3A_72 = vector.multi_reduction <minsi>, %select_n3A_70, %reduce_min3A_71 [1] : vector<128x10240xi32> to vector<128xi32>
    %broadcast_in_dim3A_73 = vector.shape_cast %reduce_min3A_72 : vector<128xi32> to vector<128x1xi32>
    %swap3A_74 = arith.constant 0 : index
    %swap3A_75 = arith.constant 2 : index
    %swap3A_76 = vector.load %arg5[%swap3A_74, %swap3A_75] : memref<128x20xi32, #tpu.memory_space<vmem>>, vector<128x1xi32>
    tpu.vector_store %arg5[%swap3A_74, %swap3A_75], %broadcast_in_dim3A_73 {strides = array<i32>} : memref<128x20xi32, #tpu.memory_space<vmem>>, vector<128x1xi32>,
    %jit3A_77 = arith.constant -3.000000e+38 : f32
    %broadcast_in_dim3A_78 = vector.broadcast %jit3A_77 : f32 to vector<128x10240xf32>
    %select_n3A_79 = arith.select %eq3A_67, %broadcast_in_dim3A_78, %select_n3A_62 : vector<128x10240xi1>, vector<128x10240xf32>
    %reduce_max3A_80 = arith.constant dense<0xFF800000> : vector<128xf32>
    %reduce_max3A_81 = vector.multi_reduction <maximumf>, %select_n3A_79, %reduce_max3A_80 [1] : vector<128x10240xf32> to vector<128xf32>
    %broadcast_in_dim3A_82 = vector.shape_cast %reduce_max3A_81 : vector<128xf32> to vector<128x1xf32>
    %eq3A_83 = vector.broadcast %broadcast_in_dim3A_82 : vector<128x1xf32> to vector<128x10240xf32>
    %eq3A_84 = arith.cmpf oeq, %select_n3A_79, %eq3A_83 : vector<128x10240xf32>
    %jit3A_85 = arith.constant 10240 : i32
    %broadcast_in_dim3A_86 = vector.broadcast %jit3A_85 : i32 to vector<128x10240xi32>
    %select_n3A_87 = arith.select %eq3A_84, %iota3A, %broadcast_in_dim3A_86 : vector<128x10240xi1>, vector<128x10240xi32>
    %reduce_min3A_88 = arith.constant dense<2147483647> : vector<128xi32>
    %reduce_min3A_89 = vector.multi_reduction <minsi>, %select_n3A_87, %reduce_min3A_88 [1] : vector<128x10240xi32> to vector<128xi32>
    %broadcast_in_dim3A_90 = vector.shape_cast %reduce_min3A_89 : vector<128xi32> to vector<128x1xi32>
    %swap3A_91 = arith.constant 0 : index
    %swap3A_92 = arith.constant 3 : index
    %swap3A_93 = vector.load %arg5[%swap3A_91, %swap3A_92] : memref<128x20xi32, #tpu.memory_space<vmem>>, vector<128x1xi32>
    tpu.vector_store %arg5[%swap3A_91, %swap3A_92], %broadcast_in_dim3A_90 {strides = array<i32>} : memref<128x20xi32, #tpu.memory_space<vmem>>, vector<128x1xi32>,
    %jit3A_94 = arith.constant -3.000000e+38 : f32
    %broadcast_in_dim3A_95 = vector.broadcast %jit3A_94 : f32 to vector<128x10240xf32>
    %select_n3A_96 = arith.select %eq3A_84, %broadcast_in_dim3A_95, %select_n3A_79 : vector<128x10240xi1>, vector<128x10240xf32>
    %reduce_max3A_97 = arith.constant dense<0xFF800000> : vector<128xf32>
    %reduce_max3A_98 = vector.multi_reduction <maximumf>, %select_n3A_96, %reduce_max3A_97 [1] : vector<128x10240xf32> to vector<128xf32>
    %broadcast_in_dim3A_99 = vector.shape_cast %reduce_max3A_98 : vector<128xf32> to vector<128x1xf32>
    %eq3A_100 = vector.broadcast %broadcast_in_dim3A_99 : vector<128x1xf32> to vector<128x10240xf32>
    %eq3A_101 = arith.cmpf oeq, %select_n3A_96, %eq3A_100 : vector<128x10240xf32>
    %jit3A_102 = arith.constant 10240 : i32
    %broadcast_in_dim3A_103 = vector.broadcast %jit3A_102 : i32 to vector<128x10240xi32>
    %select_n3A_104 = arith.select %eq3A_101, %iota3A, %broadcast_in_dim3A_103 : vector<128x10240xi1>, vector<128x10240xi32>
    %reduce_min3A_105 = arith.constant dense<2147483647> : vector<128xi32>
    %reduce_min3A_106 = vector.multi_reduction <minsi>, %select_n3A_104, %reduce_min3A_105 [1] : vector<128x10240xi32> to vector<128xi32>
    %broadcast_in_dim3A_107 = vector.shape_cast %reduce_min3A_106 : vector<128xi32> to vector<128x1xi32>
    %swap3A_108 = arith.constant 0 : index
    %swap3A_109 = arith.constant 4 : index
    %swap3A_110 = vector.load %arg5[%swap3A_108, %swap3A_109] : memref<128x20xi32, #tpu.memory_space<vmem>>, vector<128x1xi32>
    tpu.vector_store %arg5[%swap3A_108, %swap3A_109], %broadcast_in_dim3A_107 {strides = array<i32>} : memref<128x20xi32, #tpu.memory_space<vmem>>, vector<128x1xi32>,
    %jit3A_111 = arith.constant -3.000000e+38 : f32
    %broadcast_in_dim3A_112 = vector.broadcast %jit3A_111 : f32 to vector<128x10240xf32>
    %select_n3A_113 = arith.select %eq3A_101, %broadcast_in_dim3A_112, %select_n3A_96 : vector<128x10240xi1>, vector<128x10240xf32>
    %reduce_max3A_114 = arith.constant dense<0xFF800000> : vector<128xf32>
    %reduce_max3A_115 = vector.multi_reduction <maximumf>, %select_n3A_113, %reduce_max3A_114 [1] : vector<128x10240xf32> to vector<128xf32>
    %broadcast_in_dim3A_116 = vector.shape_cast %reduce_max3A_115 : vector<128xf32> to vector<128x1xf32>
    %eq3A_117 = vector.broadcast %broadcast_in_dim3A_116 : vector<128x1xf32> to vector<128x10240xf32>
    %eq3A_118 = arith.cmpf oeq, %select_n3A_113, %eq3A_117 : vector<128x10240xf32>
    %jit3A_119 = arith.constant 10240 : i32
    %broadcast_in_dim3A_120 = vector.broadcast %jit3A_119 : i32 to vector<128x10240xi32>
    %select_n3A_121 = arith.select %eq3A_118, %iota3A, %broadcast_in_dim3A_120 : vector<128x10240xi1>, vector<128x10240xi32>
    %reduce_min3A_122 = arith.constant dense<2147483647> : vector<128xi32>
    %reduce_min3A_123 = vector.multi_reduction <minsi>, %select_n3A_121, %reduce_min3A_122 [1] : vector<128x10240xi32> to vector<128xi32>
    %broadcast_in_dim3A_124 = vector.shape_cast %reduce_min3A_123 : vector<128xi32> to vector<128x1xi32>
    %swap3A_125 = arith.constant 0 : index
    %swap3A_126 = arith.constant 5 : index
    %swap3A_127 = vector.load %arg5[%swap3A_125, %swap3A_126] : memref<128x20xi32, #tpu.memory_space<vmem>>, vector<128x1xi32>
    tpu.vector_store %arg5[%swap3A_125, %swap3A_126], %broadcast_in_dim3A_124 {strides = array<i32>} : memref<128x20xi32, #tpu.memory_space<vmem>>, vector<128x1xi32>,
    %jit3A_128 = arith.constant -3.000000e+38 : f32
    %broadcast_in_dim3A_129 = vector.broadcast %jit3A_128 : f32 to vector<128x10240xf32>
    %select_n3A_130 = arith.select %eq3A_118, %broadcast_in_dim3A_129, %select_n3A_113 : vector<128x10240xi1>, vector<128x10240xf32>
    %reduce_max3A_131 = arith.constant dense<0xFF800000> : vector<128xf32>
    %reduce_max3A_132 = vector.multi_reduction <maximumf>, %select_n3A_130, %reduce_max3A_131 [1] : vector<128x10240xf32> to vector<128xf32>
    %broadcast_in_dim3A_133 = vector.shape_cast %reduce_max3A_132 : vector<128xf32> to vector<128x1xf32>
    %eq3A_134 = vector.broadcast %broadcast_in_dim3A_133 : vector<128x1xf32> to vector<128x10240xf32>
    %eq3A_135 = arith.cmpf oeq, %select_n3A_130, %eq3A_134 : vector<128x10240xf32>
    %jit3A_136 = arith.constant 10240 : i32
    %broadcast_in_dim3A_137 = vector.broadcast %jit3A_136 : i32 to vector<128x10240xi32>
    %select_n3A_138 = arith.select %eq3A_135, %iota3A, %broadcast_in_dim3A_137 : vector<128x10240xi1>, vector<128x10240xi32>
    %reduce_min3A_139 = arith.constant dense<2147483647> : vector<128xi32>
    %reduce_min3A_140 = vector.multi_reduction <minsi>, %select_n3A_138, %reduce_min3A_139 [1] : vector<128x10240xi32> to vector<128xi32>
    %broadcast_in_dim3A_141 = vector.shape_cast %reduce_min3A_140 : vector<128xi32> to vector<128x1xi32>
    %swap3A_142 = arith.constant 0 : index
    %swap3A_143 = arith.constant 6 : index
    %swap3A_144 = vector.load %arg5[%swap3A_142, %swap3A_143] : memref<128x20xi32, #tpu.memory_space<vmem>>, vector<128x1xi32>
    tpu.vector_store %arg5[%swap3A_142, %swap3A_143], %broadcast_in_dim3A_141 {strides = array<i32>} : memref<128x20xi32, #tpu.memory_space<vmem>>, vector<128x1xi32>,
    %jit3A_145 = arith.constant -3.000000e+38 : f32
    %broadcast_in_dim3A_146 = vector.broadcast %jit3A_145 : f32 to vector<128x10240xf32>
    %select_n3A_147 = arith.select %eq3A_135, %broadcast_in_dim3A_146, %select_n3A_130 : vector<128x10240xi1>, vector<128x10240xf32>
    %reduce_max3A_148 = arith.constant dense<0xFF800000> : vector<128xf32>
    %reduce_max3A_149 = vector.multi_reduction <maximumf>, %select_n3A_147, %reduce_max3A_148 [1] : vector<128x10240xf32> to vector<128xf32>
    %broadcast_in_dim3A_150 = vector.shape_cast %reduce_max3A_149 : vector<128xf32> to vector<128x1xf32>
    %eq3A_151 = vector.broadcast %broadcast_in_dim3A_150 : vector<128x1xf32> to vector<128x10240xf32>
    %eq3A_152 = arith.cmpf oeq, %select_n3A_147, %eq3A_151 : vector<128x10240xf32>
    %jit3A_153 = arith.constant 10240 : i32
    %broadcast_in_dim3A_154 = vector.broadcast %jit3A_153 : i32 to vector<128x10240xi32>
    %select_n3A_155 = arith.select %eq3A_152, %iota3A, %broadcast_in_dim3A_154 : vector<128x10240xi1>, vector<128x10240xi32>
    %reduce_min3A_156 = arith.constant dense<2147483647> : vector<128xi32>
    %reduce_min3A_157 = vector.multi_reduction <minsi>, %select_n3A_155, %reduce_min3A_156 [1] : vector<128x10240xi32> to vector<128xi32>
    %broadcast_in_dim3A_158 = vector.shape_cast %reduce_min3A_157 : vector<128xi32> to vector<128x1xi32>
    %swap3A_159 = arith.constant 0 : index
    %swap3A_160 = arith.constant 7 : index
    %swap3A_161 = vector.load %arg5[%swap3A_159, %swap3A_160] : memref<128x20xi32, #tpu.memory_space<vmem>>, vector<128x1xi32>
    tpu.vector_store %arg5[%swap3A_159, %swap3A_160], %broadcast_in_dim3A_158 {strides = array<i32>} : memref<128x20xi32, #tpu.memory_space<vmem>>, vector<128x1xi32>,
    %jit3A_162 = arith.constant -3.000000e+38 : f32
    %broadcast_in_dim3A_163 = vector.broadcast %jit3A_162 : f32 to vector<128x10240xf32>
    %select_n3A_164 = arith.select %eq3A_152, %broadcast_in_dim3A_163, %select_n3A_147 : vector<128x10240xi1>, vector<128x10240xf32>
    %reduce_max3A_165 = arith.constant dense<0xFF800000> : vector<128xf32>
    %reduce_max3A_166 = vector.multi_reduction <maximumf>, %select_n3A_164, %reduce_max3A_165 [1] : vector<128x10240xf32> to vector<128xf32>
    %broadcast_in_dim3A_167 = vector.shape_cast %reduce_max3A_166 : vector<128xf32> to vector<128x1xf32>
    %eq3A_168 = vector.broadcast %broadcast_in_dim3A_167 : vector<128x1xf32> to vector<128x10240xf32>
    %eq3A_169 = arith.cmpf oeq, %select_n3A_164, %eq3A_168 : vector<128x10240xf32>
    %jit3A_170 = arith.constant 10240 : i32
    %broadcast_in_dim3A_171 = vector.broadcast %jit3A_170 : i32 to vector<128x10240xi32>
    %select_n3A_172 = arith.select %eq3A_169, %iota3A, %broadcast_in_dim3A_171 : vector<128x10240xi1>, vector<128x10240xi32>
    %reduce_min3A_173 = arith.constant dense<2147483647> : vector<128xi32>
    %reduce_min3A_174 = vector.multi_reduction <minsi>, %select_n3A_172, %reduce_min3A_173 [1] : vector<128x10240xi32> to vector<128xi32>
    %broadcast_in_dim3A_175 = vector.shape_cast %reduce_min3A_174 : vector<128xi32> to vector<128x1xi32>
    %swap3A_176 = arith.constant 0 : index
    %swap3A_177 = arith.constant 8 : index
    %swap3A_178 = vector.load %arg5[%swap3A_176, %swap3A_177] : memref<128x20xi32, #tpu.memory_space<vmem>>, vector<128x1xi32>
    tpu.vector_store %arg5[%swap3A_176, %swap3A_177], %broadcast_in_dim3A_175 {strides = array<i32>} : memref<128x20xi32, #tpu.memory_space<vmem>>, vector<128x1xi32>,
    %jit3A_179 = arith.constant -3.000000e+38 : f32
    %broadcast_in_dim3A_180 = vector.broadcast %jit3A_179 : f32 to vector<128x10240xf32>
    %select_n3A_181 = arith.select %eq3A_169, %broadcast_in_dim3A_180, %select_n3A_164 : vector<128x10240xi1>, vector<128x10240xf32>
    %reduce_max3A_182 = arith.constant dense<0xFF800000> : vector<128xf32>
    %reduce_max3A_183 = vector.multi_reduction <maximumf>, %select_n3A_181, %reduce_max3A_182 [1] : vector<128x10240xf32> to vector<128xf32>
    %broadcast_in_dim3A_184 = vector.shape_cast %reduce_max3A_183 : vector<128xf32> to vector<128x1xf32>
    %eq3A_185 = vector.broadcast %broadcast_in_dim3A_184 : vector<128x1xf32> to vector<128x10240xf32>
    %eq3A_186 = arith.cmpf oeq, %select_n3A_181, %eq3A_185 : vector<128x10240xf32>
    %jit3A_187 = arith.constant 10240 : i32
    %broadcast_in_dim3A_188 = vector.broadcast %jit3A_187 : i32 to vector<128x10240xi32>
    %select_n3A_189 = arith.select %eq3A_186, %iota3A, %broadcast_in_dim3A_188 : vector<128x10240xi1>, vector<128x10240xi32>
    %reduce_min3A_190 = arith.constant dense<2147483647> : vector<128xi32>
    %reduce_min3A_191 = vector.multi_reduction <minsi>, %select_n3A_189, %reduce_min3A_190 [1] : vector<128x10240xi32> to vector<128xi32>
    %broadcast_in_dim3A_192 = vector.shape_cast %reduce_min3A_191 : vector<128xi32> to vector<128x1xi32>
    %swap3A_193 = arith.constant 0 : index
    %swap3A_194 = arith.constant 9 : index
    %swap3A_195 = vector.load %arg5[%swap3A_193, %swap3A_194] : memref<128x20xi32, #tpu.memory_space<vmem>>, vector<128x1xi32>
    tpu.vector_store %arg5[%swap3A_193, %swap3A_194], %broadcast_in_dim3A_192 {strides = array<i32>} : memref<128x20xi32, #tpu.memory_space<vmem>>, vector<128x1xi32>,
    %jit3A_196 = arith.constant -3.000000e+38 : f32
    %broadcast_in_dim3A_197 = vector.broadcast %jit3A_196 : f32 to vector<128x10240xf32>
    %select_n3A_198 = arith.select %eq3A_186, %broadcast_in_dim3A_197, %select_n3A_181 : vector<128x10240xi1>, vector<128x10240xf32>
    %reduce_max3A_199 = arith.constant dense<0xFF800000> : vector<128xf32>
    %reduce_max3A_200 = vector.multi_reduction <maximumf>, %select_n3A_198, %reduce_max3A_199 [1] : vector<128x10240xf32> to vector<128xf32>
    %broadcast_in_dim3A_201 = vector.shape_cast %reduce_max3A_200 : vector<128xf32> to vector<128x1xf32>
    %eq3A_202 = vector.broadcast %broadcast_in_dim3A_201 : vector<128x1xf32> to vector<128x10240xf32>
    %eq3A_203 = arith.cmpf oeq, %select_n3A_198, %eq3A_202 : vector<128x10240xf32>
    %jit3A_204 = arith.constant 10240 : i32
    %broadcast_in_dim3A_205 = vector.broadcast %jit3A_204 : i32 to vector<128x10240xi32>
    %select_n3A_206 = arith.select %eq3A_203, %iota3A, %broadcast_in_dim3A_205 : vector<128x10240xi1>, vector<128x10240xi32>
    %reduce_min3A_207 = arith.constant dense<2147483647> : vector<128xi32>
    %reduce_min3A_208 = vector.multi_reduction <minsi>, %select_n3A_206, %reduce_min3A_207 [1] : vector<128x10240xi32> to vector<128xi32>
    %broadcast_in_dim3A_209 = vector.shape_cast %reduce_min3A_208 : vector<128xi32> to vector<128x1xi32>
    %swap3A_210 = arith.constant 0 : index
    %swap3A_211 = arith.constant 10 : index
    %swap3A_212 = vector.load %arg5[%swap3A_210, %swap3A_211] : memref<128x20xi32, #tpu.memory_space<vmem>>, vector<128x1xi32>
    tpu.vector_store %arg5[%swap3A_210, %swap3A_211], %broadcast_in_dim3A_209 {strides = array<i32>} : memref<128x20xi32, #tpu.memory_space<vmem>>, vector<128x1xi32>,
    %jit3A_213 = arith.constant -3.000000e+38 : f32
    %broadcast_in_dim3A_214 = vector.broadcast %jit3A_213 : f32 to vector<128x10240xf32>
    %select_n3A_215 = arith.select %eq3A_203, %broadcast_in_dim3A_214, %select_n3A_198 : vector<128x10240xi1>, vector<128x10240xf32>
    %reduce_max3A_216 = arith.constant dense<0xFF800000> : vector<128xf32>
    %reduce_max3A_217 = vector.multi_reduction <maximumf>, %select_n3A_215, %reduce_max3A_216 [1] : vector<128x10240xf32> to vector<128xf32>
    %broadcast_in_dim3A_218 = vector.shape_cast %reduce_max3A_217 : vector<128xf32> to vector<128x1xf32>
    %eq3A_219 = vector.broadcast %broadcast_in_dim3A_218 : vector<128x1xf32> to vector<128x10240xf32>
    %eq3A_220 = arith.cmpf oeq, %select_n3A_215, %eq3A_219 : vector<128x10240xf32>
    %jit3A_221 = arith.constant 10240 : i32
    %broadcast_in_dim3A_222 = vector.broadcast %jit3A_221 : i32 to vector<128x10240xi32>
    %select_n3A_223 = arith.select %eq3A_220, %iota3A, %broadcast_in_dim3A_222 : vector<128x10240xi1>, vector<128x10240xi32>
    %reduce_min3A_224 = arith.constant dense<2147483647> : vector<128xi32>
    %reduce_min3A_225 = vector.multi_reduction <minsi>, %select_n3A_223, %reduce_min3A_224 [1] : vector<128x10240xi32> to vector<128xi32>
    %broadcast_in_dim3A_226 = vector.shape_cast %reduce_min3A_225 : vector<128xi32> to vector<128x1xi32>
    %swap3A_227 = arith.constant 0 : index
    %swap3A_228 = arith.constant 11 : index
    %swap3A_229 = vector.load %arg5[%swap3A_227, %swap3A_228] : memref<128x20xi32, #tpu.memory_space<vmem>>, vector<128x1xi32>
    tpu.vector_store %arg5[%swap3A_227, %swap3A_228], %broadcast_in_dim3A_226 {strides = array<i32>} : memref<128x20xi32, #tpu.memory_space<vmem>>, vector<128x1xi32>,
    %jit3A_230 = arith.constant -3.000000e+38 : f32
    %broadcast_in_dim3A_231 = vector.broadcast %jit3A_230 : f32 to vector<128x10240xf32>
    %select_n3A_232 = arith.select %eq3A_220, %broadcast_in_dim3A_231, %select_n3A_215 : vector<128x10240xi1>, vector<128x10240xf32>
    %reduce_max3A_233 = arith.constant dense<0xFF800000> : vector<128xf32>
    %reduce_max3A_234 = vector.multi_reduction <maximumf>, %select_n3A_232, %reduce_max3A_233 [1] : vector<128x10240xf32> to vector<128xf32>
    %broadcast_in_dim3A_235 = vector.shape_cast %reduce_max3A_234 : vector<128xf32> to vector<128x1xf32>
    %eq3A_236 = vector.broadcast %broadcast_in_dim3A_235 : vector<128x1xf32> to vector<128x10240xf32>
    %eq3A_237 = arith.cmpf oeq, %select_n3A_232, %eq3A_236 : vector<128x10240xf32>
    %jit3A_238 = arith.constant 10240 : i32
    %broadcast_in_dim3A_239 = vector.broadcast %jit3A_238 : i32 to vector<128x10240xi32>
    %select_n3A_240 = arith.select %eq3A_237, %iota3A, %broadcast_in_dim3A_239 : vector<128x10240xi1>, vector<128x10240xi32>
    %reduce_min3A_241 = arith.constant dense<2147483647> : vector<128xi32>
    %reduce_min3A_242 = vector.multi_reduction <minsi>, %select_n3A_240, %reduce_min3A_241 [1] : vector<128x10240xi32> to vector<128xi32>
    %broadcast_in_dim3A_243 = vector.shape_cast %reduce_min3A_242 : vector<128xi32> to vector<128x1xi32>
    %swap3A_244 = arith.constant 0 : index
    %swap3A_245 = arith.constant 12 : index
    %swap3A_246 = vector.load %arg5[%swap3A_244, %swap3A_245] : memref<128x20xi32, #tpu.memory_space<vmem>>, vector<128x1xi32>
    tpu.vector_store %arg5[%swap3A_244, %swap3A_245], %broadcast_in_dim3A_243 {strides = array<i32>} : memref<128x20xi32, #tpu.memory_space<vmem>>, vector<128x1xi32>,
    %jit3A_247 = arith.constant -3.000000e+38 : f32
    %broadcast_in_dim3A_248 = vector.broadcast %jit3A_247 : f32 to vector<128x10240xf32>
    %select_n3A_249 = arith.select %eq3A_237, %broadcast_in_dim3A_248, %select_n3A_232 : vector<128x10240xi1>, vector<128x10240xf32>
    %reduce_max3A_250 = arith.constant dense<0xFF800000> : vector<128xf32>
    %reduce_max3A_251 = vector.multi_reduction <maximumf>, %select_n3A_249, %reduce_max3A_250 [1] : vector<128x10240xf32> to vector<128xf32>
    %broadcast_in_dim3A_252 = vector.shape_cast %reduce_max3A_251 : vector<128xf32> to vector<128x1xf32>
    %eq3A_253 = vector.broadcast %broadcast_in_dim3A_252 : vector<128x1xf32> to vector<128x10240xf32>
    %eq3A_254 = arith.cmpf oeq, %select_n3A_249, %eq3A_253 : vector<128x10240xf32>
    %jit3A_255 = arith.constant 10240 : i32
    %broadcast_in_dim3A_256 = vector.broadcast %jit3A_255 : i32 to vector<128x10240xi32>
    %select_n3A_257 = arith.select %eq3A_254, %iota3A, %broadcast_in_dim3A_256 : vector<128x10240xi1>, vector<128x10240xi32>
    %reduce_min3A_258 = arith.constant dense<2147483647> : vector<128xi32>
    %reduce_min3A_259 = vector.multi_reduction <minsi>, %select_n3A_257, %reduce_min3A_258 [1] : vector<128x10240xi32> to vector<128xi32>
    %broadcast_in_dim3A_260 = vector.shape_cast %reduce_min3A_259 : vector<128xi32> to vector<128x1xi32>
    %swap3A_261 = arith.constant 0 : index
    %swap3A_262 = arith.constant 13 : index
    %swap3A_263 = vector.load %arg5[%swap3A_261, %swap3A_262] : memref<128x20xi32, #tpu.memory_space<vmem>>, vector<128x1xi32>
    tpu.vector_store %arg5[%swap3A_261, %swap3A_262], %broadcast_in_dim3A_260 {strides = array<i32>} : memref<128x20xi32, #tpu.memory_space<vmem>>, vector<128x1xi32>,
    %jit3A_264 = arith.constant -3.000000e+38 : f32
    %broadcast_in_dim3A_265 = vector.broadcast %jit3A_264 : f32 to vector<128x10240xf32>
    %select_n3A_266 = arith.select %eq3A_254, %broadcast_in_dim3A_265, %select_n3A_249 : vector<128x10240xi1>, vector<128x10240xf32>
    %reduce_max3A_267 = arith.constant dense<0xFF800000> : vector<128xf32>
    %reduce_max3A_268 = vector.multi_reduction <maximumf>, %select_n3A_266, %reduce_max3A_267 [1] : vector<128x10240xf32> to vector<128xf32>
    %broadcast_in_dim3A_269 = vector.shape_cast %reduce_max3A_268 : vector<128xf32> to vector<128x1xf32>
    %eq3A_270 = vector.broadcast %broadcast_in_dim3A_269 : vector<128x1xf32> to vector<128x10240xf32>
    %eq3A_271 = arith.cmpf oeq, %select_n3A_266, %eq3A_270 : vector<128x10240xf32>
    %jit3A_272 = arith.constant 10240 : i32
    %broadcast_in_dim3A_273 = vector.broadcast %jit3A_272 : i32 to vector<128x10240xi32>
    %select_n3A_274 = arith.select %eq3A_271, %iota3A, %broadcast_in_dim3A_273 : vector<128x10240xi1>, vector<128x10240xi32>
    %reduce_min3A_275 = arith.constant dense<2147483647> : vector<128xi32>
    %reduce_min3A_276 = vector.multi_reduction <minsi>, %select_n3A_274, %reduce_min3A_275 [1] : vector<128x10240xi32> to vector<128xi32>
    %broadcast_in_dim3A_277 = vector.shape_cast %reduce_min3A_276 : vector<128xi32> to vector<128x1xi32>
    %swap3A_278 = arith.constant 0 : index
    %swap3A_279 = arith.constant 14 : index
    %swap3A_280 = vector.load %arg5[%swap3A_278, %swap3A_279] : memref<128x20xi32, #tpu.memory_space<vmem>>, vector<128x1xi32>
    tpu.vector_store %arg5[%swap3A_278, %swap3A_279], %broadcast_in_dim3A_277 {strides = array<i32>} : memref<128x20xi32, #tpu.memory_space<vmem>>, vector<128x1xi32>,
    %jit3A_281 = arith.constant -3.000000e+38 : f32
    %broadcast_in_dim3A_282 = vector.broadcast %jit3A_281 : f32 to vector<128x10240xf32>
    %select_n3A_283 = arith.select %eq3A_271, %broadcast_in_dim3A_282, %select_n3A_266 : vector<128x10240xi1>, vector<128x10240xf32>
    %reduce_max3A_284 = arith.constant dense<0xFF800000> : vector<128xf32>
    %reduce_max3A_285 = vector.multi_reduction <maximumf>, %select_n3A_283, %reduce_max3A_284 [1] : vector<128x10240xf32> to vector<128xf32>
    %broadcast_in_dim3A_286 = vector.shape_cast %reduce_max3A_285 : vector<128xf32> to vector<128x1xf32>
    %eq3A_287 = vector.broadcast %broadcast_in_dim3A_286 : vector<128x1xf32> to vector<128x10240xf32>
    %eq3A_288 = arith.cmpf oeq, %select_n3A_283, %eq3A_287 : vector<128x10240xf32>
    %jit3A_289 = arith.constant 10240 : i32
    %broadcast_in_dim3A_290 = vector.broadcast %jit3A_289 : i32 to vector<128x10240xi32>
    %select_n3A_291 = arith.select %eq3A_288, %iota3A, %broadcast_in_dim3A_290 : vector<128x10240xi1>, vector<128x10240xi32>
    %reduce_min3A_292 = arith.constant dense<2147483647> : vector<128xi32>
    %reduce_min3A_293 = vector.multi_reduction <minsi>, %select_n3A_291, %reduce_min3A_292 [1] : vector<128x10240xi32> to vector<128xi32>
    %broadcast_in_dim3A_294 = vector.shape_cast %reduce_min3A_293 : vector<128xi32> to vector<128x1xi32>
    %swap3A_295 = arith.constant 0 : index
    %swap3A_296 = arith.constant 15 : index
    %swap3A_297 = vector.load %arg5[%swap3A_295, %swap3A_296] : memref<128x20xi32, #tpu.memory_space<vmem>>, vector<128x1xi32>
    tpu.vector_store %arg5[%swap3A_295, %swap3A_296], %broadcast_in_dim3A_294 {strides = array<i32>} : memref<128x20xi32, #tpu.memory_space<vmem>>, vector<128x1xi32>,
    %jit3A_298 = arith.constant -3.000000e+38 : f32
    %broadcast_in_dim3A_299 = vector.broadcast %jit3A_298 : f32 to vector<128x10240xf32>
    %select_n3A_300 = arith.select %eq3A_288, %broadcast_in_dim3A_299, %select_n3A_283 : vector<128x10240xi1>, vector<128x10240xf32>
    %reduce_max3A_301 = arith.constant dense<0xFF800000> : vector<128xf32>
    %reduce_max3A_302 = vector.multi_reduction <maximumf>, %select_n3A_300, %reduce_max3A_301 [1] : vector<128x10240xf32> to vector<128xf32>
    %broadcast_in_dim3A_303 = vector.shape_cast %reduce_max3A_302 : vector<128xf32> to vector<128x1xf32>
    %eq3A_304 = vector.broadcast %broadcast_in_dim3A_303 : vector<128x1xf32> to vector<128x10240xf32>
    %eq3A_305 = arith.cmpf oeq, %select_n3A_300, %eq3A_304 : vector<128x10240xf32>
    %jit3A_306 = arith.constant 10240 : i32
    %broadcast_in_dim3A_307 = vector.broadcast %jit3A_306 : i32 to vector<128x10240xi32>
    %select_n3A_308 = arith.select %eq3A_305, %iota3A, %broadcast_in_dim3A_307 : vector<128x10240xi1>, vector<128x10240xi32>
    %reduce_min3A_309 = arith.constant dense<2147483647> : vector<128xi32>
    %reduce_min3A_310 = vector.multi_reduction <minsi>, %select_n3A_308, %reduce_min3A_309 [1] : vector<128x10240xi32> to vector<128xi32>
    %broadcast_in_dim3A_311 = vector.shape_cast %reduce_min3A_310 : vector<128xi32> to vector<128x1xi32>
    %swap3A_312 = arith.constant 0 : index
    %swap3A_313 = arith.constant 16 : index
    %swap3A_314 = vector.load %arg5[%swap3A_312, %swap3A_313] : memref<128x20xi32, #tpu.memory_space<vmem>>, vector<128x1xi32>
    tpu.vector_store %arg5[%swap3A_312, %swap3A_313], %broadcast_in_dim3A_311 {strides = array<i32>} : memref<128x20xi32, #tpu.memory_space<vmem>>, vector<128x1xi32>,
    %jit3A_315 = arith.constant -3.000000e+38 : f32
    %broadcast_in_dim3A_316 = vector.broadcast %jit3A_315 : f32 to vector<128x10240xf32>
    %select_n3A_317 = arith.select %eq3A_305, %broadcast_in_dim3A_316, %select_n3A_300 : vector<128x10240xi1>, vector<128x10240xf32>
    %reduce_max3A_318 = arith.constant dense<0xFF800000> : vector<128xf32>
    %reduce_max3A_319 = vector.multi_reduction <maximumf>, %select_n3A_317, %reduce_max3A_318 [1] : vector<128x10240xf32> to vector<128xf32>
    %broadcast_in_dim3A_320 = vector.shape_cast %reduce_max3A_319 : vector<128xf32> to vector<128x1xf32>
    %eq3A_321 = vector.broadcast %broadcast_in_dim3A_320 : vector<128x1xf32> to vector<128x10240xf32>
    %eq3A_322 = arith.cmpf oeq, %select_n3A_317, %eq3A_321 : vector<128x10240xf32>
    %jit3A_323 = arith.constant 10240 : i32
    %broadcast_in_dim3A_324 = vector.broadcast %jit3A_323 : i32 to vector<128x10240xi32>
    %select_n3A_325 = arith.select %eq3A_322, %iota3A, %broadcast_in_dim3A_324 : vector<128x10240xi1>, vector<128x10240xi32>
    %reduce_min3A_326 = arith.constant dense<2147483647> : vector<128xi32>
    %reduce_min3A_327 = vector.multi_reduction <minsi>, %select_n3A_325, %reduce_min3A_326 [1] : vector<128x10240xi32> to vector<128xi32>
    %broadcast_in_dim3A_328 = vector.shape_cast %reduce_min3A_327 : vector<128xi32> to vector<128x1xi32>
    %swap3A_329 = arith.constant 0 : index
    %swap3A_330 = arith.constant 17 : index
    %swap3A_331 = vector.load %arg5[%swap3A_329, %swap3A_330] : memref<128x20xi32, #tpu.memory_space<vmem>>, vector<128x1xi32>
    tpu.vector_store %arg5[%swap3A_329, %swap3A_330], %broadcast_in_dim3A_328 {strides = array<i32>} : memref<128x20xi32, #tpu.memory_space<vmem>>, vector<128x1xi32>,
    %jit3A_332 = arith.constant -3.000000e+38 : f32
    %broadcast_in_dim3A_333 = vector.broadcast %jit3A_332 : f32 to vector<128x10240xf32>
    %select_n3A_334 = arith.select %eq3A_322, %broadcast_in_dim3A_333, %select_n3A_317 : vector<128x10240xi1>, vector<128x10240xf32>
    %reduce_max3A_335 = arith.constant dense<0xFF800000> : vector<128xf32>
    %reduce_max3A_336 = vector.multi_reduction <maximumf>, %select_n3A_334, %reduce_max3A_335 [1] : vector<128x10240xf32> to vector<128xf32>
    %broadcast_in_dim3A_337 = vector.shape_cast %reduce_max3A_336 : vector<128xf32> to vector<128x1xf32>
    %eq3A_338 = vector.broadcast %broadcast_in_dim3A_337 : vector<128x1xf32> to vector<128x10240xf32>
    %eq3A_339 = arith.cmpf oeq, %select_n3A_334, %eq3A_338 : vector<128x10240xf32>
    %jit3A_340 = arith.constant 10240 : i32
    %broadcast_in_dim3A_341 = vector.broadcast %jit3A_340 : i32 to vector<128x10240xi32>
    %select_n3A_342 = arith.select %eq3A_339, %iota3A, %broadcast_in_dim3A_341 : vector<128x10240xi1>, vector<128x10240xi32>
    %reduce_min3A_343 = arith.constant dense<2147483647> : vector<128xi32>
    %reduce_min3A_344 = vector.multi_reduction <minsi>, %select_n3A_342, %reduce_min3A_343 [1] : vector<128x10240xi32> to vector<128xi32>
    %broadcast_in_dim3A_345 = vector.shape_cast %reduce_min3A_344 : vector<128xi32> to vector<128x1xi32>
    %swap3A_346 = arith.constant 0 : index
    %swap3A_347 = arith.constant 18 : index
    %swap3A_348 = vector.load %arg5[%swap3A_346, %swap3A_347] : memref<128x20xi32, #tpu.memory_space<vmem>>, vector<128x1xi32>
    tpu.vector_store %arg5[%swap3A_346, %swap3A_347], %broadcast_in_dim3A_345 {strides = array<i32>} : memref<128x20xi32, #tpu.memory_space<vmem>>, vector<128x1xi32>,
    %jit3A_349 = arith.constant -3.000000e+38 : f32
    %broadcast_in_dim3A_350 = vector.broadcast %jit3A_349 : f32 to vector<128x10240xf32>
    %select_n3A_351 = arith.select %eq3A_339, %broadcast_in_dim3A_350, %select_n3A_334 : vector<128x10240xi1>, vector<128x10240xf32>
    %reduce_max3A_352 = arith.constant dense<0xFF800000> : vector<128xf32>
    %reduce_max3A_353 = vector.multi_reduction <maximumf>, %select_n3A_351, %reduce_max3A_352 [1] : vector<128x10240xf32> to vector<128xf32>
    %broadcast_in_dim3A_354 = vector.shape_cast %reduce_max3A_353 : vector<128xf32> to vector<128x1xf32>
    %eq3A_355 = vector.broadcast %broadcast_in_dim3A_354 : vector<128x1xf32> to vector<128x10240xf32>
    %eq3A_356 = arith.cmpf oeq, %select_n3A_351, %eq3A_355 : vector<128x10240xf32>
    %jit3A_357 = arith.constant 10240 : i32
    %broadcast_in_dim3A_358 = vector.broadcast %jit3A_357 : i32 to vector<128x10240xi32>
    %select_n3A_359 = arith.select %eq3A_356, %iota3A, %broadcast_in_dim3A_358 : vector<128x10240xi1>, vector<128x10240xi32>
    %reduce_min3A_360 = arith.constant dense<2147483647> : vector<128xi32>
    %reduce_min3A_361 = vector.multi_reduction <minsi>, %select_n3A_359, %reduce_min3A_360 [1] : vector<128x10240xi32> to vector<128xi32>
    %broadcast_in_dim3A_362 = vector.shape_cast %reduce_min3A_361 : vector<128xi32> to vector<128x1xi32>
    %swap3A_363 = arith.constant 0 : index
    %swap3A_364 = arith.constant 19 : index
    %swap3A_365 = vector.load %arg5[%swap3A_363, %swap3A_364] : memref<128x20xi32, #tpu.memory_space<vmem>>, vector<128x1xi32>
    tpu.vector_store %arg5[%swap3A_363, %swap3A_364], %broadcast_in_dim3A_362 {strides = array<i32>} : memref<128x20xi32, #tpu.memory_space<vmem>>, vector<128x1xi32>,
    return
  }
  func.func @transform_0(%arg0: i32) -> (i32, i32) {
    %c0_i32 = arith.constant 0 : i32
    %c0_i32_0 = arith.constant 0 : i32
    return %c0_i32, %arg0 : i32, i32
  }
  func.func @transform_1(%arg0: i32) -> (i32, i32) {
    %c0_i32 = arith.constant 0 : i32
    %c0_i32_0 = arith.constant 0 : i32
    %c0_i32_1 = arith.constant 0 : i32
    return %c0_i32, %c0_i32_0 : i32, i32
  }
  func.func @transform_2(%arg0: i32) -> (i32, i32) {
    %c0_i32 = arith.constant 0 : i32
    %c0_i32_0 = arith.constant 0 : i32
    %c0_i32_1 = arith.constant 0 : i32
    return %c0_i32, %c0_i32_0 : i32, i32
  }
  func.func @transform_3(%arg0: i32) -> (i32, i32) {
    %c0_i32 = arith.constant 0 : i32
    %c0_i32_0 = arith.constant 0 : i32
    %c0_i32_1 = arith.constant 0 : i32
    return %c0_i32, %c0_i32_0 : i32, i32
  }
  func.func @transform_4(%arg0: i32) -> (i32, i32) {
    %c0_i32 = arith.constant 0 : i32
    %c0_i32_0 = arith.constant 0 : i32
    return %arg0, %c0_i32 : i32, i32
  }
  func.func @transform_5(%arg0: i32) -> (i32, i32) {
    %c0_i32 = arith.constant 0 : i32
    %c0_i32_0 = arith.constant 0 : i32
    return %arg0, %c0_i32 : i32, i32
  }
  func.func @transform_6(%arg0: i32) -> (i32, i32) {
    %c0_i32 = arith.constant 0 : i32
    %c0_i32_0 = arith.constant 0 : i32
    return %arg0, %c0_i32 : i32, i32
  }
}

module attributes {stable_mosaic.version = 14 : i64} {
  func.func @_k34_body(%arg0: i32, %arg1: i32, %arg2: memref<128x128xf32, #tpu.memory_space<vmem>>, %arg3: memref<128x128xf32, #tpu.memory_space<vmem>>, %arg4: memref<128x128xf32, #tpu.memory_space<vmem>>, %arg5: memref<128x128xf32, #tpu.memory_space<vmem>>, %arg6: memref<8x128xf32, #tpu.memory_space<vmem>>, %arg7: memref<128x128xf32, #tpu.memory_space<vmem>>, %arg8: memref<8x128xf32, #tpu.memory_space<vmem>>) attributes {dimension_semantics = [#tpu.dimension_semantics<arbitrary>, #tpu.dimension_semantics<arbitrary>], iteration_bounds = array<i64: 2, 80>, scalar_prefetch = 0 : i64, scratch_operands = 1 : i64, tpu.core_type = #tpu.core_type<tc>, window_params = [{transform_indices = @transform_0, window_bounds = array<i64: 128, 128>}, {transform_indices = @transform_1, window_bounds = array<i64: 128, 128>}, {transform_indices = @transform_2, window_bounds = array<i64: 128, 128>}, {transform_indices = @transform_3, window_bounds = array<i64: 128, 128>}, {pipeline_mode = #tpu.pipeline_mode<synchronous>, transform_indices = @transform_4, window_bounds = array<i64: 8, 128>}, {transform_indices = @transform_5, window_bounds = array<i64: 128, 128>}]} {
    %eq3A = arith.constant 0 : i32
    %eq3A_0 = arith.cmpi eq, %arg0, %eq3A : i32
    %eq3A_1 = arith.constant 0 : i32
    %eq3A_2 = arith.cmpi eq, %arg1, %eq3A_1 : i32
    %and3A = arith.andi %eq3A_0, %eq3A_2 : i1
    %convert_element_type3A = arith.extui %and3A : i1 to i32
    %cond3A = arith.constant 0 : i32
    %cond3A_3 = arith.cmpi ne, %convert_element_type3A, %cond3A : i32
    scf.if %cond3A_3 {
      %broadcast_in_dim3A = arith.constant 0.000000e+00 : f32
      %broadcast_in_dim3A_14 = vector.broadcast %broadcast_in_dim3A : f32 to vector<8x128xf32>
      %swap3A = arith.constant 0 : index
      %swap3A_15 = arith.constant 0 : index
      %swap3A_16 = vector.load %arg8[%swap3A, %swap3A_15] : memref<8x128xf32, #tpu.memory_space<vmem>>, vector<8x128xf32>
      tpu.vector_store %arg8[%swap3A, %swap3A_15], %broadcast_in_dim3A_14 {strides = array<i32>} : memref<8x128xf32, #tpu.memory_space<vmem>>, vector<8x128xf32>,
    } else {
    }
    %eq3A_4 = arith.constant 0 : i32
    %eq3A_5 = arith.cmpi eq, %arg0, %eq3A_4 : i32
    %convert_element_type3A_6 = arith.extui %eq3A_5 : i1 to i32
    %cond3A_7 = arith.constant 0 : i32
    %cond3A_8 = arith.cmpi ne, %convert_element_type3A_6, %cond3A_7 : i32
    scf.if %cond3A_8 {
      %iota3A = tpu.iota {dimensions = array<i32: 0>} : vector<128x1xi32>
      %mul3A = arith.constant 128 : i32
      %mul3A_14 = arith.muli %arg1, %mul3A : i32
      %add3A = vector.broadcast %mul3A_14 : i32 to vector<128x1xi32>
      %add3A_15 = arith.addi %add3A, %iota3A : vector<128x1xi32>
      %lt3A = arith.constant 10000 : i32
      %lt3A_16 = vector.broadcast %lt3A : i32 to vector<128x1xi32>
      %lt3A_17 = arith.cmpi slt, %add3A_15, %lt3A_16 : vector<128x1xi32>
      %get3A = arith.constant 0 : index
      %get3A_18 = arith.constant 0 : index
      %get3A_19 = vector.load %arg2[%get3A, %get3A_18] : memref<128x128xf32, #tpu.memory_space<vmem>>, vector<128x128xf32>
      %jit3A = arith.constant 0.000000e+00 : f32
      %broadcast_in_dim3A = vector.shape_cast %lt3A_17 : vector<128x1xi1> to vector<128x1xi1>
      %broadcast_in_dim3A_20 = vector.broadcast %broadcast_in_dim3A : vector<128x1xi1> to vector<128x128xi1>
      %broadcast_in_dim3A_21 = vector.broadcast %jit3A : f32 to vector<128x128xf32>
      %select_n3A = arith.select %broadcast_in_dim3A_20, %get3A_19, %broadcast_in_dim3A_21 : vector<128x128xi1>, vector<128x128xf32>
      %get3A_22 = arith.constant 0 : index
      %get3A_23 = arith.constant 0 : index
      %get3A_24 = vector.load %arg3[%get3A_22, %get3A_23] : memref<128x128xf32, #tpu.memory_space<vmem>>, vector<128x128xf32>
      %jit3A_25 = arith.constant 0.000000e+00 : f32
      %broadcast_in_dim3A_26 = vector.shape_cast %lt3A_17 : vector<128x1xi1> to vector<128x1xi1>
      %broadcast_in_dim3A_27 = vector.broadcast %broadcast_in_dim3A_26 : vector<128x1xi1> to vector<128x128xi1>
      %broadcast_in_dim3A_28 = vector.broadcast %jit3A_25 : f32 to vector<128x128xf32>
      %select_n3A_29 = arith.select %broadcast_in_dim3A_27, %get3A_24, %broadcast_in_dim3A_28 : vector<128x128xi1>, vector<128x128xf32>
      %get3A_30 = arith.constant 0 : index
      %get3A_31 = arith.constant 0 : index
      %get3A_32 = vector.load %arg4[%get3A_30, %get3A_31] : memref<128x128xf32, #tpu.memory_space<vmem>>, vector<128x128xf32>
      %jit3A_33 = arith.constant 0.000000e+00 : f32
      %broadcast_in_dim3A_34 = vector.shape_cast %lt3A_17 : vector<128x1xi1> to vector<128x1xi1>
      %broadcast_in_dim3A_35 = vector.broadcast %broadcast_in_dim3A_34 : vector<128x1xi1> to vector<128x128xi1>
      %broadcast_in_dim3A_36 = vector.broadcast %jit3A_33 : f32 to vector<128x128xf32>
      %select_n3A_37 = arith.select %broadcast_in_dim3A_35, %get3A_32, %broadcast_in_dim3A_36 : vector<128x128xi1>, vector<128x128xf32>
      %get3A_38 = arith.constant 0 : index
      %get3A_39 = arith.constant 0 : index
      %get3A_40 = vector.load %arg8[%get3A_38, %get3A_39] : memref<8x128xf32, #tpu.memory_space<vmem>>, vector<1x128xf32>
      %mul3A_41 = arith.constant 2.000000e+01 : f32
      %mul3A_42 = vector.broadcast %mul3A_41 : f32 to vector<128x128xf32>
      %mul3A_43 = arith.mulf %mul3A_42, %select_n3A : vector<128x128xf32>
      %add3A_44 = arith.addf %mul3A_43, %select_n3A_29 : vector<128x128xf32>
      %reduce_sum3A = arith.constant dense<0.000000e+00> : vector<128xf32>
      %reduce_sum3A_45 = vector.multi_reduction <add>, %add3A_44, %reduce_sum3A [0] : vector<128x128xf32> to vector<128xf32>
      %broadcast_in_dim3A_46 = vector.shape_cast %reduce_sum3A_45 : vector<128xf32> to vector<1x128xf32>
      %add3A_47 = arith.addf %get3A_40, %broadcast_in_dim3A_46 : vector<1x128xf32>
      %swap3A = arith.constant 0 : index
      %swap3A_48 = arith.constant 0 : index
      %swap3A_49 = vector.load %arg8[%swap3A, %swap3A_48] : memref<8x128xf32, #tpu.memory_space<vmem>>, vector<1x128xf32>
      tpu.vector_store %arg8[%swap3A, %swap3A_48], %add3A_47 {strides = array<i32>} : memref<8x128xf32, #tpu.memory_space<vmem>>, vector<1x128xf32>,
      %get3A_50 = arith.constant 1 : index
      %get3A_51 = arith.constant 0 : index
      %get3A_52 = vector.load %arg8[%get3A_50, %get3A_51] : memref<8x128xf32, #tpu.memory_space<vmem>>, vector<1x128xf32>
      %mul3A_53 = arith.constant 2.000000e+01 : f32
      %mul3A_54 = vector.broadcast %mul3A_53 : f32 to vector<128x128xf32>
      %mul3A_55 = arith.mulf %mul3A_54, %select_n3A : vector<128x128xf32>
      %mul3A_56 = arith.mulf %mul3A_55, %select_n3A : vector<128x128xf32>
      %mul3A_57 = arith.constant 2.000000e+00 : f32
      %mul3A_58 = vector.broadcast %mul3A_57 : f32 to vector<128x128xf32>
      %mul3A_59 = arith.mulf %mul3A_58, %select_n3A : vector<128x128xf32>
      %mul3A_60 = arith.mulf %mul3A_59, %select_n3A_29 : vector<128x128xf32>
      %add3A_61 = arith.addf %mul3A_56, %mul3A_60 : vector<128x128xf32>
      %add3A_62 = arith.addf %add3A_61, %select_n3A_37 : vector<128x128xf32>
      %reduce_sum3A_63 = arith.constant dense<0.000000e+00> : vector<128xf32>
      %reduce_sum3A_64 = vector.multi_reduction <add>, %add3A_62, %reduce_sum3A_63 [0] : vector<128x128xf32> to vector<128xf32>
      %broadcast_in_dim3A_65 = vector.shape_cast %reduce_sum3A_64 : vector<128xf32> to vector<1x128xf32>
      %add3A_66 = arith.addf %get3A_52, %broadcast_in_dim3A_65 : vector<1x128xf32>
      %swap3A_67 = arith.constant 1 : index
      %swap3A_68 = arith.constant 0 : index
      %swap3A_69 = vector.load %arg8[%swap3A_67, %swap3A_68] : memref<8x128xf32, #tpu.memory_space<vmem>>, vector<1x128xf32>
      tpu.vector_store %arg8[%swap3A_67, %swap3A_68], %add3A_66 {strides = array<i32>} : memref<8x128xf32, #tpu.memory_space<vmem>>, vector<1x128xf32>,
    } else {
    }
    %eq3A_9 = arith.constant 1 : i32
    %eq3A_10 = arith.cmpi eq, %arg0, %eq3A_9 : i32
    %convert_element_type3A_11 = arith.extui %eq3A_10 : i1 to i32
    %cond3A_12 = arith.constant 0 : i32
    %cond3A_13 = arith.cmpi ne, %convert_element_type3A_11, %cond3A_12 : i32
    scf.if %cond3A_13 {
      %get3A = arith.constant 0 : index
      %get3A_14 = arith.constant 0 : index
      %get3A_15 = vector.load %arg8[%get3A, %get3A_14] : memref<8x128xf32, #tpu.memory_space<vmem>>, vector<1x128xf32>
      %div3A = arith.constant 2.000000e+05 : f32
      %div3A_16 = vector.broadcast %div3A : f32 to vector<1x128xf32>
      %div3A_17 = arith.divf %get3A_15, %div3A_16 : vector<1x128xf32>
      %get3A_18 = arith.constant 1 : index
      %get3A_19 = arith.constant 0 : index
      %get3A_20 = vector.load %arg8[%get3A_18, %get3A_19] : memref<8x128xf32, #tpu.memory_space<vmem>>, vector<1x128xf32>
      %div3A_21 = arith.constant 2.000000e+05 : f32
      %div3A_22 = vector.broadcast %div3A_21 : f32 to vector<1x128xf32>
      %div3A_23 = arith.divf %get3A_20, %div3A_22 : vector<1x128xf32>
      %mul3A = arith.mulf %div3A_17, %div3A_17 : vector<1x128xf32>
      %sub3A = arith.subf %div3A_23, %mul3A : vector<1x128xf32>
      %get3A_24 = arith.constant 0 : index
      %get3A_25 = arith.constant 0 : index
      %get3A_26 = vector.load %arg6[%get3A_24, %get3A_25] : memref<8x128xf32, #tpu.memory_space<vmem>>, vector<1x128xf32>
      %add3A = arith.constant 9.99999974E-6 : f32
      %add3A_27 = vector.broadcast %add3A : f32 to vector<1x128xf32>
      %add3A_28 = arith.addf %sub3A, %add3A_27 : vector<1x128xf32>
      %rsqrt3A = math.rsqrt %add3A_28 : vector<1x128xf32>
      %mul3A_29 = arith.mulf %get3A_26, %rsqrt3A : vector<1x128xf32>
      %get3A_30 = arith.constant 1 : index
      %get3A_31 = arith.constant 0 : index
      %get3A_32 = vector.load %arg6[%get3A_30, %get3A_31] : memref<8x128xf32, #tpu.memory_space<vmem>>, vector<1x128xf32>
      %mul3A_33 = arith.mulf %div3A_17, %mul3A_29 : vector<1x128xf32>
      %sub3A_34 = arith.subf %get3A_32, %mul3A_33 : vector<1x128xf32>
      %get3A_35 = arith.constant 0 : index
      %get3A_36 = arith.constant 0 : index
      %get3A_37 = vector.load %arg2[%get3A_35, %get3A_36] : memref<128x128xf32, #tpu.memory_space<vmem>>, vector<128x128xf32>
      %get3A_38 = arith.constant 0 : index
      %get3A_39 = arith.constant 0 : index
      %get3A_40 = vector.load %arg5[%get3A_38, %get3A_39] : memref<128x128xf32, #tpu.memory_space<vmem>>, vector<128x128xf32>
      %add3A_41 = arith.addf %get3A_37, %get3A_40 : vector<128x128xf32>
      %mul3A_42 = vector.broadcast %mul3A_29 : vector<1x128xf32> to vector<128x128xf32>
      %mul3A_43 = arith.mulf %add3A_41, %mul3A_42 : vector<128x128xf32>
      %add3A_44 = vector.broadcast %sub3A_34 : vector<1x128xf32> to vector<128x128xf32>
      %add3A_45 = arith.addf %mul3A_43, %add3A_44 : vector<128x128xf32>
      %gt3A = arith.constant 0.000000e+00 : f32
      %gt3A_46 = vector.broadcast %gt3A : f32 to vector<128x128xf32>
      %gt3A_47 = arith.cmpf ogt, %add3A_45, %gt3A_46 : vector<128x128xf32>
      %mul3A_48 = arith.constant 2.000000e-01 : f32
      %mul3A_49 = vector.broadcast %mul3A_48 : f32 to vector<128x128xf32>
      %mul3A_50 = arith.mulf %mul3A_49, %add3A_45 : vector<128x128xf32>
      %select_n3A = arith.select %gt3A_47, %add3A_45, %mul3A_50 : vector<128x128xi1>, vector<128x128xf32>
      %transpose3A = tpu.transpose %select_n3A, [1, 0] : vector<128x128xf32> -> vector<128x128xf32>
      %swap3A = arith.constant 0 : index
      %swap3A_51 = arith.constant 0 : index
      %swap3A_52 = vector.load %arg7[%swap3A, %swap3A_51] : memref<128x128xf32, #tpu.memory_space<vmem>>, vector<128x128xf32>
      tpu.vector_store %arg7[%swap3A, %swap3A_51], %transpose3A {strides = array<i32>} : memref<128x128xf32, #tpu.memory_space<vmem>>, vector<128x128xf32>,
    } else {
    }
    return
  }
  func.func @transform_0(%arg0: i32, %arg1: i32) -> (i32, i32) {
    %c0_i32 = arith.constant 0 : i32
    %c0_i32_0 = arith.constant 0 : i32
    return %arg1, %c0_i32 : i32, i32
  }
  func.func @transform_1(%arg0: i32, %arg1: i32) -> (i32, i32) {
    %c0_i32 = arith.constant 0 : i32
    %c0_i32_0 = arith.constant 0 : i32
    return %arg1, %c0_i32 : i32, i32
  }
  func.func @transform_2(%arg0: i32, %arg1: i32) -> (i32, i32) {
    %c0_i32 = arith.constant 0 : i32
    %c0_i32_0 = arith.constant 0 : i32
    return %arg1, %c0_i32 : i32, i32
  }
  func.func @transform_3(%arg0: i32, %arg1: i32) -> (i32, i32) {
    %c0_i32 = arith.constant 0 : i32
    %c0_i32_0 = arith.constant 0 : i32
    return %arg1, %c0_i32 : i32, i32
  }
  func.func @transform_4(%arg0: i32, %arg1: i32) -> (i32, i32) {
    %c0_i32 = arith.constant 0 : i32
    %c0_i32_0 = arith.constant 0 : i32
    %c0_i32_1 = arith.constant 0 : i32
    return %c0_i32, %c0_i32_0 : i32, i32
  }
  func.func @transform_5(%arg0: i32, %arg1: i32) -> (i32, i32) {
    %c0_i32 = arith.constant 0 : i32
    %c0_i32_0 = arith.constant 0 : i32
    return %c0_i32, %arg1 : i32, i32
  }
}

</mosaic_0001>

<sc_bundles>
// kernel: kernel.5.cloned.1.call-start
scs
__scs_entry_jumppad:
0x0: {  	(pc) =	sbr.rel $0x88, $3  }
0x1: {  	(tag) =	ssettag $0x0;
	lr =	simm.s32 $0x1  }
0x2: {  	[smem:$0x3F9D] =	sst lr;
	_ =	strace $0xD0000000  }
0x3: {  	_ = 	snop  }
0x4: {  	_ = 	snop  }
0x5: {  	_ = 	snop  }
0x6: {  	_ = 	snop  }
0x7: {  	_ = 	snop  }
__scs_overlays_trampoline_lowered:
0x8: {  	[smem:$0x3FAC] =	sst s0  }
0x9: {  	[smem:$0x3FAD] =	sst s1  }
0xa: {  	[smem:$0x3FAE] =	sst s2  }
0xb: {  	[smem:$0x3FAF] =	sst s3  }
0xc: {  	[smem:$0x3FB0] =	sst s4  }
0xd: {  	[smem:$0x3FB1] =	sst s5  }
0xe: {  	[smem:$0x3FB2] =	sst s6  }
0xf: {  	[smem:$0x3FB3] =	sst s7  }
0x10: {  	[smem:$0x3FB4] =	sst s8  }
0x11: {  	[smem:$0x3FB5] =	sst s9;
	s0 =	simm.s32 @!p0 $0x0  }
0x12: {  	s1 =	sld [smem:$0x3F9B];
	s0 =	simm.s32 @p0 $0x1  }
0x13: {  	[smem:$0x3FB6] =	sst s0;
	s0 =	simm.s32 @!p1 $0x0  }
0x14: {  	s2 =	sld [smem:$0x3F9A];
	s0 =	simm.s32 @p1 $0x1  }
0x15: {  	[smem:$0x3FB7] =	sst s0;
	s0 =	simm.s32 @!p2 $0x0  }
0x16: {  	s3 =	sld [smem:$0x3FDB];
	s0 =	simm.s32 @p2 $0x1  }
0x17: {  	s4 =	simm.s32 $0x1BF5;
	[smem:$0x3FB9] =	sst s0  }
0x18: {  	s0 =	sld [smem:$0x3F9C];
	_ =	swait.ge [sflag:s4], $0x0  }
0x19: {  	s7 =	sld [smem:$0x3F9D]  }
0x1a: {  	s8 =	sadd.s32 $0xFFFFE003, lr  }
0x1b: {  	s9 =	sadd.s32 $0xFFFFFEF7, lr;
	s5 =	simm.s32 $0xFFFFFFFF;
	p2 =	slt.u32 s8, $0xFFFFF086  }
0x1c: {  	p1 =	slt.u32 s9, $0xF7A;
	s5 =	simm.s32 @!p2 $0x0  }
0x1d: {  	s5 =	simm.s32 @p1 $0x1;
	p0 =	seq.s32 s7, s2  }
0x1e: {  	s7 =	smul.u32 @!p0 $0xF7A, s2;
	p2 =	seq.s32 @!p0 s5, $0x0  }
0x1f: {  	s9 =	smul.u32 $0xF7A, s1;
	s8 =	simm.s32 @!p0 $0x1BF5;
	p2 =	por !p2, p0  }
0x20: {  	[sflag:s8] =	ssyncset.s32 @!p0 $0xFFFFF086;
	s6 =	sadd.s32 @!p0 s3, s7;
	s7 =	simm.s32 @!p0 $0x108  }
0x21: {  	s3 =	sadd.s32 s3, s9;
	s6 =	sadd.s32 @!p0 $0x88, s6;
	s7 =	simm.s32 @p2 $0x1082  }
0x22: {  	[simem:s7], [sflag:s8] =	dma.local @!p0 [hbm:s6], $0xF7A  }
0x23: {  	s9 =	sor.u32 $0xD0000000, s2;
	s6 =	simm.s32 $0x108;
	_ =	swait.ge @!p0 [sflag:s8], $0x0  }
0x24: {  	s3 =	sadd.s32 $0x88, s3;
	s6 =	simm.s32 @!p1 $0x1082;
	[sflag:s4] =	ssyncset.s32 $0xFFFFF086  }
0x25: {  	[simem:s6], [sflag:s4] =	dma.local [hbm:s3], $0xF7A  }
0x26: {  	[smem:$0x3F9D] =	sst s1;
	(tag) =	ssettag s2;
	_ =	strace s9  }
0x27: {  	s1 =	sld [smem:$0x3FAD]  }
0x28: {  	s2 =	sld [smem:$0x3FAE]  }
0x29: {  	s4 =	sld [smem:$0x3FB0]  }
0x2a: {  	p0 =	seq.s32 s5, $0x0;
	s5 =	sld [smem:$0x3FB1]  }
0x2b: {  	s6 =	sld [smem:$0x3FB2]  }
0x2c: {  	s7 =	sld [smem:$0x3FB3]  }
0x2d: {  	s3 =	simm.s32 $0x108;
	s8 =	sld [smem:$0x3FB4]  }
0x2e: {  	s3 =	simm.s32 @!p0 $0x1082;
	s9 =	sld [smem:$0x3FB5]  }
0x2f: {  	lr =	sadd.s32 s0, s3;
	s0 =	sld [smem:$0x3FAC]  }
0x30: {  	s3 =	sld [smem:$0x3FAF]  }
0x31: {  	[smem:$0x3FB8] =	sst s10  }
0x32: {  	s10 =	sld [smem:$0x3FB6];
	_ =	sdelay $0x3  }
0x33: {  	p0 =	seq.s32 s10, $0x1;
	s10 =	sld [smem:$0x3FB8];
	_ =	sdelay $0x3  }
0x34: {  	[smem:$0x3FB8] =	sst s10  }
0x35: {  	s10 =	sld [smem:$0x3FB7];
	_ =	sdelay $0x3  }
0x36: {  	p1 =	seq.s32 s10, $0x1;
	s10 =	sld [smem:$0x3FB8];
	_ =	sdelay $0x3  }
0x37: {  	[smem:$0x3FB8] =	sst s10  }
0x38: {  	s10 =	sld [smem:$0x3FB9]  }
0x39: {  	_ = 	snop;
	(pc) =	sbr.ind lr, $3  }
0x3a: {  	_ = 	snop  }
0x3b: {  	_ = 	snop  }
0x3c: {  	p2 =	seq.s32 s10, $0x1;
	s10 =	sld [smem:$0x3FB8]  }
0x3d: {  	_ =	shalt  }
0x3e: {  	_ =	shalt  }
0x3f: {  	_ =	shalt  }
0x40: {  	_ =	shalt  }
0x41: {  	_ =	shalt  }
0x42: {  	_ =	shalt  }
0x43: {  	_ =	shalt  }
0x44: {  	_ =	shalt  }
0x45: {  	_ =	shalt  }
0x46: {  	_ =	shalt  }
0x47: {  	_ =	shalt  }
0x48: {  	_ =	shalt  }
0x49: {  	_ =	shalt  }
0x4a: {  	_ =	shalt  }
0x4b: {  	_ =	shalt  }
0x4c: {  	_ =	shalt  }
0x4d: {  	_ =	shalt  }
0x4e: {  	_ =	shalt  }
0x4f: {  	_ =	shalt  }
0x50: {  	_ =	shalt  }
0x51: {  	_ =	shalt  }
0x52: {  	_ =	shalt  }
0x53: {  	_ =	shalt  }
0x54: {  	_ =	shalt  }
0x55: {  	_ =	shalt  }
0x56: {  	_ =	shalt  }
0x57: {  	_ =	shalt  }
0x58: {  	_ =	shalt  }
0x59: {  	_ =	shalt  }
0x5a: {  	_ =	shalt  }
0x5b: {  	_ =	shalt  }
0x5c: {  	_ =	shalt  }
0x5d: {  	_ =	shalt  }
0x5e: {  	_ =	shalt  }
0x5f: {  	_ =	shalt  }
0x60: {  	_ =	shalt  }
0x61: {  	_ =	shalt  }
0x62: {  	_ =	shalt  }
0x63: {  	_ =	shalt  }
0x64: {  	_ =	shalt  }
0x65: {  	_ =	shalt  }
0x66: {  	_ =	shalt  }
0x67: {  	_ =	shalt  }
0x68: {  	_ =	shalt  }
0x69: {  	_ =	shalt  }
0x6a: {  	_ =	shalt  }
0x6b: {  	_ =	shalt  }
0x6c: {  	_ =	shalt  }
0x6d: {  	_ =	shalt  }
0x6e: {  	_ =	shalt  }
0x6f: {  	_ =	shalt  }
0x70: {  	_ =	shalt  }
0x71: {  	_ =	shalt  }
0x72: {  	_ =	shalt  }
0x73: {  	_ =	shalt  }
0x74: {  	_ =	shalt  }
0x75: {  	_ =	shalt  }
0x76: {  	_ =	shalt  }
0x77: {  	_ =	shalt  }
0x78: {  	_ =	shalt  }
0x79: {  	_ =	shalt  }
0x7a: {  	_ =	shalt  }
0x7b: {  	_ =	shalt  }
0x7c: {  	_ =	shalt  }
0x7d: {  	_ =	shalt  }
0x7e: {  	_ =	shalt  }
0x7f: {  	_ =	shalt  }
0x80: {  	_ =	shalt  }
0x81: {  	_ =	shalt  }
0x82: {  	_ =	shalt  }
0x83: {  	_ =	shalt  }
0x84: {  	_ =	shalt  }
0x85: {  	_ =	shalt  }
0x86: {  	_ =	shalt  }
0x87: {  	_ =	shalt  }
.Lfunc_end0:
.L_simem_size_0:
called_computation_lowered:
.L_overlay_start_0:
0x88: {  	s2 =	sld [smem:$0x3FD9]  }
0x89: {  	s3 =	sld [smem:$0x3FFE];
	_ =	sdelay $0x1  }
0x8a: {  	s1 =	srdreg.scid  }
0x8b: {  	s0 =	sand.u32 $0x1, s1  }
0x8c: {  	s17 =	sshll.u32 s0, $0xA;
	s2 =	sadd.s32 s3, s2  }
0x8d: {  	s2 =	sadd.s32 s2, s17  }
0x8e: {  	[smem:$0x3FC4] =	sst s2  }
0x8f: {  	_ = 	snop  }
0x90: {  	s2 =	sld [smem:$0x3FD0];
	(tm) =	ssettm $0x1  }
0x91: {  	s18 =	sld [smem:$0x3FFB];
	_ =	sdelay $0x3  }
0x92: {  	_ =	strace s18  }
0x93: {  	s3 =	sld [smem:$0x3FFC];
	_ =	sdelay $0x3  }
0x94: {  	_ =	strace s3  }
0x95: {  	s3 =	sld [smem:$0x3FFD];
	_ =	sdelay $0x3  }
0x96: {  	_ =	strace s3  }
0x97: {  	_ =	strace $0x8FFFFFFF  }
0x98: {  	s19 =	sld [smem:$0x3FDB];
	_ =	sdelay $0x1  }
0x99: {  	s4 =	simm.s32 $_scs_section_size  }
0x9a: {  	s5 =	simm.s32 $_size__tile_overlayer_lowered;
	s6 =	simm.s32 $_tile_overlayer_lowered  }
0x9b: {  	s22 =	simm.s32 $0x1BFF;
	s21 =	sshll.u32 s6, $0x1;
	s3 =	sadd.s32 s4, s19  }
0x9c: {  	s7 =	simm.s32 $0x0;
	s20 =	sshll.u32 s5, $0x1;
	s5 =	sadd.s32 s21, s3  }
0x9d: {  	[timem:s7], [sflag:s22] =	dma.local [hbm:s5], s20  }
0x9e: {  	_ =	swait.ge [sflag:s22], s20  }
0x9f: {  	s4 =	ssub.s32 $0x0, s20;
	[sflag:s22] =	ssyncset.done $0x0  }
0xa0: {  	[sflag:s22] =	ssyncadd.s32 s4;
	_ =	sdelay $0x1  }
0xa1: {  	s23 =	simm.s32 $0x1B8B  }
0xa2: {  	_ =	swait.ge [sflag:s23], $0x1  }
0xa3: {  	[sflag:s23] =	ssyncset.done $0x0  }
0xa4: {  	s25 =	simm.s32 $0x1B8E;
	s24 =	sld [smem:$0x3FFE];
	[sflag:s23] =	ssyncadd.s32 $0xFFFFFFFF  }
0xa5: {  	s26 =	simm.s32 $execute0_lowered;
	[smem:$0x3FD2] =	sst s25  }
0xa6: {  	s5 =	sshll.u32 s26, $0x1;
	_ =	strace $0x80000046;
	[dreg:$0x1] =	wrdreg $0xFFFFFFFF  }
0xa7: {  	s28 =	simm.s32 $_size_execute0_lowered;
	s3 =	sadd.s32 s3, s5;
	[dreg:$0x0] =	wrdreg $0x0  }
0xa8: {  	s5 =	sshll.u32 s28, $0x1;
	[dreg:$0x2] =	wrdreg s3  }
0xa9: {  	[dreg:$0x3] =	wrdreg s5  }
0xaa: {  	[dreg:$0x4] =	wrdreg $0xC0  }
0xab: {  	_ =	task [dreg:s7], $0x5FFFF  }
0xac: {  	[dreg:$0x1] =	wrdreg $0xFFFFFFFF  }
0xad: {  	[dreg:$0x0] =	wrdreg $0x60  }
0xae: {  	[dreg:$0x2] =	wrdreg s2  }
0xaf: {  	[dreg:$0x3] =	wrdreg s24  }
0xb0: {  	[dreg:$0x4] =	wrdreg $0x9  }
0xb1: {  	_ =	task.clear_ibuf [dreg:s7], $0x5FFFF;
	_ =	strace $0x90000046  }
0xb2: {  	s29 =	simm.s32 $0x9;
	_ =	strace $0x80000048  }
0xb3: {  	_ =	swait.ge [sflag:s29], $0x1  }
0xb4: {  	[sflag:s29] =	ssyncadd.s32 $0xFFFFFFFF  }
0xb5: {  	_ =	strace $0x90000048  }
0xb6: {  	_ =	sfence  }
0xb7: {  	s30 =	sld [smem:$0x0];
	_ =	sdelay $0x2  }
0xb8: {  	s31 =	sshll.u32 s1, $0xD;
	s1 =	sshrl.u32 s1, $0x2  }
0xb9: {  	s3 =	sand.u32 $0x4000, s31;
	s1 =	sadd.s32 s1, s30  }
0xba: {  	s0 =	sor.u32 s3, s0;
	s1 =	sshll.u32 s1, $0x11  }
0xbb: {  	s0 =	sor.u32 s1, s0  }
0xbc: {  	s0 =	sadd.s32 $0x8F2B, s0  }
0xbd: {  	[sflag:s0] =	ssyncadd.remote.s32 $0x1  }
0xbe: {  	_ =	sfence.sel $0xFFFF  }
0xbf: {  	[dreg:$0x0] =	wrdreg $0xFFFFFFFF;
	(pc) =	sbr.abs _section_cstart, $3  }
0xc0: {  	[dreg:$0x1] =	wrdreg $0xFFFFFFFF  }
0xc1: {  	_ =	task.clear_ibuf [dreg:s7], $0x2FFFF;
	_ =	strace $0x9FFFFFFF  }
0xc2: {  	(tm) =	ssettm $0x7FFFFFFF  }
0xc3: {  	_ =	shalt  }
tec
execute0_lowered:
.L_overlay_start_1:
0x0: {  	(tag) =	ssettag $0x1  }
0x1: {  	s1 =	rddreg [dreg:$0x0]  }
0x2: {  	s7 =	rddreg [dreg:$0x1]  }
0x3: {  	s0 =	rddreg [dreg:$0x2];
	s2 =	simm.s32 $0x0;
	s3 =	srdreg.scid  }
0x4: {  	s12 =	simm.s32 $0x280;
	s13 =	simm.s32 $0x4280;
	s14 =	simm.s32 $0x100  }
0x5: {  	s15 =	simm.s32 $0x8280;
	s16 =	simm.s32 $0x180;
	s17 =	simm.s32 $0xC280  }
0x6: {  	s18 =	simm.s32 $0x200;
	s19 =	simm.s32 $0x10280;
	s20 =	simm.s32 $0x1  }
0x7: {  	s21 =	simm.s32 $0x14280;
	s22 =	simm.s32 $0x15280;
	s23 =	simm.s32 $0x16280  }
0x8: {  	s24 =	simm.s32 $0x0;
	[smem:$0x7FF] =	sst s2;
	s8 =	sand.u32 $0x1, s3  }
0x9: {  	s4 =	sadd.s32 $0x1800, s7;
	s3 =	stileid.u32;
	s5 =	sadd.s32 $0x79800, s7  }
0xa: {  	s6 =	sadd.s32 $0x29800, s7;
	s7 =	sadd.s32 $0x51800, s7;
	s9 =	ssub.s32 $0x2, s8  }
0xb: {  	_ =	strace $0x80000047;
	s11 =	sshll.u32 s3, $0x1;
	s10 =	sshrl.u32 s9, $0x1  }
0xc: {  	s8 =	sor.u32 s8, s11;
	s11 =	simm.s32 $0x80;
	s9 =	ssub.s32 s9, s10  }
0xd: {  	s8 =	smul.u32 $0x140, s8;
	s10 =	simm.s32 $0x2;
	s9 =	smax.u32 s9, $0x1  }
.LBB2_1:
0xe: {  	s25 =	simm.s32 $0x0  }
.LBB2_2:
0xf: {  	s26 =	sshll.u32 s25, $0x5  }
0x10: {  	s26 =	sadd.s32 s8, s26  }
0x11: {  	s28 =	smul.u32 $0x14, s26;
	_ =	sdelay $0x1  }
0x12: {  	s28 =	sshrl.u32 s28, $0x3  }
0x13: {  	s29 =	sadd.s32 s1, s28;
	s28 =	simm.s32 $0x0  }
0x14: {  	[tilespmem:s28], [sflag:$0x2] =	stream.linear.gather [hbm4b:s29+s28], $0x280, $0x38;
	[tilespmem:$0x17280] =	vst v63  }
0x15: {  	_ =	swait.ge [sflag:s10], $0x280  }
0x16: {  	[sflag:s10] =	ssyncset.done $0x0  }
0x17: {  	[sflag:s10] =	ssyncadd.s32 $0xFFFFFD80  }
0x18: {  	[tilespmem:s12], [sflag:$0x1] =	stream.indirect.gather [hbm4b:s4+s11], $0x80, s28, s11, $0xb8;
	[tilespmem:$0x17280] =	vst v63  }
0x19: {  	_ = 	snop  }
0x1a: {  	[tilespmem:s13], [sflag:$0x1] =	stream.indirect.gather [hbm4b:s4+s11], $0x80, s11, s11, $0xb8;
	[tilespmem:$0x17280] =	vst v63  }
0x1b: {  	_ = 	snop  }
0x1c: {  	[tilespmem:s15], [sflag:$0x1] =	stream.indirect.gather [hbm4b:s4+s11], $0x80, s14, s11, $0xb8;
	[tilespmem:$0x17280] =	vst v63  }
0x1d: {  	_ = 	snop  }
0x1e: {  	[tilespmem:s17], [sflag:$0x1] =	stream.indirect.gather [hbm4b:s4+s11], $0x80, s16, s11, $0xb8;
	[tilespmem:$0x17280] =	vst v63  }
0x1f: {  	_ = 	snop  }
0x20: {  	[tilespmem:s19], [sflag:$0x1] =	stream.indirect.gather [hbm4b:s4+s11], $0x80, s18, s11, $0xb8;
	[tilespmem:$0x17280] =	vst v63  }
0x21: {  	_ =	swait.ge [sflag:s20], $0x4000  }
0x22: {  	[sflag:s20] =	ssyncset.done $0x0  }
0x23: {  	[sflag:s20] =	ssyncadd.s32 $0xFFFFC000  }
0x24: {  	_ =	swait.ge [sflag:s20], $0x4000  }
0x25: {  	[sflag:s20] =	ssyncset.done $0x0  }
0x26: {  	[sflag:s20] =	ssyncadd.s32 $0xFFFFC000  }
0x27: {  	_ =	swait.ge [sflag:s20], $0x4000  }
0x28: {  	[sflag:s20] =	ssyncset.done $0x0  }
0x29: {  	[sflag:s20] =	ssyncadd.s32 $0xFFFFC000  }
0x2a: {  	_ =	swait.ge [sflag:s20], $0x4000  }
0x2b: {  	[sflag:s20] =	ssyncset.done $0x0  }
0x2c: {  	[sflag:s20] =	ssyncadd.s32 $0xFFFFC000  }
0x2d: {  	_ =	swait.ge [sflag:s20], $0x4000  }
0x2e: {  	[sflag:s20] =	ssyncset.done $0x0  }
0x2f: {  	s29 =	simm.s32 $0x780;
	[sflag:s20] =	ssyncadd.s32 $0xFFFFC000  }
.LBB2_3:
0x30: {  	v0 =	vld [tilespmem:s29+$0xFFFFFB00]  }
0x31: {  	v1 =	vld [tilespmem:s29+$0xFFFFFB80];
	_ =	sdelay $0x1  }
0x32: {  	v2 =	vld [tilespmem:s29+$0xFFFFFC00];
	_ =	sdelay $0x1  }
0x33: {  	v3 =	vld [tilespmem:s29+$0xFFFFFC80]  }
0x34: {  	v4 =	vmul.f32 v0, v0;
	v5 =	vmul.f32 v1, v1  }
0x35: {  	v7 =	vld [tilespmem:s29+$0xFFFFFD00];
	v6 =	vadd.f32 v1, v0  }
0x36: {  	v44 =	vmul.f32 v2, v2;
	v4 =	vadd.f32 v5, v4  }
0x37: {  	v8 =	vld [tilespmem:s29+$0xFFFFFD80];
	v6 =	vadd.f32 v2, v6  }
0x38: {  	v45 =	vmul.f32 v3, v3;
	v4 =	vadd.f32 v44, v4  }
0x39: {  	v9 =	vld [tilespmem:s29+$0xFFFFFE00];
	v6 =	vadd.f32 v3, v6  }
0x3a: {  	v46 =	vmul.f32 v7, v7;
	v4 =	vadd.f32 v45, v4  }
0x3b: {  	v10 =	vld [tilespmem:s29+$0xFFFFFE80];
	v6 =	vadd.f32 v7, v6  }
0x3c: {  	v47 =	vmul.f32 v8, v8;
	v4 =	vadd.f32 v46, v4  }
0x3d: {  	v11 =	vld [tilespmem:s29+$0xFFFFFF00];
	v6 =	vadd.f32 v8, v6  }
0x3e: {  	v48 =	vmul.f32 v9, v9;
	v4 =	vadd.f32 v47, v4  }
0x3f: {  	v12 =	vld [tilespmem:s29+$0xFFFFFF80];
	v6 =	vadd.f32 v9, v6  }
0x40: {  	v49 =	vmul.f32 v10, v10;
	v4 =	vadd.f32 v48, v4  }
0x41: {  	v13 =	vld [tilespmem:s29+$0x0];
	v6 =	vadd.f32 v10, v6  }
0x42: {  	v50 =	vmul.f32 v11, v11;
	v4 =	vadd.f32 v49, v4  }
0x43: {  	v14 =	vld [tilespmem:s29+$0x80];
	v6 =	vadd.f32 v11, v6  }
0x44: {  	v51 =	vmul.f32 v12, v12;
	v4 =	vadd.f32 v50, v4  }
0x45: {  	v15 =	vld [tilespmem:s29+$0x100];
	v6 =	vadd.f32 v12, v6  }
0x46: {  	v52 =	vmul.f32 v13, v13;
	v4 =	vadd.f32 v51, v4  }
0x47: {  	v54 =	vld [tilespmem:s29+$0x180];
	v0 =	vmax.f32 v0, v1;
	v53 =	vadd.f32 v13, v6  }
0x48: {  	v56 =	vmul.f32 v14, v14;
	v0 =	vmax.f32 v0, v2;
	v55 =	vadd.f32 v52, v4  }
0x49: {  	v57 =	vld [tilespmem:s29+$0x200];
	v0 =	vmax.f32 v0, v3;
	v1 =	vadd.f32 v14, v53  }
0x4a: {  	v58 =	vmul.f32 v15, v15;
	v0 =	vmax.f32 v0, v7;
	v2 =	vadd.f32 v56, v55  }
0x4b: {  	v59 =	vld [tilespmem:s29+$0x280];
	v0 =	vmax.f32 v0, v8;
	v1 =	vadd.f32 v15, v1  }
0x4c: {  	v60 =	vmul.f32 v54, v54;
	v0 =	vmax.f32 v0, v9;
	v2 =	vadd.f32 v58, v2  }
0x4d: {  	v61 =	vld [tilespmem:s29+$0x300];
	v0 =	vmax.f32 v0, v10;
	v1 =	vadd.f32 v54, v1  }
0x4e: {  	v62 =	vmul.f32 v57, v57;
	v0 =	vmax.f32 v0, v11;
	v2 =	vadd.f32 v60, v2  }
0x4f: {  	v63 =	vld [tilespmem:s29+$0x380];
	v0 =	vmax.f32 v0, v12;
	v1 =	vadd.f32 v57, v1  }
0x50: {  	v0 =	vmax.f32 v0, v13;
	v12 =	vmul.f32 v59, v59;
	v2 =	vadd.f32 v62, v2  }
0x51: {  	v0 =	vmax.f32 v0, v14;
	v13 =	vld [tilespmem:s29+$0x400];
	v1 =	vadd.f32 v59, v1  }
0x52: {  	v0 =	vmax.f32 v0, v15;
	v14 =	vmul.f32 v61, v61;
	v2 =	vadd.f32 v12, v2  }
0x53: {  	v0 =	vmax.f32 v0, v54;
	v15 =	vld [tilespmem:s29+$0x480];
	v1 =	vadd.f32 v61, v1  }
0x54: {  	v16 =	vmul.f32 v63, v63;
	v0 =	vmax.f32 v0, v57;
	v2 =	vadd.f32 v14, v2  }
0x55: {  	v0 =	vmax.f32 v0, v59;
	v1 =	vadd.f32 v63, v1  }
0x56: {  	v0 =	vmax.f32 v0, v61;
	v17 =	vmul.f32 v13, v13;
	v2 =	vadd.f32 v16, v2  }
0x57: {  	v0 =	vmax.f32 v0, v63;
	v1 =	vadd.f32 v13, v1  }
0x58: {  	v0 =	vmax.f32 v0, v13;
	v18 =	vmul.f32 v15, v15;
	v2 =	vadd.f32 v17, v2  }
0x59: {  	s30 =	sshra.s32 s28, $0x2;
	v0 =	vmax.f32 v0, v15;
	v1 =	vadd.f32 v15, v1  }
0x5a: {  	[tilespmem:s30+$0x14280] =	vst v0;
	v2 =	vadd.f32 v18, v2  }
0x5b: {  	[tilespmem:s30+$0x15280] =	vst v1  }
0x5c: {  	[tilespmem:s30+$0x16280] =	vst v2  }
0x5d: {  	v0 =	vld [tilespmem:s29+$0xFFFFFB10]  }
0x5e: {  	v1 =	vld [tilespmem:s29+$0xFFFFFB90];
	_ =	sdelay $0x1  }
0x5f: {  	v2 =	vld [tilespmem:s29+$0xFFFFFC10];
	_ =	sdelay $0x1  }
0x60: {  	v19 =	vld [tilespmem:s29+$0xFFFFFC90]  }
0x61: {  	v20 =	vmul.f32 v0, v0;
	v21 =	vmul.f32 v1, v1  }
0x62: {  	v23 =	vld [tilespmem:s29+$0xFFFFFD10];
	v22 =	vadd.f32 v1, v0  }
0x63: {  	v24 =	vmul.f32 v2, v2;
	v4 =	vadd.f32 v21, v20  }
0x64: {  	v25 =	vld [tilespmem:s29+$0xFFFFFD90];
	v6 =	vadd.f32 v2, v22  }
0x65: {  	v26 =	vmul.f32 v19, v19;
	v4 =	vadd.f32 v24, v4  }
0x66: {  	v27 =	vld [tilespmem:s29+$0xFFFFFE10];
	v6 =	vadd.f32 v19, v6  }
0x67: {  	v28 =	vmul.f32 v23, v23;
	v4 =	vadd.f32 v26, v4  }
0x68: {  	v29 =	vld [tilespmem:s29+$0xFFFFFE90];
	v6 =	vadd.f32 v23, v6  }
0x69: {  	v30 =	vmul.f32 v25, v25;
	v4 =	vadd.f32 v28, v4  }
0x6a: {  	v31 =	vld [tilespmem:s29+$0xFFFFFF10];
	v6 =	vadd.f32 v25, v6  }
0x6b: {  	v32 =	vmul.f32 v27, v27;
	v4 =	vadd.f32 v30, v4  }
0x6c: {  	v33 =	vld [tilespmem:s29+$0xFFFFFF90];
	v6 =	vadd.f32 v27, v6  }
0x6d: {  	v34 =	vmul.f32 v29, v29;
	v4 =	vadd.f32 v32, v4  }
0x6e: {  	v35 =	vld [tilespmem:s29+$0x10];
	v6 =	vadd.f32 v29, v6  }
0x6f: {  	v36 =	vmul.f32 v31, v31;
	v4 =	vadd.f32 v34, v4  }
0x70: {  	v37 =	vld [tilespmem:s29+$0x90];
	v6 =	vadd.f32 v31, v6  }
0x71: {  	v38 =	vmul.f32 v33, v33;
	v4 =	vadd.f32 v36, v4  }
0x72: {  	v39 =	vld [tilespmem:s29+$0x110];
	v6 =	vadd.f32 v33, v6  }
0x73: {  	v40 =	vmul.f32 v35, v35;
	v4 =	vadd.f32 v38, v4  }
0x74: {  	v42 =	vld [tilespmem:s29+$0x190];
	v0 =	vmax.f32 v0, v1;
	v41 =	vadd.f32 v35, v6  }
0x75: {  	v44 =	vmul.f32 v37, v37;
	v0 =	vmax.f32 v0, v2;
	v43 =	vadd.f32 v40, v4  }
0x76: {  	v45 =	vld [tilespmem:s29+$0x210];
	v0 =	vmax.f32 v0, v19;
	v1 =	vadd.f32 v37, v41  }
0x77: {  	v46 =	vmul.f32 v39, v39;
	v0 =	vmax.f32 v0, v23;
	v2 =	vadd.f32 v44, v43  }
0x78: {  	v47 =	vld [tilespmem:s29+$0x290];
	v0 =	vmax.f32 v0, v25;
	v1 =	vadd.f32 v39, v1  }
0x79: {  	v48 =	vmul.f32 v42, v42;
	v0 =	vmax.f32 v0, v27;
	v2 =	vadd.f32 v46, v2  }
0x7a: {  	v49 =	vld [tilespmem:s29+$0x310];
	v0 =	vmax.f32 v0, v29;
	v1 =	vadd.f32 v42, v1  }
0x7b: {  	v50 =	vmul.f32 v45, v45;
	v0 =	vmax.f32 v0, v31;
	v2 =	vadd.f32 v48, v2  }
0x7c: {  	v51 =	vld [tilespmem:s29+$0x390];
	v0 =	vmax.f32 v0, v33;
	v1 =	vadd.f32 v45, v1  }
0x7d: {  	v52 =	vmul.f32 v47, v47;
	v0 =	vmax.f32 v0, v35;
	v2 =	vadd.f32 v50, v2  }
0x7e: {  	v53 =	vld [tilespmem:s29+$0x410];
	v0 =	vmax.f32 v0, v37;
	v1 =	vadd.f32 v47, v1  }
0x7f: {  	v54 =	vmul.f32 v49, v49;
	v0 =	vmax.f32 v0, v39;
	v2 =	vadd.f32 v52, v2  }
0x80: {  	v55 =	vld [tilespmem:s29+$0x490];
	v0 =	vmax.f32 v0, v42;
	v1 =	vadd.f32 v49, v1  }
0x81: {  	v56 =	vmul.f32 v51, v51;
	v0 =	vmax.f32 v0, v45;
	v2 =	vadd.f32 v54, v2  }
0x82: {  	v0 =	vmax.f32 v0, v47;
	v1 =	vadd.f32 v51, v1  }
0x83: {  	v57 =	vmul.f32 v53, v53;
	v0 =	vmax.f32 v0, v49;
	v2 =	vadd.f32 v56, v2  }
0x84: {  	v0 =	vmax.f32 v0, v51;
	v1 =	vadd.f32 v53, v1  }
0x85: {  	v58 =	vmul.f32 v55, v55;
	v0 =	vmax.f32 v0, v53;
	v2 =	vadd.f32 v57, v2  }
0x86: {  	v0 =	vmax.f32 v0, v55;
	v1 =	vadd.f32 v55, v1  }
0x87: {  	[tilespmem:s30+$0x14290] =	vst v0;
	v2 =	vadd.f32 v58, v2  }
0x88: {  	[tilespmem:s30+$0x15290] =	vst v1  }
0x89: {  	[tilespmem:s30+$0x16290] =	vst v2  }
0x8a: {  	v0 =	vld [tilespmem:s29+$0xFFFFFB20]  }
0x8b: {  	v1 =	vld [tilespmem:s29+$0xFFFFFBA0];
	_ =	sdelay $0x1  }
0x8c: {  	v2 =	vld [tilespmem:s29+$0xFFFFFC20];
	_ =	sdelay $0x1  }
0x8d: {  	v59 =	vld [tilespmem:s29+$0xFFFFFCA0]  }
0x8e: {  	v60 =	vmul.f32 v0, v0;
	v61 =	vmul.f32 v1, v1  }
0x8f: {  	v63 =	vld [tilespmem:s29+$0xFFFFFD20];
	v62 =	vadd.f32 v1, v0  }
0x90: {  	v18 =	vmul.f32 v2, v2;
	v4 =	vadd.f32 v61, v60  }
0x91: {  	v19 =	vld [tilespmem:s29+$0xFFFFFDA0];
	v6 =	vadd.f32 v2, v62  }
0x92: {  	v20 =	vmul.f32 v59, v59;
	v4 =	vadd.f32 v18, v4  }
0x93: {  	v21 =	vld [tilespmem:s29+$0xFFFFFE20];
	v6 =	vadd.f32 v59, v6  }
0x94: {  	v22 =	vmul.f32 v63, v63;
	v4 =	vadd.f32 v20, v4  }
0x95: {  	v23 =	vld [tilespmem:s29+$0xFFFFFEA0];
	v6 =	vadd.f32 v63, v6  }
0x96: {  	v24 =	vmul.f32 v19, v19;
	v4 =	vadd.f32 v22, v4  }
0x97: {  	v25 =	vld [tilespmem:s29+$0xFFFFFF20];
	v6 =	vadd.f32 v19, v6  }
0x98: {  	v26 =	vmul.f32 v21, v21;
	v4 =	vadd.f32 v24, v4  }
0x99: {  	v27 =	vld [tilespmem:s29+$0xFFFFFFA0];
	v6 =	vadd.f32 v21, v6  }
0x9a: {  	v28 =	vmul.f32 v23, v23;
	v4 =	vadd.f32 v26, v4  }
0x9b: {  	v29 =	vld [tilespmem:s29+$0x20];
	v6 =	vadd.f32 v23, v6  }
0x9c: {  	v30 =	vmul.f32 v25, v25;
	v4 =	vadd.f32 v28, v4  }
0x9d: {  	v31 =	vld [tilespmem:s29+$0xA0];
	v6 =	vadd.f32 v25, v6  }
0x9e: {  	v32 =	vmul.f32 v27, v27;
	v4 =	vadd.f32 v30, v4  }
0x9f: {  	v33 =	vld [tilespmem:s29+$0x120];
	v6 =	vadd.f32 v27, v6  }
0xa0: {  	v34 =	vmul.f32 v29, v29;
	v4 =	vadd.f32 v32, v4  }
0xa1: {  	v36 =	vld [tilespmem:s29+$0x1A0];
	v0 =	vmax.f32 v0, v1;
	v35 =	vadd.f32 v29, v6  }
0xa2: {  	v38 =	vmul.f32 v31, v31;
	v0 =	vmax.f32 v0, v2;
	v37 =	vadd.f32 v34, v4  }
0xa3: {  	v39 =	vld [tilespmem:s29+$0x220];
	v0 =	vmax.f32 v0, v59;
	v1 =	vadd.f32 v31, v35  }
0xa4: {  	v40 =	vmul.f32 v33, v33;
	v0 =	vmax.f32 v0, v63;
	v2 =	vadd.f32 v38, v37  }
0xa5: {  	v41 =	vld [tilespmem:s29+$0x2A0];
	v0 =	vmax.f32 v0, v19;
	v1 =	vadd.f32 v33, v1  }
0xa6: {  	v42 =	vmul.f32 v36, v36;
	v0 =	vmax.f32 v0, v21;
	v2 =	vadd.f32 v40, v2  }
0xa7: {  	v43 =	vld [tilespmem:s29+$0x320];
	v0 =	vmax.f32 v0, v23;
	v1 =	vadd.f32 v36, v1  }
0xa8: {  	v44 =	vmul.f32 v39, v39;
	v0 =	vmax.f32 v0, v25;
	v2 =	vadd.f32 v42, v2  }
0xa9: {  	v45 =	vld [tilespmem:s29+$0x3A0];
	v0 =	vmax.f32 v0, v27;
	v1 =	vadd.f32 v39, v1  }
0xaa: {  	v46 =	vmul.f32 v41, v41;
	v0 =	vmax.f32 v0, v29;
	v2 =	vadd.f32 v44, v2  }
0xab: {  	v47 =	vld [tilespmem:s29+$0x420];
	v0 =	vmax.f32 v0, v31;
	v1 =	vadd.f32 v41, v1  }
0xac: {  	v48 =	vmul.f32 v43, v43;
	v0 =	vmax.f32 v0, v33;
	v2 =	vadd.f32 v46, v2  }
0xad: {  	v49 =	vld [tilespmem:s29+$0x4A0];
	v0 =	vmax.f32 v0, v36;
	v1 =	vadd.f32 v43, v1  }
0xae: {  	v50 =	vmul.f32 v45, v45;
	v0 =	vmax.f32 v0, v39;
	v2 =	vadd.f32 v48, v2  }
0xaf: {  	v0 =	vmax.f32 v0, v41;
	v1 =	vadd.f32 v45, v1  }
0xb0: {  	v51 =	vmul.f32 v47, v47;
	v0 =	vmax.f32 v0, v43;
	v2 =	vadd.f32 v50, v2  }
0xb1: {  	v0 =	vmax.f32 v0, v45;
	v1 =	vadd.f32 v47, v1  }
0xb2: {  	v52 =	vmul.f32 v49, v49;
	v0 =	vmax.f32 v0, v47;
	v2 =	vadd.f32 v51, v2  }
0xb3: {  	v0 =	vmax.f32 v0, v49;
	v1 =	vadd.f32 v49, v1  }
0xb4: {  	[tilespmem:s30+$0x142A0] =	vst v0;
	v2 =	vadd.f32 v52, v2  }
0xb5: {  	[tilespmem:s30+$0x152A0] =	vst v1  }
0xb6: {  	[tilespmem:s30+$0x162A0] =	vst v2  }
0xb7: {  	v0 =	vld [tilespmem:s29+$0xFFFFFB30]  }
0xb8: {  	v1 =	vld [tilespmem:s29+$0xFFFFFBB0];
	_ =	sdelay $0x1  }
0xb9: {  	v2 =	vld [tilespmem:s29+$0xFFFFFC30];
	_ =	sdelay $0x1  }
0xba: {  	v53 =	vld [tilespmem:s29+$0xFFFFFCB0]  }
0xbb: {  	v54 =	vmul.f32 v0, v0;
	v55 =	vmul.f32 v1, v1  }
0xbc: {  	v57 =	vld [tilespmem:s29+$0xFFFFFD30];
	v56 =	vadd.f32 v1, v0  }
0xbd: {  	v58 =	vmul.f32 v2, v2;
	v4 =	vadd.f32 v55, v54  }
0xbe: {  	v59 =	vld [tilespmem:s29+$0xFFFFFDB0];
	v6 =	vadd.f32 v2, v56  }
0xbf: {  	v60 =	vmul.f32 v53, v53;
	v4 =	vadd.f32 v58, v4  }
0xc0: {  	v61 =	vld [tilespmem:s29+$0xFFFFFE30];
	v6 =	vadd.f32 v53, v6  }
0xc1: {  	v62 =	vmul.f32 v57, v57;
	v4 =	vadd.f32 v60, v4  }
0xc2: {  	v63 =	vld [tilespmem:s29+$0xFFFFFEB0];
	v6 =	vadd.f32 v57, v6  }
0xc3: {  	v18 =	vmul.f32 v59, v59;
	v4 =	vadd.f32 v62, v4  }
0xc4: {  	v19 =	vld [tilespmem:s29+$0xFFFFFF30];
	v6 =	vadd.f32 v59, v6  }
0xc5: {  	v20 =	vmul.f32 v61, v61;
	v4 =	vadd.f32 v18, v4  }
0xc6: {  	v21 =	vld [tilespmem:s29+$0xFFFFFFB0];
	v6 =	vadd.f32 v61, v6  }
0xc7: {  	v22 =	vmul.f32 v63, v63;
	v4 =	vadd.f32 v20, v4  }
0xc8: {  	v23 =	vld [tilespmem:s29+$0x30];
	v6 =	vadd.f32 v63, v6  }
0xc9: {  	v24 =	vmul.f32 v19, v19;
	v4 =	vadd.f32 v22, v4  }
0xca: {  	v25 =	vld [tilespmem:s29+$0xB0];
	v6 =	vadd.f32 v19, v6  }
0xcb: {  	v26 =	vmul.f32 v21, v21;
	v4 =	vadd.f32 v24, v4  }
0xcc: {  	v27 =	vld [tilespmem:s29+$0x130];
	v6 =	vadd.f32 v21, v6  }
0xcd: {  	v28 =	vmul.f32 v23, v23;
	v4 =	vadd.f32 v26, v4  }
0xce: {  	v30 =	vld [tilespmem:s29+$0x1B0];
	v0 =	vmax.f32 v0, v1;
	v29 =	vadd.f32 v23, v6  }
0xcf: {  	v32 =	vmul.f32 v25, v25;
	v0 =	vmax.f32 v0, v2;
	v31 =	vadd.f32 v28, v4  }
0xd0: {  	v33 =	vld [tilespmem:s29+$0x230];
	v0 =	vmax.f32 v0, v53;
	v1 =	vadd.f32 v25, v29  }
0xd1: {  	v34 =	vmul.f32 v27, v27;
	v0 =	vmax.f32 v0, v57;
	v2 =	vadd.f32 v32, v31  }
0xd2: {  	v35 =	vld [tilespmem:s29+$0x2B0];
	v0 =	vmax.f32 v0, v59;
	v1 =	vadd.f32 v27, v1  }
0xd3: {  	v36 =	vmul.f32 v30, v30;
	v0 =	vmax.f32 v0, v61;
	v2 =	vadd.f32 v34, v2  }
0xd4: {  	v37 =	vld [tilespmem:s29+$0x330];
	v0 =	vmax.f32 v0, v63;
	v1 =	vadd.f32 v30, v1  }
0xd5: {  	v38 =	vmul.f32 v33, v33;
	v0 =	vmax.f32 v0, v19;
	v2 =	vadd.f32 v36, v2  }
0xd6: {  	v39 =	vld [tilespmem:s29+$0x3B0];
	v0 =	vmax.f32 v0, v21;
	v1 =	vadd.f32 v33, v1  }
0xd7: {  	v40 =	vmul.f32 v35, v35;
	v0 =	vmax.f32 v0, v23;
	v2 =	vadd.f32 v38, v2  }
0xd8: {  	v41 =	vld [tilespmem:s29+$0x430];
	v0 =	vmax.f32 v0, v25;
	v1 =	vadd.f32 v35, v1  }
0xd9: {  	v42 =	vmul.f32 v37, v37;
	v0 =	vmax.f32 v0, v27;
	v2 =	vadd.f32 v40, v2  }
0xda: {  	v43 =	vld [tilespmem:s29+$0x4B0];
	v0 =	vmax.f32 v0, v30;
	v1 =	vadd.f32 v37, v1  }
0xdb: {  	v44 =	vmul.f32 v39, v39;
	v0 =	vmax.f32 v0, v33;
	v2 =	vadd.f32 v42, v2  }
0xdc: {  	v0 =	vmax.f32 v0, v35;
	v1 =	vadd.f32 v39, v1  }
0xdd: {  	v45 =	vmul.f32 v41, v41;
	v0 =	vmax.f32 v0, v37;
	v2 =	vadd.f32 v44, v2  }
0xde: {  	v0 =	vmax.f32 v0, v39;
	v1 =	vadd.f32 v41, v1  }
0xdf: {  	v46 =	vmul.f32 v43, v43;
	v0 =	vmax.f32 v0, v41;
	v2 =	vadd.f32 v45, v2  }
0xe0: {  	v0 =	vmax.f32 v0, v43;
	v1 =	vadd.f32 v43, v1  }
0xe1: {  	[tilespmem:s30+$0x142B0] =	vst v0;
	v2 =	vadd.f32 v46, v2  }
0xe2: {  	[tilespmem:s30+$0x152B0] =	vst v1  }
0xe3: {  	[tilespmem:s30+$0x162B0] =	vst v2  }
0xe4: {  	v0 =	vld [tilespmem:s29+$0xFFFFFB40]  }
0xe5: {  	v1 =	vld [tilespmem:s29+$0xFFFFFBC0];
	_ =	sdelay $0x1  }
0xe6: {  	v2 =	vld [tilespmem:s29+$0xFFFFFC40];
	_ =	sdelay $0x1  }
0xe7: {  	v47 =	vld [tilespmem:s29+$0xFFFFFCC0]  }
0xe8: {  	v48 =	vmul.f32 v0, v0;
	v49 =	vmul.f32 v1, v1  }
0xe9: {  	v51 =	vld [tilespmem:s29+$0xFFFFFD40];
	v50 =	vadd.f32 v1, v0  }
0xea: {  	v52 =	vmul.f32 v2, v2;
	v4 =	vadd.f32 v49, v48  }
0xeb: {  	v53 =	vld [tilespmem:s29+$0xFFFFFDC0];
	v6 =	vadd.f32 v2, v50  }
0xec: {  	v54 =	vmul.f32 v47, v47;
	v4 =	vadd.f32 v52, v4  }
0xed: {  	v55 =	vld [tilespmem:s29+$0xFFFFFE40];
	v6 =	vadd.f32 v47, v6  }
0xee: {  	v56 =	vmul.f32 v51, v51;
	v4 =	vadd.f32 v54, v4  }
0xef: {  	v57 =	vld [tilespmem:s29+$0xFFFFFEC0];
	v6 =	vadd.f32 v51, v6  }
0xf0: {  	v58 =	vmul.f32 v53, v53;
	v4 =	vadd.f32 v56, v4  }
0xf1: {  	v59 =	vld [tilespmem:s29+$0xFFFFFF40];
	v6 =	vadd.f32 v53, v6  }
0xf2: {  	v60 =	vmul.f32 v55, v55;
	v4 =	vadd.f32 v58, v4  }
0xf3: {  	v61 =	vld [tilespmem:s29+$0xFFFFFFC0];
	v6 =	vadd.f32 v55, v6  }
0xf4: {  	v62 =	vmul.f32 v57, v57;
	v4 =	vadd.f32 v60, v4  }
0xf5: {  	v63 =	vld [tilespmem:s29+$0x40];
	v6 =	vadd.f32 v57, v6  }
0xf6: {  	v17 =	vmul.f32 v59, v59;
	v4 =	vadd.f32 v62, v4  }
0xf7: {  	v18 =	vld [tilespmem:s29+$0xC0];
	v6 =	vadd.f32 v59, v6  }
0xf8: {  	v19 =	vmul.f32 v61, v61;
	v4 =	vadd.f32 v17, v4  }
0xf9: {  	v20 =	vld [tilespmem:s29+$0x140];
	v6 =	vadd.f32 v61, v6  }
0xfa: {  	v21 =	vmul.f32 v63, v63;
	v4 =	vadd.f32 v19, v4  }
0xfb: {  	v23 =	vld [tilespmem:s29+$0x1C0];
	v0 =	vmax.f32 v0, v1;
	v22 =	vadd.f32 v63, v6  }
0xfc: {  	v25 =	vmul.f32 v18, v18;
	v0 =	vmax.f32 v0, v2;
	v24 =	vadd.f32 v21, v4  }
0xfd: {  	v26 =	vld [tilespmem:s29+$0x240];
	v0 =	vmax.f32 v0, v47;
	v1 =	vadd.f32 v18, v22  }
0xfe: {  	v27 =	vmul.f32 v20, v20;
	v0 =	vmax.f32 v0, v51;
	v2 =	vadd.f32 v25, v24  }
0xff: {  	v28 =	vld [tilespmem:s29+$0x2C0];
	v0 =	vmax.f32 v0, v53;
	v1 =	vadd.f32 v20, v1  }
0x100: {  	v29 =	vmul.f32 v23, v23;
	v0 =	vmax.f32 v0, v55;
	v2 =	vadd.f32 v27, v2  }
0x101: {  	v30 =	vld [tilespmem:s29+$0x340];
	v0 =	vmax.f32 v0, v57;
	v1 =	vadd.f32 v23, v1  }
0x102: {  	v31 =	vmul.f32 v26, v26;
	v0 =	vmax.f32 v0, v59;
	v2 =	vadd.f32 v29, v2  }
0x103: {  	v32 =	vld [tilespmem:s29+$0x3C0];
	v0 =	vmax.f32 v0, v61;
	v1 =	vadd.f32 v26, v1  }
0x104: {  	v33 =	vmul.f32 v28, v28;
	v0 =	vmax.f32 v0, v63;
	v2 =	vadd.f32 v31, v2  }
0x105: {  	v34 =	vld [tilespmem:s29+$0x440];
	v0 =	vmax.f32 v0, v18;
	v1 =	vadd.f32 v28, v1  }
0x106: {  	v35 =	vmul.f32 v30, v30;
	v0 =	vmax.f32 v0, v20;
	v2 =	vadd.f32 v33, v2  }
0x107: {  	v36 =	vld [tilespmem:s29+$0x4C0];
	v0 =	vmax.f32 v0, v23;
	v1 =	vadd.f32 v30, v1  }
0x108: {  	v37 =	vmul.f32 v32, v32;
	v0 =	vmax.f32 v0, v26;
	v2 =	vadd.f32 v35, v2  }
0x109: {  	v0 =	vmax.f32 v0, v28;
	v1 =	vadd.f32 v32, v1  }
0x10a: {  	v38 =	vmul.f32 v34, v34;
	v0 =	vmax.f32 v0, v30;
	v2 =	vadd.f32 v37, v2  }
0x10b: {  	v0 =	vmax.f32 v0, v32;
	v1 =	vadd.f32 v34, v1  }
0x10c: {  	v39 =	vmul.f32 v36, v36;
	v0 =	vmax.f32 v0, v34;
	v2 =	vadd.f32 v38, v2  }
0x10d: {  	v0 =	vmax.f32 v0, v36;
	v1 =	vadd.f32 v36, v1  }
0x10e: {  	[tilespmem:s30+$0x142C0] =	vst v0;
	v2 =	vadd.f32 v39, v2  }
0x10f: {  	[tilespmem:s30+$0x152C0] =	vst v1  }
0x110: {  	[tilespmem:s30+$0x162C0] =	vst v2  }
0x111: {  	v0 =	vld [tilespmem:s29+$0xFFFFFB50]  }
0x112: {  	v1 =	vld [tilespmem:s29+$0xFFFFFBD0];
	_ =	sdelay $0x1  }
0x113: {  	v2 =	vld [tilespmem:s29+$0xFFFFFC50];
	_ =	sdelay $0x1  }
0x114: {  	v40 =	vld [tilespmem:s29+$0xFFFFFCD0]  }
0x115: {  	v41 =	vmul.f32 v0, v0;
	v42 =	vmul.f32 v1, v1  }
0x116: {  	v44 =	vld [tilespmem:s29+$0xFFFFFD50];
	v43 =	vadd.f32 v1, v0  }
0x117: {  	v45 =	vmul.f32 v2, v2;
	v4 =	vadd.f32 v42, v41  }
0x118: {  	v46 =	vld [tilespmem:s29+$0xFFFFFDD0];
	v6 =	vadd.f32 v2, v43  }
0x119: {  	v47 =	vmul.f32 v40, v40;
	v4 =	vadd.f32 v45, v4  }
0x11a: {  	v48 =	vld [tilespmem:s29+$0xFFFFFE50];
	v6 =	vadd.f32 v40, v6  }
0x11b: {  	v49 =	vmul.f32 v44, v44;
	v4 =	vadd.f32 v47, v4  }
0x11c: {  	v50 =	vld [tilespmem:s29+$0xFFFFFED0];
	v6 =	vadd.f32 v44, v6  }
0x11d: {  	v51 =	vmul.f32 v46, v46;
	v4 =	vadd.f32 v49, v4  }
0x11e: {  	v52 =	vld [tilespmem:s29+$0xFFFFFF50];
	v6 =	vadd.f32 v46, v6  }
0x11f: {  	v53 =	vmul.f32 v48, v48;
	v4 =	vadd.f32 v51, v4  }
0x120: {  	v54 =	vld [tilespmem:s29+$0xFFFFFFD0];
	v6 =	vadd.f32 v48, v6  }
0x121: {  	v55 =	vmul.f32 v50, v50;
	v4 =	vadd.f32 v53, v4  }
0x122: {  	v56 =	vld [tilespmem:s29+$0x50];
	v6 =	vadd.f32 v50, v6  }
0x123: {  	v57 =	vmul.f32 v52, v52;
	v4 =	vadd.f32 v55, v4  }
0x124: {  	v58 =	vld [tilespmem:s29+$0xD0];
	v6 =	vadd.f32 v52, v6  }
0x125: {  	v59 =	vmul.f32 v54, v54;
	v4 =	vadd.f32 v57, v4  }
0x126: {  	v60 =	vld [tilespmem:s29+$0x150];
	v6 =	vadd.f32 v54, v6  }
0x127: {  	v61 =	vmul.f32 v56, v56;
	v4 =	vadd.f32 v59, v4  }
0x128: {  	v63 =	vld [tilespmem:s29+$0x1D0];
	v0 =	vmax.f32 v0, v1;
	v62 =	vadd.f32 v56, v6  }
0x129: {  	v17 =	vmul.f32 v58, v58;
	v0 =	vmax.f32 v0, v2;
	v16 =	vadd.f32 v61, v4  }
0x12a: {  	v18 =	vld [tilespmem:s29+$0x250];
	v0 =	vmax.f32 v0, v40;
	v1 =	vadd.f32 v58, v62  }
0x12b: {  	v19 =	vmul.f32 v60, v60;
	v0 =	vmax.f32 v0, v44;
	v2 =	vadd.f32 v17, v16  }
0x12c: {  	v20 =	vld [tilespmem:s29+$0x2D0];
	v0 =	vmax.f32 v0, v46;
	v1 =	vadd.f32 v60, v1  }
0x12d: {  	v21 =	vmul.f32 v63, v63;
	v0 =	vmax.f32 v0, v48;
	v2 =	vadd.f32 v19, v2  }
0x12e: {  	v22 =	vld [tilespmem:s29+$0x350];
	v0 =	vmax.f32 v0, v50;
	v1 =	vadd.f32 v63, v1  }
0x12f: {  	v23 =	vmul.f32 v18, v18;
	v0 =	vmax.f32 v0, v52;
	v2 =	vadd.f32 v21, v2  }
0x130: {  	v24 =	vld [tilespmem:s29+$0x3D0];
	v0 =	vmax.f32 v0, v54;
	v1 =	vadd.f32 v18, v1  }
0x131: {  	v25 =	vmul.f32 v20, v20;
	v0 =	vmax.f32 v0, v56;
	v2 =	vadd.f32 v23, v2  }
0x132: {  	v26 =	vld [tilespmem:s29+$0x450];
	v0 =	vmax.f32 v0, v58;
	v1 =	vadd.f32 v20, v1  }
0x133: {  	v27 =	vmul.f32 v22, v22;
	v0 =	vmax.f32 v0, v60;
	v2 =	vadd.f32 v25, v2  }
0x134: {  	v28 =	vld [tilespmem:s29+$0x4D0];
	v0 =	vmax.f32 v0, v63;
	v1 =	vadd.f32 v22, v1  }
0x135: {  	v29 =	vmul.f32 v24, v24;
	v0 =	vmax.f32 v0, v18;
	v2 =	vadd.f32 v27, v2  }
0x136: {  	v0 =	vmax.f32 v0, v20;
	v1 =	vadd.f32 v24, v1  }
0x137: {  	v30 =	vmul.f32 v26, v26;
	v0 =	vmax.f32 v0, v22;
	v2 =	vadd.f32 v29, v2  }
0x138: {  	v0 =	vmax.f32 v0, v24;
	v1 =	vadd.f32 v26, v1  }
0x139: {  	v31 =	vmul.f32 v28, v28;
	v0 =	vmax.f32 v0, v26;
	v2 =	vadd.f32 v30, v2  }
0x13a: {  	v0 =	vmax.f32 v0, v28;
	v1 =	vadd.f32 v28, v1  }
0x13b: {  	[tilespmem:s30+$0x142D0] =	vst v0;
	v2 =	vadd.f32 v31, v2  }
0x13c: {  	[tilespmem:s30+$0x152D0] =	vst v1  }
0x13d: {  	[tilespmem:s30+$0x162D0] =	vst v2  }
0x13e: {  	v0 =	vld [tilespmem:s29+$0xFFFFFB60]  }
0x13f: {  	v1 =	vld [tilespmem:s29+$0xFFFFFBE0];
	_ =	sdelay $0x1  }
0x140: {  	v2 =	vld [tilespmem:s29+$0xFFFFFC60];
	_ =	sdelay $0x1  }
0x141: {  	v32 =	vld [tilespmem:s29+$0xFFFFFCE0]  }
0x142: {  	v33 =	vmul.f32 v0, v0;
	v34 =	vmul.f32 v1, v1  }
0x143: {  	v36 =	vld [tilespmem:s29+$0xFFFFFD60];
	v35 =	vadd.f32 v1, v0  }
0x144: {  	v37 =	vmul.f32 v2, v2;
	v4 =	vadd.f32 v34, v33  }
0x145: {  	v38 =	vld [tilespmem:s29+$0xFFFFFDE0];
	v6 =	vadd.f32 v2, v35  }
0x146: {  	v39 =	vmul.f32 v32, v32;
	v4 =	vadd.f32 v37, v4  }
0x147: {  	v40 =	vld [tilespmem:s29+$0xFFFFFE60];
	v6 =	vadd.f32 v32, v6  }
0x148: {  	v41 =	vmul.f32 v36, v36;
	v4 =	vadd.f32 v39, v4  }
0x149: {  	v42 =	vld [tilespmem:s29+$0xFFFFFEE0];
	v6 =	vadd.f32 v36, v6  }
0x14a: {  	v43 =	vmul.f32 v38, v38;
	v4 =	vadd.f32 v41, v4  }
0x14b: {  	v44 =	vld [tilespmem:s29+$0xFFFFFF60];
	v6 =	vadd.f32 v38, v6  }
0x14c: {  	v45 =	vmul.f32 v40, v40;
	v4 =	vadd.f32 v43, v4  }
0x14d: {  	v46 =	vld [tilespmem:s29+$0xFFFFFFE0];
	v6 =	vadd.f32 v40, v6  }
0x14e: {  	v47 =	vmul.f32 v42, v42;
	v4 =	vadd.f32 v45, v4  }
0x14f: {  	v48 =	vld [tilespmem:s29+$0x60];
	v6 =	vadd.f32 v42, v6  }
0x150: {  	v49 =	vmul.f32 v44, v44;
	v4 =	vadd.f32 v47, v4  }
0x151: {  	v50 =	vld [tilespmem:s29+$0xE0];
	v6 =	vadd.f32 v44, v6  }
0x152: {  	v51 =	vmul.f32 v46, v46;
	v4 =	vadd.f32 v49, v4  }
0x153: {  	v52 =	vld [tilespmem:s29+$0x160];
	v6 =	vadd.f32 v46, v6  }
0x154: {  	v53 =	vmul.f32 v48, v48;
	v4 =	vadd.f32 v51, v4  }
0x155: {  	v55 =	vld [tilespmem:s29+$0x1E0];
	v0 =	vmax.f32 v0, v1;
	v54 =	vadd.f32 v48, v6  }
0x156: {  	v57 =	vmul.f32 v50, v50;
	v0 =	vmax.f32 v0, v2;
	v56 =	vadd.f32 v53, v4  }
0x157: {  	v58 =	vld [tilespmem:s29+$0x260];
	v0 =	vmax.f32 v0, v32;
	v1 =	vadd.f32 v50, v54  }
0x158: {  	v59 =	vmul.f32 v52, v52;
	v0 =	vmax.f32 v0, v36;
	v2 =	vadd.f32 v57, v56  }
0x159: {  	v60 =	vld [tilespmem:s29+$0x2E0];
	v0 =	vmax.f32 v0, v38;
	v1 =	vadd.f32 v52, v1  }
0x15a: {  	v61 =	vmul.f32 v55, v55;
	v0 =	vmax.f32 v0, v40;
	v2 =	vadd.f32 v59, v2  }
0x15b: {  	v62 =	vld [tilespmem:s29+$0x360];
	v0 =	vmax.f32 v0, v42;
	v1 =	vadd.f32 v55, v1  }
0x15c: {  	v63 =	vmul.f32 v58, v58;
	v0 =	vmax.f32 v0, v44;
	v2 =	vadd.f32 v61, v2  }
0x15d: {  	v16 =	vld [tilespmem:s29+$0x3E0];
	v0 =	vmax.f32 v0, v46;
	v1 =	vadd.f32 v58, v1  }
0x15e: {  	v17 =	vmul.f32 v60, v60;
	v0 =	vmax.f32 v0, v48;
	v2 =	vadd.f32 v63, v2  }
0x15f: {  	v18 =	vld [tilespmem:s29+$0x460];
	v0 =	vmax.f32 v0, v50;
	v1 =	vadd.f32 v60, v1  }
0x160: {  	v19 =	vmul.f32 v62, v62;
	v0 =	vmax.f32 v0, v52;
	v2 =	vadd.f32 v17, v2  }
0x161: {  	v20 =	vld [tilespmem:s29+$0x4E0];
	v0 =	vmax.f32 v0, v55;
	v1 =	vadd.f32 v62, v1  }
0x162: {  	v21 =	vmul.f32 v16, v16;
	v0 =	vmax.f32 v0, v58;
	v2 =	vadd.f32 v19, v2  }
0x163: {  	v0 =	vmax.f32 v0, v60;
	v1 =	vadd.f32 v16, v1  }
0x164: {  	v22 =	vmul.f32 v18, v18;
	v0 =	vmax.f32 v0, v62;
	v2 =	vadd.f32 v21, v2  }
0x165: {  	v0 =	vmax.f32 v0, v16;
	v1 =	vadd.f32 v18, v1  }
0x166: {  	v23 =	vmul.f32 v20, v20;
	v0 =	vmax.f32 v0, v18;
	v2 =	vadd.f32 v22, v2  }
0x167: {  	v0 =	vmax.f32 v0, v20;
	v1 =	vadd.f32 v20, v1  }
0x168: {  	[tilespmem:s30+$0x142E0] =	vst v0;
	v2 =	vadd.f32 v23, v2  }
0x169: {  	[tilespmem:s30+$0x152E0] =	vst v1  }
0x16a: {  	[tilespmem:s30+$0x162E0] =	vst v2  }
0x16b: {  	v0 =	vld [tilespmem:s29+$0xFFFFFB70]  }
0x16c: {  	v1 =	vld [tilespmem:s29+$0xFFFFFBF0];
	_ =	sdelay $0x1  }
0x16d: {  	v2 =	vld [tilespmem:s29+$0xFFFFFC70];
	_ =	sdelay $0x1  }
0x16e: {  	v24 =	vld [tilespmem:s29+$0xFFFFFCF0]  }
0x16f: {  	v25 =	vmul.f32 v0, v0;
	v26 =	vmul.f32 v1, v1  }
0x170: {  	v28 =	vld [tilespmem:s29+$0xFFFFFD70];
	v27 =	vadd.f32 v1, v0  }
0x171: {  	v29 =	vmul.f32 v2, v2;
	v4 =	vadd.f32 v26, v25  }
0x172: {  	v30 =	vld [tilespmem:s29+$0xFFFFFDF0];
	v6 =	vadd.f32 v2, v27  }
0x173: {  	v31 =	vmul.f32 v24, v24;
	v4 =	vadd.f32 v29, v4  }
0x174: {  	v32 =	vld [tilespmem:s29+$0xFFFFFE70];
	v6 =	vadd.f32 v24, v6  }
0x175: {  	v33 =	vmul.f32 v28, v28;
	v4 =	vadd.f32 v31, v4  }
0x176: {  	v34 =	vld [tilespmem:s29+$0xFFFFFEF0];
	v6 =	vadd.f32 v28, v6  }
0x177: {  	v35 =	vmul.f32 v30, v30;
	v4 =	vadd.f32 v33, v4  }
0x178: {  	v36 =	vld [tilespmem:s29+$0xFFFFFF70];
	v6 =	vadd.f32 v30, v6  }
0x179: {  	v37 =	vmul.f32 v32, v32;
	v4 =	vadd.f32 v35, v4  }
0x17a: {  	v38 =	vld [tilespmem:s29+$0xFFFFFFF0];
	v6 =	vadd.f32 v32, v6  }
0x17b: {  	v39 =	vmul.f32 v34, v34;
	v4 =	vadd.f32 v37, v4  }
0x17c: {  	v40 =	vld [tilespmem:s29+$0x70];
	v6 =	vadd.f32 v34, v6  }
0x17d: {  	v41 =	vmul.f32 v36, v36;
	v4 =	vadd.f32 v39, v4  }
0x17e: {  	v42 =	vld [tilespmem:s29+$0xF0];
	v6 =	vadd.f32 v36, v6  }
0x17f: {  	v43 =	vmul.f32 v38, v38;
	v4 =	vadd.f32 v41, v4  }
0x180: {  	v44 =	vld [tilespmem:s29+$0x170];
	v6 =	vadd.f32 v38, v6  }
0x181: {  	v45 =	vmul.f32 v40, v40;
	v4 =	vadd.f32 v43, v4  }
0x182: {  	v47 =	vld [tilespmem:s29+$0x1F0];
	v0 =	vmax.f32 v0, v1;
	v46 =	vadd.f32 v40, v6  }
0x183: {  	v49 =	vmul.f32 v42, v42;
	v0 =	vmax.f32 v0, v2;
	v48 =	vadd.f32 v45, v4  }
0x184: {  	v50 =	vld [tilespmem:s29+$0x270];
	v0 =	vmax.f32 v0, v24;
	v1 =	vadd.f32 v42, v46  }
0x185: {  	v51 =	vmul.f32 v44, v44;
	v0 =	vmax.f32 v0, v28;
	v2 =	vadd.f32 v49, v48  }
0x186: {  	v52 =	vld [tilespmem:s29+$0x2F0];
	v0 =	vmax.f32 v0, v30;
	v1 =	vadd.f32 v44, v1  }
0x187: {  	v53 =	vmul.f32 v47, v47;
	v0 =	vmax.f32 v0, v32;
	v2 =	vadd.f32 v51, v2  }
0x188: {  	v54 =	vld [tilespmem:s29+$0x370];
	v0 =	vmax.f32 v0, v34;
	v1 =	vadd.f32 v47, v1  }
0x189: {  	v55 =	vmul.f32 v50, v50;
	v0 =	vmax.f32 v0, v36;
	v2 =	vadd.f32 v53, v2  }
0x18a: {  	v56 =	vld [tilespmem:s29+$0x3F0];
	v0 =	vmax.f32 v0, v38;
	v1 =	vadd.f32 v50, v1  }
0x18b: {  	v57 =	vmul.f32 v52, v52;
	v0 =	vmax.f32 v0, v40;
	v2 =	vadd.f32 v55, v2  }
0x18c: {  	v58 =	vld [tilespmem:s29+$0x470];
	v0 =	vmax.f32 v0, v42;
	v1 =	vadd.f32 v52, v1  }
0x18d: {  	v59 =	vmul.f32 v54, v54;
	v0 =	vmax.f32 v0, v44;
	v2 =	vadd.f32 v57, v2  }
0x18e: {  	v60 =	vld [tilespmem:s29+$0x4F0];
	v0 =	vmax.f32 v0, v47;
	v1 =	vadd.f32 v54, v1  }
0x18f: {  	v61 =	vmul.f32 v56, v56;
	v0 =	vmax.f32 v0, v50;
	v2 =	vadd.f32 v59, v2  }
0x190: {  	v0 =	vmax.f32 v0, v52;
	v1 =	vadd.f32 v56, v1  }
0x191: {  	v62 =	vmul.f32 v58, v58;
	v0 =	vmax.f32 v0, v54;
	v2 =	vadd.f32 v61, v2  }
0x192: {  	p0 =	sne.s32 s28, $0x3E00;
	v0 =	vmax.f32 v0, v56;
	v1 =	vadd.f32 v58, v1  }
.Ltmp0:
0x193: {  	v63 =	vmul.f32 v60, v60;
	v0 =	vmax.f32 v0, v58;
	v2 =	vadd.f32 v62, v2;
	(pc) =	sbr.rel @p0 .LBB2_3-.Ltmp0, $4  }
0x194: {  	v0 =	vmax.f32 v0, v60;
	v1 =	vadd.f32 v60, v1  }
0x195: {  	[tilespmem:s30+$0x142F0] =	vst v0;
	v2 =	vadd.f32 v63, v2  }
0x196: {  	[tilespmem:s30+$0x152F0] =	vst v1  }
0x197: {  	s28 =	sadd.s32 $0x200, s28;
	s29 =	sadd.s32 $0xA00, s29;
	[tilespmem:s30+$0x162F0] =	vst v2  }
0x198: {  	s26 =	sshll.u32 s26, $0x4  }
0x199: {  	s28 =	sadd.s32 s5, s26  }
0x19a: {  	[hbm4b:s28+s2] =	stream.linear.scatter [tilespmem:s21], [sflag:$0x2], $0x1000, $0x38;
	[tilespmem:$0x17280] =	vst v63  }
0x19b: {  	_ =	swait.ge [sflag:s10], $0x1000  }
0x19c: {  	[sflag:s10] =	ssyncset.done $0x0  }
0x19d: {  	s31 =	sadd.s32 s6, s26;
	[sflag:s10] =	ssyncadd.s32 $0xFFFFF000  }
0x19e: {  	[hbm4b:s31+s2] =	stream.linear.scatter [tilespmem:s22], [sflag:$0x2], $0x1000, $0x38;
	[tilespmem:$0x17280] =	vst v63  }
0x19f: {  	s25 =	sadd.s32 $0x1, s25;
	_ =	swait.ge [sflag:s10], $0x1000  }
0x1a0: {  	p0 =	sne.s32 s25, $0xA;
	[sflag:s10] =	ssyncset.done $0x0  }
.Ltmp1:
0x1a1: {  	s26 =	sadd.s32 s7, s26;
	[sflag:s10] =	ssyncadd.s32 $0xFFFFF000;
	(pc) =	sbr.rel @p0 .LBB2_2-.Ltmp1, $4  }
0x1a2: {  	[hbm4b:s26+s2] =	stream.linear.scatter [tilespmem:s23], [sflag:$0x2], $0x1000, $0x38;
	[tilespmem:$0x17280] =	vst v63  }
0x1a3: {  	_ =	swait.ge [sflag:s10], $0x1000  }
0x1a4: {  	[sflag:s10] =	ssyncset.done $0x0  }
0x1a5: {  	[sflag:s10] =	ssyncadd.s32 $0xFFFFF000  }
0x1a6: {  	s24 =	sadd.s32 $0x1, s24  }
0x1a7: {  	p0 =	sne.s32 s24, s9  }
.Ltmp2:
0x1a8: {  	_ = 	snop;
	(pc) =	sbr.rel @p0 .LBB2_1-.Ltmp2, $1  }
0x1a9: {  	_ =	sdelay $0x3  }
0x1aa: {  	_ =	sfence.sel $0x180000  }
0x1ab: {  	[bflag:$0x0] =	sbarrier.arrive $0xFFFF  }
0x1ac: {  	p0 =	sne.s32 s3, $0x0;
	_ =	strace $0x90000047  }
0x1ad: {  	s0 =	sadd.s32 @!p0 $0x100000, s0;
	[bflag:$0x2] =	sbarrier.arrive $0xFFFF  }
0x1ae: {  	[sflag:s0] =	ssyncadd.tile.s32 @!p0 $0x1;
	_ =	shalt  }
.Lfunc_end2:
_tile_overlayer_lowered:
.L_overlay_start_2:
0x1af: {  	(tag) =	ssettag $0x2  }
0x1b0: {  	s0 =	rddreg [dreg:$0x0];
	s2 =	stileid.u32  }
0x1b1: {  	s1 =	rddreg [dreg:$0x1];
	p0 =	sne.s32 s2, $0x0  }
0x1b2: {  	s3 =	rddreg [dreg:$0x2];
	[bflag:$0x3] =	sbarrier.arrive $0xFFFF;
	s2 =	simm.s32 @!p0 $0x1C02  }
0x1b3: {  	[timem:s3], [sflag:s2] =	dma.local @!p0 [hbm:s0], s1  }
0x1b4: {  	s0 =	simm.s32 @!p0 $0x2  }
0x1b5: {  	_ =	swait.ge @!p0 [sflag:s0], s1  }
0x1b6: {  	s1 =	ssub.s32 @!p0 $0x0, s1;
	[sflag:s0] =	ssyncset.done @!p0 $0x0  }
0x1b7: {  	[sflag:s0] =	ssyncadd.s32 @!p0 s1  }
0x1b8: {  	[bflag:$0x3] =	sbarrier.arrive $0xFFFF  }
0x1b9: {  	_ =	shalt  }

</sc_bundles>
